<compile_context>
chip_gen: v7x
topology: tpu7x:2x2x1
jax: 0.10.2.dev20260603
libtpu: 0.0.44.dev20260713+nightly
codegen_flags: <defaults>
</compile_context>

<pallas_src>
import functools

import jax
import jax.numpy as jnp
import numpy as np
from jax import lax
from jax.experimental import pallas as pl
from jax.experimental.pallas import tpu as pltpu
from jax.experimental.pallas import tpu_sc as plsc

_SHIFT = 8192
_SOURCES = 2
_BATCH = 16
_LENGTH = 163840
_CHANNELS = 2
_OUT_LEN = _LENGTH - _SHIFT

_NC = 2
_NS = 16
_NW = _NC * _NS

_LANES = 128
_IN_T = _LENGTH // _LANES
_OUT_T = _OUT_LEN // _LANES
_IN_R = 2 * _IN_T
_OUT_R = 2 * _OUT_T
_CTILES = 76
_CROWS = 2 * _CTILES
_CHUNK = _CROWS * _LANES
_NCHUNK = _OUT_T // _CTILES
_IBROWS = _CROWS + 16



def _rotl(x, d):
    return ((x << np.uint32(d)) | (x >> np.uint32(32 - d))).astype(np.uint32)


def _threefry2x32_pair(key, x0, x1):
    x0 = x0.astype(np.uint32).copy()
    x1 = x1.astype(np.uint32).copy()
    ks = [np.uint32(key[0]), np.uint32(key[1])]
    ks.append(np.uint32(ks[0] ^ ks[1] ^ np.uint32(0x1BD11BDA)))
    x0 = (x0 + ks[0]).astype(np.uint32)
    x1 = (x1 + ks[1]).astype(np.uint32)
    rotations = [[13, 15, 26, 6], [17, 29, 16, 24]]
    for i in range(5):
        for r in rotations[i % 2]:
            x0 = (x0 + x1).astype(np.uint32)
            x1 = _rotl(x1, r)
            x1 = x1 ^ x0
        x0 = (x0 + ks[(i + 1) % 3]).astype(np.uint32)
        x1 = (x1 + ks[(i + 2) % 3] + np.uint32(i + 1)).astype(np.uint32)
    return x0, x1


def _get_offsets() -> np.ndarray:
    key = np.array([0, 42], dtype=np.uint32)
    b1, b2 = _threefry2x32_pair(
        key, np.zeros(2, np.uint32), np.arange(2, dtype=np.uint32)
    )
    k2 = np.array([b1[1], b2[1]], dtype=np.uint32)
    c1, c2 = _threefry2x32_pair(
        k2, np.zeros(32, np.uint32), np.arange(32, dtype=np.uint32)
    )
    bits = (c1 ^ c2).reshape(_SOURCES, _BATCH)
    return (bits % np.uint32(_SHIFT)).astype(np.int32)


def _select_const(wid, values):
    acc = jnp.int32(values[0])
    for w in range(1, len(values)):
        acc = lax.select(wid == w, jnp.int32(values[w]), acc)
    return acc


def _make_shift_kernel(offs):
    mesh = plsc.VectorSubcoreMesh(
        core_axis_name="c", subcore_axis_name="s", num_cores=_NC
    )
    scratch = [
        pltpu.VMEM((_IBROWS, _LANES), jnp.float32),
        pltpu.VMEM((_IBROWS, _LANES), jnp.float32),
        pltpu.VMEM((_CROWS, _LANES), jnp.float32),
        pltpu.VMEM((_CROWS, _LANES), jnp.float32),
    ]
    scratch += [pltpu.SemaphoreType.DMA] * 4

    arows = [
        w * _IN_R + 2 * ((o // _LANES) - (o // _LANES) % 4)
        for w, o in enumerate(offs)
    ]
    mqs = [(o // _LANES) % 4 for o in offs]
    rs = [o % _LANES for o in offs]

    @functools.partial(
        pl.kernel,
        out_type=jax.ShapeDtypeStruct((_NW * _OUT_R, _LANES), jnp.float32),
        mesh=mesh,
        scratch_types=scratch,
        compiler_params=pltpu.CompilerParams(needs_layout_passes=False),
    )
    def shift_kernel(wav_hbm, out_hbm, ib0, ib1, ob0, ob1, si0, si1, so0, so1):
        wav2d = wav_hbm
        out2d = out_hbm
        ibufs, obufs = [ib0, ib1], [ob0, ob1]
        in_sems, out_sems = [si0, si1], [so0, so1]
        wid = lax.axis_index("s") * _NC + lax.axis_index("c")
        arow = pl.multiple_of(_select_const(wid, arows), 8)
        obrow = pl.multiple_of(wid * _OUT_R, 8)
        mq = _select_const(wid, mqs)
        r = _select_const(wid, rs)
        lane = jnp.arange(16, dtype=jnp.int32)
        rvec = lane + r

        def in_copy(k):
            return pltpu.make_async_copy(
                wav2d.at[pl.ds(arow + k * _CROWS, _IBROWS), :],
                ibufs[k % 2],
                in_sems[k % 2],
            )

        def out_copy(k):
            return pltpu.make_async_copy(
                obufs[k % 2],
                out2d.at[pl.ds(obrow + k * _CROWS, _CROWS), :],
                out_sems[k % 2],
            )

        def shift_chunk(k):
            ib, ob = ibufs[k % 2], obufs[k % 2]

            @plsc.parallel_loop(0, _CHUNK // 16, unroll=16)
            def body(w):
                j = w >> 4
                c = (w >> 3) & 1
                svec = rvec + (w & 7) * 16
                carry = svec >> 7
                col = svec & 127
                row = (2 * (j + mq) + c) + (carry << 1)
                vec = plsc.load_gather(ib, [row, col])
                ob[w >> 3, pl.ds(pl.multiple_of((w & 7) * 16, 8), 16)] = vec

        in_copy(0).start()
        in_copy(1).start()
        for k in range(_NCHUNK):
            in_copy(k).wait()
            if k >= 2:
                out_copy(k - 2).wait()
            shift_chunk(k)
            out_copy(k).start()
            if k + 2 < _NCHUNK:
                in_copy(k + 2).start()
        out_copy(_NCHUNK - 2).wait()
        out_copy(_NCHUNK - 1).wait()

    return shift_kernel


def kernel(wav):
    offs_np = _get_offsets()
    offs = [int(offs_np[w // _BATCH, w % _BATCH]) for w in range(_NW)]
    wav2 = (
        wav.reshape(_SOURCES, _BATCH, _IN_T, _LANES, _CHANNELS)
        .transpose(0, 1, 2, 4, 3)
        .reshape(_NW * _IN_R, _LANES)
    )
    out2 = _make_shift_kernel(offs)(wav2)
    out = (
        out2.reshape(_SOURCES, _BATCH, _OUT_T, _CHANNELS, _LANES)
        .transpose(0, 1, 2, 4, 3)
        .reshape(_SOURCES, _BATCH, _OUT_LEN, _CHANNELS)
    )
    offsets = jnp.asarray(offs_np)
    return (out, offsets)

# --- scband reference (transcript-rebuilt; emitter-appended) ---
"""Pipeline reference for scband-shift-65403761983947 (READ-ONLY COPY).

The authoritative reference and input builder live on the scoring server;
editing this copy changes nothing except your own understanding.
"""

import jax, jax.numpy as jnp
import numpy as np

SHIFT = 8192
SAME = False


def setup_inputs(seed: int = 0) -> dict:
    key = jax.random.key(seed)
    wav = jax.random.normal(key, (2, 16, 163840, 2), dtype=jnp.float32)
    return {"wav": wav}


def reference(wav):
    # wav: [sources, batch, length, channels]
    sources, batch, length, channels = wav.shape
    out_len = length - SHIFT
    okey = jax.random.key(42)
    if SHIFT > 0:
        offsets = jax.random.randint(
            okey, (1 if SAME else sources, batch), 0, SHIFT, dtype=jnp.int32
        )
        offsets = jnp.tile(offsets, (sources if SAME else 1, 1))
        # indices: [sources, batch, out_len]
        indices = jnp.arange(out_len, dtype=jnp.int32)[None, None, :] + offsets[..., None]
        # batched gather along the length axis (batch_dims=2 equivalent)
        out = jnp.take_along_axis(wav, indices[..., None], axis=2)
    else:
        offsets = jnp.zeros((sources, batch), dtype=jnp.int32)
        out = wav
    return (out, offsets)

if __name__ == "__main__":
    import jax
    _d = setup_inputs()
    print(jax.jit(kernel)(*tuple(_d.values())))

</pallas_src>

<mosaic_0001>
#map = affine_map<(d0, d1) -> (0, 0)>
module attributes {stable_mosaic.version = 14 : i64} {
  func.func @shift_kernel(%arg0: i32, %arg1: i32, %arg2: memref<81920x128xf32, #tpu.memory_space<hbm>>, %arg3: memref<77824x128xf32, #tpu.memory_space<hbm>>, %arg4: memref<168x128xf32, #tpu.memory_space<vmem>>, %arg5: memref<168x128xf32, #tpu.memory_space<vmem>>, %arg6: memref<152x128xf32, #tpu.memory_space<vmem>>, %arg7: memref<152x128xf32, #tpu.memory_space<vmem>>, %arg8: memref<!tpu.dma_semaphore, #tpu.memory_space<semaphore_mem>>, %arg9: memref<!tpu.dma_semaphore, #tpu.memory_space<semaphore_mem>>, %arg10: memref<!tpu.dma_semaphore, #tpu.memory_space<semaphore_mem>>, %arg11: memref<!tpu.dma_semaphore, #tpu.memory_space<semaphore_mem>>) attributes {dimension_semantics = [#tpu.dimension_semantics<core_parallel>, #tpu.dimension_semantics<subcore_parallel>], iteration_bounds = array<i64: 2, 16>, scalar_prefetch = 0 : i64, scratch_operands = 8 : i64, tpu.core_type = #tpu.core_type<sc_vector_subcore>, window_params = [{transform_indices = #map}, {transform_indices = #map}]} {
    %mul3A = arith.constant 2 : i32
    %mul3A_0 = arith.muli %arg1, %mul3A : i32
    %add3A = arith.addi %mul3A_0, %arg0 : i32
    %eq3A = arith.constant 1 : i32
    %eq3A_1 = arith.cmpi eq, %add3A, %eq3A : i32
    %select_n3A = arith.constant 80 : i32
    %select_n3A_2 = arith.constant 2624 : i32
    %select_n3A_3 = arith.select %eq3A_1, %select_n3A_2, %select_n3A : i32
    %eq3A_4 = arith.constant 2 : i32
    %eq3A_5 = arith.cmpi eq, %add3A, %eq3A_4 : i32
    %select_n3A_6 = arith.constant 5136 : i32
    %select_n3A_7 = arith.select %eq3A_5, %select_n3A_6, %select_n3A_3 : i32
    %eq3A_8 = arith.constant 3 : i32
    %eq3A_9 = arith.cmpi eq, %add3A, %eq3A_8 : i32
    %select_n3A_10 = arith.constant 7792 : i32
    %select_n3A_11 = arith.select %eq3A_9, %select_n3A_10, %select_n3A_7 : i32
    %eq3A_12 = arith.constant 4 : i32
    %eq3A_13 = arith.cmpi eq, %add3A, %eq3A_12 : i32
    %select_n3A_14 = arith.constant 10248 : i32
    %select_n3A_15 = arith.select %eq3A_13, %select_n3A_14, %select_n3A_11 : i32
    %eq3A_16 = arith.constant 5 : i32
    %eq3A_17 = arith.cmpi eq, %add3A, %eq3A_16 : i32
    %select_n3A_18 = arith.constant 12912 : i32
    %select_n3A_19 = arith.select %eq3A_17, %select_n3A_18, %select_n3A_15 : i32
    %eq3A_20 = arith.constant 6 : i32
    %eq3A_21 = arith.cmpi eq, %add3A, %eq3A_20 : i32
    %select_n3A_22 = arith.constant 15392 : i32
    %select_n3A_23 = arith.select %eq3A_21, %select_n3A_22, %select_n3A_19 : i32
    %eq3A_24 = arith.constant 7 : i32
    %eq3A_25 = arith.cmpi eq, %add3A, %eq3A_24 : i32
    %select_n3A_26 = arith.constant 17952 : i32
    %select_n3A_27 = arith.select %eq3A_25, %select_n3A_26, %select_n3A_23 : i32
    %eq3A_28 = arith.constant 8 : i32
    %eq3A_29 = arith.cmpi eq, %add3A, %eq3A_28 : i32
    %select_n3A_30 = arith.constant 20576 : i32
    %select_n3A_31 = arith.select %eq3A_29, %select_n3A_30, %select_n3A_27 : i32
    %eq3A_32 = arith.constant 9 : i32
    %eq3A_33 = arith.cmpi eq, %add3A, %eq3A_32 : i32
    %select_n3A_34 = arith.constant 23120 : i32
    %select_n3A_35 = arith.select %eq3A_33, %select_n3A_34, %select_n3A_31 : i32
    %eq3A_36 = arith.constant 10 : i32
    %eq3A_37 = arith.cmpi eq, %add3A, %eq3A_36 : i32
    %select_n3A_38 = arith.constant 25608 : i32
    %select_n3A_39 = arith.select %eq3A_37, %select_n3A_38, %select_n3A_35 : i32
    %eq3A_40 = arith.constant 11 : i32
    %eq3A_41 = arith.cmpi eq, %add3A, %eq3A_40 : i32
    %select_n3A_42 = arith.constant 28248 : i32
    %select_n3A_43 = arith.select %eq3A_41, %select_n3A_42, %select_n3A_39 : i32
    %eq3A_44 = arith.constant 12 : i32
    %eq3A_45 = arith.cmpi eq, %add3A, %eq3A_44 : i32
    %select_n3A_46 = arith.constant 30832 : i32
    %select_n3A_47 = arith.select %eq3A_45, %select_n3A_46, %select_n3A_43 : i32
    %eq3A_48 = arith.constant 13 : i32
    %eq3A_49 = arith.cmpi eq, %add3A, %eq3A_48 : i32
    %select_n3A_50 = arith.constant 33280 : i32
    %select_n3A_51 = arith.select %eq3A_49, %select_n3A_50, %select_n3A_47 : i32
    %eq3A_52 = arith.constant 14 : i32
    %eq3A_53 = arith.cmpi eq, %add3A, %eq3A_52 : i32
    %select_n3A_54 = arith.constant 35960 : i32
    %select_n3A_55 = arith.select %eq3A_53, %select_n3A_54, %select_n3A_51 : i32
    %eq3A_56 = arith.constant 15 : i32
    %eq3A_57 = arith.cmpi eq, %add3A, %eq3A_56 : i32
    %select_n3A_58 = arith.constant 38424 : i32
    %select_n3A_59 = arith.select %eq3A_57, %select_n3A_58, %select_n3A_55 : i32
    %eq3A_60 = arith.constant 16 : i32
    %eq3A_61 = arith.cmpi eq, %add3A, %eq3A_60 : i32
    %select_n3A_62 = arith.constant 41048 : i32
    %select_n3A_63 = arith.select %eq3A_61, %select_n3A_62, %select_n3A_59 : i32
    %eq3A_64 = arith.constant 17 : i32
    %eq3A_65 = arith.cmpi eq, %add3A, %eq3A_64 : i32
    %select_n3A_66 = arith.constant 43592 : i32
    %select_n3A_67 = arith.select %eq3A_65, %select_n3A_66, %select_n3A_63 : i32
    %eq3A_68 = arith.constant 18 : i32
    %eq3A_69 = arith.cmpi eq, %add3A, %eq3A_68 : i32
    %select_n3A_70 = arith.constant 46120 : i32
    %select_n3A_71 = arith.select %eq3A_69, %select_n3A_70, %select_n3A_67 : i32
    %eq3A_72 = arith.constant 19 : i32
    %eq3A_73 = arith.cmpi eq, %add3A, %eq3A_72 : i32
    %select_n3A_74 = arith.constant 48648 : i32
    %select_n3A_75 = arith.select %eq3A_73, %select_n3A_74, %select_n3A_71 : i32
    %eq3A_76 = arith.constant 20 : i32
    %eq3A_77 = arith.cmpi eq, %add3A, %eq3A_76 : i32
    %select_n3A_78 = arith.constant 51256 : i32
    %select_n3A_79 = arith.select %eq3A_77, %select_n3A_78, %select_n3A_75 : i32
    %eq3A_80 = arith.constant 21 : i32
    %eq3A_81 = arith.cmpi eq, %add3A, %eq3A_80 : i32
    %select_n3A_82 = arith.constant 53768 : i32
    %select_n3A_83 = arith.select %eq3A_81, %select_n3A_82, %select_n3A_79 : i32
    %eq3A_84 = arith.constant 22 : i32
    %eq3A_85 = arith.cmpi eq, %add3A, %eq3A_84 : i32
    %select_n3A_86 = arith.constant 56352 : i32
    %select_n3A_87 = arith.select %eq3A_85, %select_n3A_86, %select_n3A_83 : i32
    %eq3A_88 = arith.constant 23 : i32
    %eq3A_89 = arith.cmpi eq, %add3A, %eq3A_88 : i32
    %select_n3A_90 = arith.constant 59000 : i32
    %select_n3A_91 = arith.select %eq3A_89, %select_n3A_90, %select_n3A_87 : i32
    %eq3A_92 = arith.constant 24 : i32
    %eq3A_93 = arith.cmpi eq, %add3A, %eq3A_92 : i32
    %select_n3A_94 = arith.constant 61488 : i32
    %select_n3A_95 = arith.select %eq3A_93, %select_n3A_94, %select_n3A_91 : i32
    %eq3A_96 = arith.constant 25 : i32
    %eq3A_97 = arith.cmpi eq, %add3A, %eq3A_96 : i32
    %select_n3A_98 = arith.constant 64024 : i32
    %select_n3A_99 = arith.select %eq3A_97, %select_n3A_98, %select_n3A_95 : i32
    %eq3A_100 = arith.constant 26 : i32
    %eq3A_101 = arith.cmpi eq, %add3A, %eq3A_100 : i32
    %select_n3A_102 = arith.constant 66664 : i32
    %select_n3A_103 = arith.select %eq3A_101, %select_n3A_102, %select_n3A_99 : i32
    %eq3A_104 = arith.constant 27 : i32
    %eq3A_105 = arith.cmpi eq, %add3A, %eq3A_104 : i32
    %select_n3A_106 = arith.constant 69128 : i32
    %select_n3A_107 = arith.select %eq3A_105, %select_n3A_106, %select_n3A_103 : i32
    %eq3A_108 = arith.constant 28 : i32
    %eq3A_109 = arith.cmpi eq, %add3A, %eq3A_108 : i32
    %select_n3A_110 = arith.constant 71776 : i32
    %select_n3A_111 = arith.select %eq3A_109, %select_n3A_110, %select_n3A_107 : i32
    %eq3A_112 = arith.constant 29 : i32
    %eq3A_113 = arith.cmpi eq, %add3A, %eq3A_112 : i32
    %select_n3A_114 = arith.constant 74288 : i32
    %select_n3A_115 = arith.select %eq3A_113, %select_n3A_114, %select_n3A_111 : i32
    %eq3A_116 = arith.constant 30 : i32
    %eq3A_117 = arith.cmpi eq, %add3A, %eq3A_116 : i32
    %select_n3A_118 = arith.constant 76896 : i32
    %select_n3A_119 = arith.select %eq3A_117, %select_n3A_118, %select_n3A_115 : i32
    %eq3A_120 = arith.constant 31 : i32
    %eq3A_121 = arith.cmpi eq, %add3A, %eq3A_120 : i32
    %select_n3A_122 = arith.constant 79368 : i32
    %select_n3A_123 = arith.select %eq3A_121, %select_n3A_122, %select_n3A_119 : i32
    %multiple_of3A = tpu.assume_multiple %select_n3A_123, 8 : i32
    %mul3A_124 = arith.constant 2432 : i32
    %mul3A_125 = arith.muli %add3A, %mul3A_124 : i32
    %multiple_of3A_126 = tpu.assume_multiple %mul3A_125, 8 : i32
    %eq3A_127 = arith.constant 1 : i32
    %eq3A_128 = arith.cmpi eq, %add3A, %eq3A_127 : i32
    %select_n3A_129 = arith.constant 1 : i32
    %select_n3A_130 = arith.constant 0 : i32
    %select_n3A_131 = arith.select %eq3A_128, %select_n3A_130, %select_n3A_129 : i32
    %eq3A_132 = arith.constant 2 : i32
    %eq3A_133 = arith.cmpi eq, %add3A, %eq3A_132 : i32
    %select_n3A_134 = arith.constant 1 : i32
    %select_n3A_135 = arith.select %eq3A_133, %select_n3A_134, %select_n3A_131 : i32
    %eq3A_136 = arith.constant 3 : i32
    %eq3A_137 = arith.cmpi eq, %add3A, %eq3A_136 : i32
    %select_n3A_138 = arith.constant 1 : i32
    %select_n3A_139 = arith.select %eq3A_137, %select_n3A_138, %select_n3A_135 : i32
    %eq3A_140 = arith.constant 4 : i32
    %eq3A_141 = arith.cmpi eq, %add3A, %eq3A_140 : i32
    %select_n3A_142 = arith.constant 1 : i32
    %select_n3A_143 = arith.select %eq3A_141, %select_n3A_142, %select_n3A_139 : i32
    %eq3A_144 = arith.constant 5 : i32
    %eq3A_145 = arith.cmpi eq, %add3A, %eq3A_144 : i32
    %select_n3A_146 = arith.constant 2 : i32
    %select_n3A_147 = arith.select %eq3A_145, %select_n3A_146, %select_n3A_143 : i32
    %eq3A_148 = arith.constant 6 : i32
    %eq3A_149 = arith.cmpi eq, %add3A, %eq3A_148 : i32
    %select_n3A_150 = arith.constant 3 : i32
    %select_n3A_151 = arith.select %eq3A_149, %select_n3A_150, %select_n3A_147 : i32
    %eq3A_152 = arith.constant 7 : i32
    %eq3A_153 = arith.cmpi eq, %add3A, %eq3A_152 : i32
    %select_n3A_154 = arith.constant 2 : i32
    %select_n3A_155 = arith.select %eq3A_153, %select_n3A_154, %select_n3A_151 : i32
    %eq3A_156 = arith.constant 8 : i32
    %eq3A_157 = arith.cmpi eq, %add3A, %eq3A_156 : i32
    %select_n3A_158 = arith.constant 0 : i32
    %select_n3A_159 = arith.select %eq3A_157, %select_n3A_158, %select_n3A_155 : i32
    %eq3A_160 = arith.constant 9 : i32
    %eq3A_161 = arith.cmpi eq, %add3A, %eq3A_160 : i32
    %select_n3A_162 = arith.constant 2 : i32
    %select_n3A_163 = arith.select %eq3A_161, %select_n3A_162, %select_n3A_159 : i32
    %eq3A_164 = arith.constant 10 : i32
    %eq3A_165 = arith.cmpi eq, %add3A, %eq3A_164 : i32
    %select_n3A_166 = arith.constant 0 : i32
    %select_n3A_167 = arith.select %eq3A_165, %select_n3A_166, %select_n3A_163 : i32
    %eq3A_168 = arith.constant 11 : i32
    %eq3A_169 = arith.cmpi eq, %add3A, %eq3A_168 : i32
    %select_n3A_170 = arith.constant 3 : i32
    %select_n3A_171 = arith.select %eq3A_169, %select_n3A_170, %select_n3A_167 : i32
    %eq3A_172 = arith.constant 12 : i32
    %eq3A_173 = arith.cmpi eq, %add3A, %eq3A_172 : i32
    %select_n3A_174 = arith.constant 3 : i32
    %select_n3A_175 = arith.select %eq3A_173, %select_n3A_174, %select_n3A_171 : i32
    %eq3A_176 = arith.constant 13 : i32
    %eq3A_177 = arith.cmpi eq, %add3A, %eq3A_176 : i32
    %select_n3A_178 = arith.constant 3 : i32
    %select_n3A_179 = arith.select %eq3A_177, %select_n3A_178, %select_n3A_175 : i32
    %eq3A_180 = arith.constant 14 : i32
    %eq3A_181 = arith.cmpi eq, %add3A, %eq3A_180 : i32
    %select_n3A_182 = arith.constant 3 : i32
    %select_n3A_183 = arith.select %eq3A_181, %select_n3A_182, %select_n3A_179 : i32
    %eq3A_184 = arith.constant 15 : i32
    %eq3A_185 = arith.cmpi eq, %add3A, %eq3A_184 : i32
    %select_n3A_186 = arith.constant 2 : i32
    %select_n3A_187 = arith.select %eq3A_185, %select_n3A_186, %select_n3A_183 : i32
    %eq3A_188 = arith.constant 16 : i32
    %eq3A_189 = arith.cmpi eq, %add3A, %eq3A_188 : i32
    %select_n3A_190 = arith.constant 0 : i32
    %select_n3A_191 = arith.select %eq3A_189, %select_n3A_190, %select_n3A_187 : i32
    %eq3A_192 = arith.constant 17 : i32
    %eq3A_193 = arith.cmpi eq, %add3A, %eq3A_192 : i32
    %select_n3A_194 = arith.constant 3 : i32
    %select_n3A_195 = arith.select %eq3A_193, %select_n3A_194, %select_n3A_191 : i32
    %eq3A_196 = arith.constant 18 : i32
    %eq3A_197 = arith.cmpi eq, %add3A, %eq3A_196 : i32
    %select_n3A_198 = arith.constant 2 : i32
    %select_n3A_199 = arith.select %eq3A_197, %select_n3A_198, %select_n3A_195 : i32
    %eq3A_200 = arith.constant 19 : i32
    %eq3A_201 = arith.cmpi eq, %add3A, %eq3A_200 : i32
    %select_n3A_202 = arith.constant 0 : i32
    %select_n3A_203 = arith.select %eq3A_201, %select_n3A_202, %select_n3A_199 : i32
    %eq3A_204 = arith.constant 20 : i32
    %eq3A_205 = arith.cmpi eq, %add3A, %eq3A_204 : i32
    %select_n3A_206 = arith.constant 0 : i32
    %select_n3A_207 = arith.select %eq3A_205, %select_n3A_206, %select_n3A_203 : i32
    %eq3A_208 = arith.constant 21 : i32
    %eq3A_209 = arith.cmpi eq, %add3A, %eq3A_208 : i32
    %select_n3A_210 = arith.constant 1 : i32
    %select_n3A_211 = arith.select %eq3A_209, %select_n3A_210, %select_n3A_207 : i32
    %eq3A_212 = arith.constant 22 : i32
    %eq3A_213 = arith.cmpi eq, %add3A, %eq3A_212 : i32
    %select_n3A_214 = arith.constant 2 : i32
    %select_n3A_215 = arith.select %eq3A_213, %select_n3A_214, %select_n3A_211 : i32
    %eq3A_216 = arith.constant 23 : i32
    %eq3A_217 = arith.cmpi eq, %add3A, %eq3A_216 : i32
    %select_n3A_218 = arith.constant 1 : i32
    %select_n3A_219 = arith.select %eq3A_217, %select_n3A_218, %select_n3A_215 : i32
    %eq3A_220 = arith.constant 24 : i32
    %eq3A_221 = arith.cmpi eq, %add3A, %eq3A_220 : i32
    %select_n3A_222 = arith.constant 0 : i32
    %select_n3A_223 = arith.select %eq3A_221, %select_n3A_222, %select_n3A_219 : i32
    %eq3A_224 = arith.constant 25 : i32
    %eq3A_225 = arith.cmpi eq, %add3A, %eq3A_224 : i32
    %select_n3A_226 = arith.constant 0 : i32
    %select_n3A_227 = arith.select %eq3A_225, %select_n3A_226, %select_n3A_223 : i32
    %eq3A_228 = arith.constant 26 : i32
    %eq3A_229 = arith.cmpi eq, %add3A, %eq3A_228 : i32
    %select_n3A_230 = arith.constant 3 : i32
    %select_n3A_231 = arith.select %eq3A_229, %select_n3A_230, %select_n3A_227 : i32
    %eq3A_232 = arith.constant 27 : i32
    %eq3A_233 = arith.cmpi eq, %add3A, %eq3A_232 : i32
    %select_n3A_234 = arith.constant 0 : i32
    %select_n3A_235 = arith.select %eq3A_233, %select_n3A_234, %select_n3A_231 : i32
    %eq3A_236 = arith.constant 28 : i32
    %eq3A_237 = arith.cmpi eq, %add3A, %eq3A_236 : i32
    %select_n3A_238 = arith.constant 2 : i32
    %select_n3A_239 = arith.select %eq3A_237, %select_n3A_238, %select_n3A_235 : i32
    %eq3A_240 = arith.constant 29 : i32
    %eq3A_241 = arith.cmpi eq, %add3A, %eq3A_240 : i32
    %select_n3A_242 = arith.constant 2 : i32
    %select_n3A_243 = arith.select %eq3A_241, %select_n3A_242, %select_n3A_239 : i32
    %eq3A_244 = arith.constant 30 : i32
    %eq3A_245 = arith.cmpi eq, %add3A, %eq3A_244 : i32
    %select_n3A_246 = arith.constant 2 : i32
    %select_n3A_247 = arith.select %eq3A_245, %select_n3A_246, %select_n3A_243 : i32
    %eq3A_248 = arith.constant 31 : i32
    %eq3A_249 = arith.cmpi eq, %add3A, %eq3A_248 : i32
    %select_n3A_250 = arith.constant 1 : i32
    %select_n3A_251 = arith.select %eq3A_249, %select_n3A_250, %select_n3A_247 : i32
    %eq3A_252 = arith.constant 1 : i32
    %eq3A_253 = arith.cmpi eq, %add3A, %eq3A_252 : i32
    %select_n3A_254 = arith.constant 68 : i32
    %select_n3A_255 = arith.constant 18 : i32
    %select_n3A_256 = arith.select %eq3A_253, %select_n3A_255, %select_n3A_254 : i32
    %eq3A_257 = arith.constant 2 : i32
    %eq3A_258 = arith.cmpi eq, %add3A, %eq3A_257 : i32
    %select_n3A_259 = arith.constant 55 : i32
    %select_n3A_260 = arith.select %eq3A_258, %select_n3A_259, %select_n3A_256 : i32
    %eq3A_261 = arith.constant 3 : i32
    %eq3A_262 = arith.cmpi eq, %add3A, %eq3A_261 : i32
    %select_n3A_263 = arith.constant 65 : i32
    %select_n3A_264 = arith.select %eq3A_262, %select_n3A_263, %select_n3A_260 : i32
    %eq3A_265 = arith.constant 4 : i32
    %eq3A_266 = arith.cmpi eq, %add3A, %eq3A_265 : i32
    %select_n3A_267 = arith.constant 13 : i32
    %select_n3A_268 = arith.select %eq3A_266, %select_n3A_267, %select_n3A_264 : i32
    %eq3A_269 = arith.constant 5 : i32
    %eq3A_270 = arith.cmpi eq, %add3A, %eq3A_269 : i32
    %select_n3A_271 = arith.constant 107 : i32
    %select_n3A_272 = arith.select %eq3A_270, %select_n3A_271, %select_n3A_268 : i32
    %eq3A_273 = arith.constant 6 : i32
    %eq3A_274 = arith.cmpi eq, %add3A, %eq3A_273 : i32
    %select_n3A_275 = arith.constant 1 : i32
    %select_n3A_276 = arith.select %eq3A_274, %select_n3A_275, %select_n3A_272 : i32
    %eq3A_277 = arith.constant 7 : i32
    %eq3A_278 = arith.cmpi eq, %add3A, %eq3A_277 : i32
    %select_n3A_279 = arith.constant 39 : i32
    %select_n3A_280 = arith.select %eq3A_278, %select_n3A_279, %select_n3A_276 : i32
    %eq3A_281 = arith.constant 8 : i32
    %eq3A_282 = arith.cmpi eq, %add3A, %eq3A_281 : i32
    %select_n3A_283 = arith.constant 6 : i32
    %select_n3A_284 = arith.select %eq3A_282, %select_n3A_283, %select_n3A_280 : i32
    %eq3A_285 = arith.constant 9 : i32
    %eq3A_286 = arith.cmpi eq, %add3A, %eq3A_285 : i32
    %select_n3A_287 = arith.constant 2 : i32
    %select_n3A_288 = arith.select %eq3A_286, %select_n3A_287, %select_n3A_284 : i32
    %eq3A_289 = arith.constant 10 : i32
    %eq3A_290 = arith.cmpi eq, %add3A, %eq3A_289 : i32
    %select_n3A_291 = arith.constant 40 : i32
    %select_n3A_292 = arith.select %eq3A_290, %select_n3A_291, %select_n3A_288 : i32
    %eq3A_293 = arith.constant 11 : i32
    %eq3A_294 = arith.cmpi eq, %add3A, %eq3A_293 : i32
    %select_n3A_295 = arith.constant 114 : i32
    %select_n3A_296 = arith.select %eq3A_294, %select_n3A_295, %select_n3A_292 : i32
    %eq3A_297 = arith.constant 12 : i32
    %eq3A_298 = arith.cmpi eq, %add3A, %eq3A_297 : i32
    %select_n3A_299 = arith.constant 25 : i32
    %select_n3A_300 = arith.select %eq3A_298, %select_n3A_299, %select_n3A_296 : i32
    %eq3A_301 = arith.constant 13 : i32
    %eq3A_302 = arith.cmpi eq, %add3A, %eq3A_301 : i32
    %select_n3A_303 = arith.constant 91 : i32
    %select_n3A_304 = arith.select %eq3A_302, %select_n3A_303, %select_n3A_300 : i32
    %eq3A_305 = arith.constant 14 : i32
    %eq3A_306 = arith.cmpi eq, %add3A, %eq3A_305 : i32
    %select_n3A_307 = arith.constant 76 : i32
    %select_n3A_308 = arith.select %eq3A_306, %select_n3A_307, %select_n3A_304 : i32
    %eq3A_309 = arith.constant 15 : i32
    %eq3A_310 = arith.cmpi eq, %add3A, %eq3A_309 : i32
    %select_n3A_311 = arith.constant 18 : i32
    %select_n3A_312 = arith.select %eq3A_310, %select_n3A_311, %select_n3A_308 : i32
    %eq3A_313 = arith.constant 16 : i32
    %eq3A_314 = arith.cmpi eq, %add3A, %eq3A_313 : i32
    %select_n3A_315 = arith.constant 75 : i32
    %select_n3A_316 = arith.select %eq3A_314, %select_n3A_315, %select_n3A_312 : i32
    %eq3A_317 = arith.constant 17 : i32
    %eq3A_318 = arith.cmpi eq, %add3A, %eq3A_317 : i32
    %select_n3A_319 = arith.constant 2 : i32
    %select_n3A_320 = arith.select %eq3A_318, %select_n3A_319, %select_n3A_316 : i32
    %eq3A_321 = arith.constant 18 : i32
    %eq3A_322 = arith.cmpi eq, %add3A, %eq3A_321 : i32
    %select_n3A_323 = arith.constant 67 : i32
    %select_n3A_324 = arith.select %eq3A_322, %select_n3A_323, %select_n3A_320 : i32
    %eq3A_325 = arith.constant 19 : i32
    %eq3A_326 = arith.cmpi eq, %add3A, %eq3A_325 : i32
    %select_n3A_327 = arith.constant 7 : i32
    %select_n3A_328 = arith.select %eq3A_326, %select_n3A_327, %select_n3A_324 : i32
    %eq3A_329 = arith.constant 20 : i32
    %eq3A_330 = arith.cmpi eq, %add3A, %eq3A_329 : i32
    %select_n3A_331 = arith.constant 54 : i32
    %select_n3A_332 = arith.select %eq3A_330, %select_n3A_331, %select_n3A_328 : i32
    %eq3A_333 = arith.constant 21 : i32
    %eq3A_334 = arith.cmpi eq, %add3A, %eq3A_333 : i32
    %select_n3A_335 = arith.constant 11 : i32
    %select_n3A_336 = arith.select %eq3A_334, %select_n3A_335, %select_n3A_332 : i32
    %eq3A_337 = arith.constant 22 : i32
    %eq3A_338 = arith.cmpi eq, %add3A, %eq3A_337 : i32
    %select_n3A_339 = arith.constant 12 : i32
    %select_n3A_340 = arith.select %eq3A_338, %select_n3A_339, %select_n3A_336 : i32
    %eq3A_341 = arith.constant 23 : i32
    %eq3A_342 = arith.cmpi eq, %add3A, %eq3A_341 : i32
    %select_n3A_343 = arith.constant 67 : i32
    %select_n3A_344 = arith.select %eq3A_342, %select_n3A_343, %select_n3A_340 : i32
    %eq3A_345 = arith.constant 24 : i32
    %eq3A_346 = arith.cmpi eq, %add3A, %eq3A_345 : i32
    %select_n3A_347 = arith.constant 108 : i32
    %select_n3A_348 = arith.select %eq3A_346, %select_n3A_347, %select_n3A_344 : i32
    %eq3A_349 = arith.constant 25 : i32
    %eq3A_350 = arith.cmpi eq, %add3A, %eq3A_349 : i32
    %select_n3A_351 = arith.constant 17 : i32
    %select_n3A_352 = arith.select %eq3A_350, %select_n3A_351, %select_n3A_348 : i32
    %eq3A_353 = arith.constant 26 : i32
    %eq3A_354 = arith.cmpi eq, %add3A, %eq3A_353 : i32
    %select_n3A_355 = arith.constant 112 : i32
    %select_n3A_356 = arith.select %eq3A_354, %select_n3A_355, %select_n3A_352 : i32
    %eq3A_357 = arith.constant 27 : i32
    %eq3A_358 = arith.cmpi eq, %add3A, %eq3A_357 : i32
    %select_n3A_359 = arith.constant 27 : i32
    %select_n3A_360 = arith.select %eq3A_358, %select_n3A_359, %select_n3A_356 : i32
    %eq3A_361 = arith.constant 28 : i32
    %eq3A_362 = arith.cmpi eq, %add3A, %eq3A_361 : i32
    %select_n3A_363 = arith.constant 28 : i32
    %select_n3A_364 = arith.select %eq3A_362, %select_n3A_363, %select_n3A_360 : i32
    %eq3A_365 = arith.constant 29 : i32
    %eq3A_366 = arith.cmpi eq, %add3A, %eq3A_365 : i32
    %select_n3A_367 = arith.constant 55 : i32
    %select_n3A_368 = arith.select %eq3A_366, %select_n3A_367, %select_n3A_364 : i32
    %eq3A_369 = arith.constant 30 : i32
    %eq3A_370 = arith.cmpi eq, %add3A, %eq3A_369 : i32
    %select_n3A_371 = arith.constant 5 : i32
    %select_n3A_372 = arith.select %eq3A_370, %select_n3A_371, %select_n3A_368 : i32
    %eq3A_373 = arith.constant 31 : i32
    %eq3A_374 = arith.cmpi eq, %add3A, %eq3A_373 : i32
    %select_n3A_375 = arith.constant 36 : i32
    %select_n3A_376 = arith.select %eq3A_374, %select_n3A_375, %select_n3A_372 : i32
    %iota3A = tpu.iota {dimensions = array<i32: 0>} : vector<16xi32>
    %add3A_377 = vector.broadcast %select_n3A_376 : i32 to vector<16xi32>
    %add3A_378 = arith.addi %iota3A, %add3A_377 : vector<16xi32>
    %add3A_379 = arith.constant 0 : i32
    %add3A_380 = arith.addi %multiple_of3A, %add3A_379 : i32
    %dma_start3A = arith.constant 0 : i32
    %dma_start3A_381 = tpu.memref_slice %arg2[%add3A_380, %dma_start3A] : memref<81920x128xf32, #tpu.memory_space<hbm>> -> memref<168x128xf32, #tpu.memory_space<hbm>>
    %dma_start3A_382 = arith.constant 0 : i32
    %dma_start3A_383 = tpu.memref_slice %arg2[%add3A_380, %dma_start3A_382] : memref<81920x128xf32, #tpu.memory_space<hbm>> -> memref<168x128xf32, #tpu.memory_space<hbm>>
    tpu.enqueue_dma source(%dma_start3A_383 : memref<168x128xf32, #tpu.memory_space<hbm>>) target(%arg4 : memref<168x128xf32, #tpu.memory_space<vmem>>) target_semaphore(%arg8 : memref<!tpu.dma_semaphore, #tpu.memory_space<semaphore_mem>>)
    %add3A_384 = arith.constant 152 : i32
    %add3A_385 = arith.addi %multiple_of3A, %add3A_384 : i32
    %dma_start3A_386 = arith.constant 0 : i32
    %dma_start3A_387 = tpu.memref_slice %arg2[%add3A_385, %dma_start3A_386] : memref<81920x128xf32, #tpu.memory_space<hbm>> -> memref<168x128xf32, #tpu.memory_space<hbm>>
    %dma_start3A_388 = arith.constant 0 : i32
    %dma_start3A_389 = tpu.memref_slice %arg2[%add3A_385, %dma_start3A_388] : memref<81920x128xf32, #tpu.memory_space<hbm>> -> memref<168x128xf32, #tpu.memory_space<hbm>>
    tpu.enqueue_dma source(%dma_start3A_389 : memref<168x128xf32, #tpu.memory_space<hbm>>) target(%arg5 : memref<168x128xf32, #tpu.memory_space<vmem>>) target_semaphore(%arg9 : memref<!tpu.dma_semaphore, #tpu.memory_space<semaphore_mem>>)
    %add3A_390 = arith.constant 0 : i32
    %add3A_391 = arith.addi %multiple_of3A, %add3A_390 : i32
    %dma_wait3A = arith.constant 0 : i32
    %dma_wait3A_392 = tpu.memref_slice %arg2[%add3A_391, %dma_wait3A] : memref<81920x128xf32, #tpu.memory_space<hbm>> -> memref<168x128xf32, #tpu.memory_space<hbm>>
    %dma_wait3A_393 = arith.constant 0 : i32
    %dma_wait3A_394 = tpu.memref_slice %arg2[%add3A_391, %dma_wait3A_393] : memref<81920x128xf32, #tpu.memory_space<hbm>> -> memref<168x128xf32, #tpu.memory_space<hbm>>
    tpu.wait_dma2 semaphore(%arg8 : memref<!tpu.dma_semaphore, #tpu.memory_space<semaphore_mem>>) src(%dma_wait3A_394 : memref<168x128xf32, #tpu.memory_space<hbm>>) dst(%arg4 : memref<168x128xf32, #tpu.memory_space<vmem>>)
    %parallel_loop3A = arith.constant 0 : i32
    %parallel_loop3A_395 = arith.constant 1216 : i32
    %parallel_loop3A_396 = arith.constant 1 : i32
    scf.for %parallel_loop3A_808 = %parallel_loop3A to %parallel_loop3A_395 step %parallel_loop3A_396  : i32 {
      %parallel_loop3A_809 = arith.constant 4 : i32
      %parallel_loop3A_810 = arith.shrsi %parallel_loop3A_808, %parallel_loop3A_809 : i32
      %parallel_loop3A_811 = arith.constant 3 : i32
      %parallel_loop3A_812 = arith.shrsi %parallel_loop3A_808, %parallel_loop3A_811 : i32
      %parallel_loop3A_813 = arith.constant 1 : i32
      %parallel_loop3A_814 = arith.andi %parallel_loop3A_812, %parallel_loop3A_813 : i32
      %parallel_loop3A_815 = arith.constant 7 : i32
      %parallel_loop3A_816 = arith.andi %parallel_loop3A_808, %parallel_loop3A_815 : i32
      %parallel_loop3A_817 = arith.constant 16 : i32
      %parallel_loop3A_818 = arith.muli %parallel_loop3A_816, %parallel_loop3A_817 : i32
      %parallel_loop3A_819 = vector.broadcast %parallel_loop3A_818 : i32 to vector<16xi32>
      %parallel_loop3A_820 = arith.addi %add3A_378, %parallel_loop3A_819 : vector<16xi32>
      %parallel_loop3A_821 = arith.constant 7 : i32
      %parallel_loop3A_822 = vector.broadcast %parallel_loop3A_821 : i32 to vector<16xi32>
      %parallel_loop3A_823 = arith.shrsi %parallel_loop3A_820, %parallel_loop3A_822 : vector<16xi32>
      %parallel_loop3A_824 = arith.constant 127 : i32
      %parallel_loop3A_825 = vector.broadcast %parallel_loop3A_824 : i32 to vector<16xi32>
      %parallel_loop3A_826 = arith.andi %parallel_loop3A_820, %parallel_loop3A_825 : vector<16xi32>
      %parallel_loop3A_827 = arith.addi %parallel_loop3A_810, %select_n3A_251 : i32
      %parallel_loop3A_828 = arith.constant 2 : i32
      %parallel_loop3A_829 = arith.muli %parallel_loop3A_828, %parallel_loop3A_827 : i32
      %parallel_loop3A_830 = arith.addi %parallel_loop3A_829, %parallel_loop3A_814 : i32
      %parallel_loop3A_831 = arith.constant 1 : i32
      %parallel_loop3A_832 = vector.broadcast %parallel_loop3A_831 : i32 to vector<16xi32>
      %parallel_loop3A_833 = arith.shli %parallel_loop3A_823, %parallel_loop3A_832 : vector<16xi32>
      %parallel_loop3A_834 = vector.broadcast %parallel_loop3A_830 : i32 to vector<16xi32>
      %parallel_loop3A_835 = arith.addi %parallel_loop3A_834, %parallel_loop3A_833 : vector<16xi32>
      %parallel_loop3A_836 = tpu.vector_load_idx %arg4[%parallel_loop3A_835, %parallel_loop3A_826] : memref<168x128xf32, #tpu.memory_space<vmem>>[vector<16xi32>, vector<16xi32>], vector<16xf32>,
      %parallel_loop3A_837 = arith.constant 3 : i32
      %parallel_loop3A_838 = arith.shrsi %parallel_loop3A_808, %parallel_loop3A_837 : i32
      %parallel_loop3A_839 = arith.constant 7 : i32
      %parallel_loop3A_840 = arith.andi %parallel_loop3A_808, %parallel_loop3A_839 : i32
      %parallel_loop3A_841 = arith.constant 16 : i32
      %parallel_loop3A_842 = arith.muli %parallel_loop3A_840, %parallel_loop3A_841 : i32
      %parallel_loop3A_843 = tpu.assume_multiple %parallel_loop3A_842, 8 : i32
      %parallel_loop3A_844 = arith.index_cast %parallel_loop3A_838 : i32 to index
      %parallel_loop3A_845 = arith.index_cast %parallel_loop3A_843 : i32 to index
      %parallel_loop3A_846 = tpu.vector_load %arg6[%parallel_loop3A_844, %parallel_loop3A_845] {strides = array<i32>} : memref<152x128xf32, #tpu.memory_space<vmem>>, vector<16xf32>,
      tpu.vector_store %arg6[%parallel_loop3A_844, %parallel_loop3A_845], %parallel_loop3A_836 {strides = array<i32>} : memref<152x128xf32, #tpu.memory_space<vmem>>, vector<16xf32>,
    } {sc.loop_unroll_factor = 16 : i64, sc.parallel_access}
    %add3A_397 = arith.constant 0 : i32
    %add3A_398 = arith.addi %multiple_of3A_126, %add3A_397 : i32
    %dma_start3A_399 = arith.constant 0 : i32
    %dma_start3A_400 = tpu.memref_slice %arg3[%add3A_398, %dma_start3A_399] : memref<77824x128xf32, #tpu.memory_space<hbm>> -> memref<152x128xf32, #tpu.memory_space<hbm>>
    %dma_start3A_401 = arith.constant 0 : i32
    %dma_start3A_402 = tpu.memref_slice %arg3[%add3A_398, %dma_start3A_401] : memref<77824x128xf32, #tpu.memory_space<hbm>> -> memref<152x128xf32, #tpu.memory_space<hbm>>
    tpu.enqueue_dma source(%arg6 : memref<152x128xf32, #tpu.memory_space<vmem>>) target(%dma_start3A_402 : memref<152x128xf32, #tpu.memory_space<hbm>>) target_semaphore(%arg10 : memref<!tpu.dma_semaphore, #tpu.memory_space<semaphore_mem>>)
    %add3A_403 = arith.constant 304 : i32
    %add3A_404 = arith.addi %multiple_of3A, %add3A_403 : i32
    %dma_start3A_405 = arith.constant 0 : i32
    %dma_start3A_406 = tpu.memref_slice %arg2[%add3A_404, %dma_start3A_405] : memref<81920x128xf32, #tpu.memory_space<hbm>> -> memref<168x128xf32, #tpu.memory_space<hbm>>
    %dma_start3A_407 = arith.constant 0 : i32
    %dma_start3A_408 = tpu.memref_slice %arg2[%add3A_404, %dma_start3A_407] : memref<81920x128xf32, #tpu.memory_space<hbm>> -> memref<168x128xf32, #tpu.memory_space<hbm>>
    tpu.enqueue_dma source(%dma_start3A_408 : memref<168x128xf32, #tpu.memory_space<hbm>>) target(%arg4 : memref<168x128xf32, #tpu.memory_space<vmem>>) target_semaphore(%arg8 : memref<!tpu.dma_semaphore, #tpu.memory_space<semaphore_mem>>)
    %add3A_409 = arith.constant 152 : i32
    %add3A_410 = arith.addi %multiple_of3A, %add3A_409 : i32
    %dma_wait3A_411 = arith.constant 0 : i32
    %dma_wait3A_412 = tpu.memref_slice %arg2[%add3A_410, %dma_wait3A_411] : memref<81920x128xf32, #tpu.memory_space<hbm>> -> memref<168x128xf32, #tpu.memory_space<hbm>>
    %dma_wait3A_413 = arith.constant 0 : i32
    %dma_wait3A_414 = tpu.memref_slice %arg2[%add3A_410, %dma_wait3A_413] : memref<81920x128xf32, #tpu.memory_space<hbm>> -> memref<168x128xf32, #tpu.memory_space<hbm>>
    tpu.wait_dma2 semaphore(%arg9 : memref<!tpu.dma_semaphore, #tpu.memory_space<semaphore_mem>>) src(%dma_wait3A_414 : memref<168x128xf32, #tpu.memory_space<hbm>>) dst(%arg5 : memref<168x128xf32, #tpu.memory_space<vmem>>)
    %parallel_loop3A_415 = arith.constant 0 : i32
    %parallel_loop3A_416 = arith.constant 1216 : i32
    %parallel_loop3A_417 = arith.constant 1 : i32
    scf.for %parallel_loop3A_808 = %parallel_loop3A_415 to %parallel_loop3A_416 step %parallel_loop3A_417  : i32 {
      %parallel_loop3A_809 = arith.constant 4 : i32
      %parallel_loop3A_810 = arith.shrsi %parallel_loop3A_808, %parallel_loop3A_809 : i32
      %parallel_loop3A_811 = arith.constant 3 : i32
      %parallel_loop3A_812 = arith.shrsi %parallel_loop3A_808, %parallel_loop3A_811 : i32
      %parallel_loop3A_813 = arith.constant 1 : i32
      %parallel_loop3A_814 = arith.andi %parallel_loop3A_812, %parallel_loop3A_813 : i32
      %parallel_loop3A_815 = arith.constant 7 : i32
      %parallel_loop3A_816 = arith.andi %parallel_loop3A_808, %parallel_loop3A_815 : i32
      %parallel_loop3A_817 = arith.constant 16 : i32
      %parallel_loop3A_818 = arith.muli %parallel_loop3A_816, %parallel_loop3A_817 : i32
      %parallel_loop3A_819 = vector.broadcast %parallel_loop3A_818 : i32 to vector<16xi32>
      %parallel_loop3A_820 = arith.addi %add3A_378, %parallel_loop3A_819 : vector<16xi32>
      %parallel_loop3A_821 = arith.constant 7 : i32
      %parallel_loop3A_822 = vector.broadcast %parallel_loop3A_821 : i32 to vector<16xi32>
      %parallel_loop3A_823 = arith.shrsi %parallel_loop3A_820, %parallel_loop3A_822 : vector<16xi32>
      %parallel_loop3A_824 = arith.constant 127 : i32
      %parallel_loop3A_825 = vector.broadcast %parallel_loop3A_824 : i32 to vector<16xi32>
      %parallel_loop3A_826 = arith.andi %parallel_loop3A_820, %parallel_loop3A_825 : vector<16xi32>
      %parallel_loop3A_827 = arith.addi %parallel_loop3A_810, %select_n3A_251 : i32
      %parallel_loop3A_828 = arith.constant 2 : i32
      %parallel_loop3A_829 = arith.muli %parallel_loop3A_828, %parallel_loop3A_827 : i32
      %parallel_loop3A_830 = arith.addi %parallel_loop3A_829, %parallel_loop3A_814 : i32
      %parallel_loop3A_831 = arith.constant 1 : i32
      %parallel_loop3A_832 = vector.broadcast %parallel_loop3A_831 : i32 to vector<16xi32>
      %parallel_loop3A_833 = arith.shli %parallel_loop3A_823, %parallel_loop3A_832 : vector<16xi32>
      %parallel_loop3A_834 = vector.broadcast %parallel_loop3A_830 : i32 to vector<16xi32>
      %parallel_loop3A_835 = arith.addi %parallel_loop3A_834, %parallel_loop3A_833 : vector<16xi32>
      %parallel_loop3A_836 = tpu.vector_load_idx %arg5[%parallel_loop3A_835, %parallel_loop3A_826] : memref<168x128xf32, #tpu.memory_space<vmem>>[vector<16xi32>, vector<16xi32>], vector<16xf32>,
      %parallel_loop3A_837 = arith.constant 3 : i32
      %parallel_loop3A_838 = arith.shrsi %parallel_loop3A_808, %parallel_loop3A_837 : i32
      %parallel_loop3A_839 = arith.constant 7 : i32
      %parallel_loop3A_840 = arith.andi %parallel_loop3A_808, %parallel_loop3A_839 : i32
      %parallel_loop3A_841 = arith.constant 16 : i32
      %parallel_loop3A_842 = arith.muli %parallel_loop3A_840, %parallel_loop3A_841 : i32
      %parallel_loop3A_843 = tpu.assume_multiple %parallel_loop3A_842, 8 : i32
      %parallel_loop3A_844 = arith.index_cast %parallel_loop3A_838 : i32 to index
      %parallel_loop3A_845 = arith.index_cast %parallel_loop3A_843 : i32 to index
      %parallel_loop3A_846 = tpu.vector_load %arg7[%parallel_loop3A_844, %parallel_loop3A_845] {strides = array<i32>} : memref<152x128xf32, #tpu.memory_space<vmem>>, vector<16xf32>,
      tpu.vector_store %arg7[%parallel_loop3A_844, %parallel_loop3A_845], %parallel_loop3A_836 {strides = array<i32>} : memref<152x128xf32, #tpu.memory_space<vmem>>, vector<16xf32>,
    } {sc.loop_unroll_factor = 16 : i64, sc.parallel_access}
    %add3A_418 = arith.constant 152 : i32
    %add3A_419 = arith.addi %multiple_of3A_126, %add3A_418 : i32
    %dma_start3A_420 = arith.constant 0 : i32
    %dma_start3A_421 = tpu.memref_slice %arg3[%add3A_419, %dma_start3A_420] : memref<77824x128xf32, #tpu.memory_space<hbm>> -> memref<152x128xf32, #tpu.memory_space<hbm>>
    %dma_start3A_422 = arith.constant 0 : i32
    %dma_start3A_423 = tpu.memref_slice %arg3[%add3A_419, %dma_start3A_422] : memref<77824x128xf32, #tpu.memory_space<hbm>> -> memref<152x128xf32, #tpu.memory_space<hbm>>
    tpu.enqueue_dma source(%arg7 : memref<152x128xf32, #tpu.memory_space<vmem>>) target(%dma_start3A_423 : memref<152x128xf32, #tpu.memory_space<hbm>>) target_semaphore(%arg11 : memref<!tpu.dma_semaphore, #tpu.memory_space<semaphore_mem>>)
    %add3A_424 = arith.constant 456 : i32
    %add3A_425 = arith.addi %multiple_of3A, %add3A_424 : i32
    %dma_start3A_426 = arith.constant 0 : i32
    %dma_start3A_427 = tpu.memref_slice %arg2[%add3A_425, %dma_start3A_426] : memref<81920x128xf32, #tpu.memory_space<hbm>> -> memref<168x128xf32, #tpu.memory_space<hbm>>
    %dma_start3A_428 = arith.constant 0 : i32
    %dma_start3A_429 = tpu.memref_slice %arg2[%add3A_425, %dma_start3A_428] : memref<81920x128xf32, #tpu.memory_space<hbm>> -> memref<168x128xf32, #tpu.memory_space<hbm>>
    tpu.enqueue_dma source(%dma_start3A_429 : memref<168x128xf32, #tpu.memory_space<hbm>>) target(%arg5 : memref<168x128xf32, #tpu.memory_space<vmem>>) target_semaphore(%arg9 : memref<!tpu.dma_semaphore, #tpu.memory_space<semaphore_mem>>)
    %add3A_430 = arith.constant 304 : i32
    %add3A_431 = arith.addi %multiple_of3A, %add3A_430 : i32
    %dma_wait3A_432 = arith.constant 0 : i32
    %dma_wait3A_433 = tpu.memref_slice %arg2[%add3A_431, %dma_wait3A_432] : memref<81920x128xf32, #tpu.memory_space<hbm>> -> memref<168x128xf32, #tpu.memory_space<hbm>>
    %dma_wait3A_434 = arith.constant 0 : i32
    %dma_wait3A_435 = tpu.memref_slice %arg2[%add3A_431, %dma_wait3A_434] : memref<81920x128xf32, #tpu.memory_space<hbm>> -> memref<168x128xf32, #tpu.memory_space<hbm>>
    tpu.wait_dma2 semaphore(%arg8 : memref<!tpu.dma_semaphore, #tpu.memory_space<semaphore_mem>>) src(%dma_wait3A_435 : memref<168x128xf32, #tpu.memory_space<hbm>>) dst(%arg4 : memref<168x128xf32, #tpu.memory_space<vmem>>)
    %add3A_436 = arith.constant 0 : i32
    %add3A_437 = arith.addi %multiple_of3A_126, %add3A_436 : i32
    %dma_wait3A_438 = arith.constant 0 : i32
    %dma_wait3A_439 = tpu.memref_slice %arg3[%add3A_437, %dma_wait3A_438] : memref<77824x128xf32, #tpu.memory_space<hbm>> -> memref<152x128xf32, #tpu.memory_space<hbm>>
    %dma_wait3A_440 = arith.constant 0 : i32
    %dma_wait3A_441 = tpu.memref_slice %arg3[%add3A_437, %dma_wait3A_440] : memref<77824x128xf32, #tpu.memory_space<hbm>> -> memref<152x128xf32, #tpu.memory_space<hbm>>
    tpu.wait_dma2 semaphore(%arg10 : memref<!tpu.dma_semaphore, #tpu.memory_space<semaphore_mem>>) src(%arg6 : memref<152x128xf32, #tpu.memory_space<vmem>>) dst(%dma_wait3A_441 : memref<152x128xf32, #tpu.memory_space<hbm>>)
    %parallel_loop3A_442 = arith.constant 0 : i32
    %parallel_loop3A_443 = arith.constant 1216 : i32
    %parallel_loop3A_444 = arith.constant 1 : i32
    scf.for %parallel_loop3A_808 = %parallel_loop3A_442 to %parallel_loop3A_443 step %parallel_loop3A_444  : i32 {
      %parallel_loop3A_809 = arith.constant 4 : i32
      %parallel_loop3A_810 = arith.shrsi %parallel_loop3A_808, %parallel_loop3A_809 : i32
      %parallel_loop3A_811 = arith.constant 3 : i32
      %parallel_loop3A_812 = arith.shrsi %parallel_loop3A_808, %parallel_loop3A_811 : i32
      %parallel_loop3A_813 = arith.constant 1 : i32
      %parallel_loop3A_814 = arith.andi %parallel_loop3A_812, %parallel_loop3A_813 : i32
      %parallel_loop3A_815 = arith.constant 7 : i32
      %parallel_loop3A_816 = arith.andi %parallel_loop3A_808, %parallel_loop3A_815 : i32
      %parallel_loop3A_817 = arith.constant 16 : i32
      %parallel_loop3A_818 = arith.muli %parallel_loop3A_816, %parallel_loop3A_817 : i32
      %parallel_loop3A_819 = vector.broadcast %parallel_loop3A_818 : i32 to vector<16xi32>
      %parallel_loop3A_820 = arith.addi %add3A_378, %parallel_loop3A_819 : vector<16xi32>
      %parallel_loop3A_821 = arith.constant 7 : i32
      %parallel_loop3A_822 = vector.broadcast %parallel_loop3A_821 : i32 to vector<16xi32>
      %parallel_loop3A_823 = arith.shrsi %parallel_loop3A_820, %parallel_loop3A_822 : vector<16xi32>
      %parallel_loop3A_824 = arith.constant 127 : i32
      %parallel_loop3A_825 = vector.broadcast %parallel_loop3A_824 : i32 to vector<16xi32>
      %parallel_loop3A_826 = arith.andi %parallel_loop3A_820, %parallel_loop3A_825 : vector<16xi32>
      %parallel_loop3A_827 = arith.addi %parallel_loop3A_810, %select_n3A_251 : i32
      %parallel_loop3A_828 = arith.constant 2 : i32
      %parallel_loop3A_829 = arith.muli %parallel_loop3A_828, %parallel_loop3A_827 : i32
      %parallel_loop3A_830 = arith.addi %parallel_loop3A_829, %parallel_loop3A_814 : i32
      %parallel_loop3A_831 = arith.constant 1 : i32
      %parallel_loop3A_832 = vector.broadcast %parallel_loop3A_831 : i32 to vector<16xi32>
      %parallel_loop3A_833 = arith.shli %parallel_loop3A_823, %parallel_loop3A_832 : vector<16xi32>
      %parallel_loop3A_834 = vector.broadcast %parallel_loop3A_830 : i32 to vector<16xi32>
      %parallel_loop3A_835 = arith.addi %parallel_loop3A_834, %parallel_loop3A_833 : vector<16xi32>
      %parallel_loop3A_836 = tpu.vector_load_idx %arg4[%parallel_loop3A_835, %parallel_loop3A_826] : memref<168x128xf32, #tpu.memory_space<vmem>>[vector<16xi32>, vector<16xi32>], vector<16xf32>,
      %parallel_loop3A_837 = arith.constant 3 : i32
      %parallel_loop3A_838 = arith.shrsi %parallel_loop3A_808, %parallel_loop3A_837 : i32
      %parallel_loop3A_839 = arith.constant 7 : i32
      %parallel_loop3A_840 = arith.andi %parallel_loop3A_808, %parallel_loop3A_839 : i32
      %parallel_loop3A_841 = arith.constant 16 : i32
      %parallel_loop3A_842 = arith.muli %parallel_loop3A_840, %parallel_loop3A_841 : i32
      %parallel_loop3A_843 = tpu.assume_multiple %parallel_loop3A_842, 8 : i32
      %parallel_loop3A_844 = arith.index_cast %parallel_loop3A_838 : i32 to index
      %parallel_loop3A_845 = arith.index_cast %parallel_loop3A_843 : i32 to index
      %parallel_loop3A_846 = tpu.vector_load %arg6[%parallel_loop3A_844, %parallel_loop3A_845] {strides = array<i32>} : memref<152x128xf32, #tpu.memory_space<vmem>>, vector<16xf32>,
      tpu.vector_store %arg6[%parallel_loop3A_844, %parallel_loop3A_845], %parallel_loop3A_836 {strides = array<i32>} : memref<152x128xf32, #tpu.memory_space<vmem>>, vector<16xf32>,
    } {sc.loop_unroll_factor = 16 : i64, sc.parallel_access}
    %add3A_445 = arith.constant 304 : i32
    %add3A_446 = arith.addi %multiple_of3A_126, %add3A_445 : i32
    %dma_start3A_447 = arith.constant 0 : i32
    %dma_start3A_448 = tpu.memref_slice %arg3[%add3A_446, %dma_start3A_447] : memref<77824x128xf32, #tpu.memory_space<hbm>> -> memref<152x128xf32, #tpu.memory_space<hbm>>
    %dma_start3A_449 = arith.constant 0 : i32
    %dma_start3A_450 = tpu.memref_slice %arg3[%add3A_446, %dma_start3A_449] : memref<77824x128xf32, #tpu.memory_space<hbm>> -> memref<152x128xf32, #tpu.memory_space<hbm>>
    tpu.enqueue_dma source(%arg6 : memref<152x128xf32, #tpu.memory_space<vmem>>) target(%dma_start3A_450 : memref<152x128xf32, #tpu.memory_space<hbm>>) target_semaphore(%arg10 : memref<!tpu.dma_semaphore, #tpu.memory_space<semaphore_mem>>)
    %add3A_451 = arith.constant 608 : i32
    %add3A_452 = arith.addi %multiple_of3A, %add3A_451 : i32
    %dma_start3A_453 = arith.constant 0 : i32
    %dma_start3A_454 = tpu.memref_slice %arg2[%add3A_452, %dma_start3A_453] : memref<81920x128xf32, #tpu.memory_space<hbm>> -> memref<168x128xf32, #tpu.memory_space<hbm>>
    %dma_start3A_455 = arith.constant 0 : i32
    %dma_start3A_456 = tpu.memref_slice %arg2[%add3A_452, %dma_start3A_455] : memref<81920x128xf32, #tpu.memory_space<hbm>> -> memref<168x128xf32, #tpu.memory_space<hbm>>
    tpu.enqueue_dma source(%dma_start3A_456 : memref<168x128xf32, #tpu.memory_space<hbm>>) target(%arg4 : memref<168x128xf32, #tpu.memory_space<vmem>>) target_semaphore(%arg8 : memref<!tpu.dma_semaphore, #tpu.memory_space<semaphore_mem>>)
    %add3A_457 = arith.constant 456 : i32
    %add3A_458 = arith.addi %multiple_of3A, %add3A_457 : i32
    %dma_wait3A_459 = arith.constant 0 : i32
    %dma_wait3A_460 = tpu.memref_slice %arg2[%add3A_458, %dma_wait3A_459] : memref<81920x128xf32, #tpu.memory_space<hbm>> -> memref<168x128xf32, #tpu.memory_space<hbm>>
    %dma_wait3A_461 = arith.constant 0 : i32
    %dma_wait3A_462 = tpu.memref_slice %arg2[%add3A_458, %dma_wait3A_461] : memref<81920x128xf32, #tpu.memory_space<hbm>> -> memref<168x128xf32, #tpu.memory_space<hbm>>
    tpu.wait_dma2 semaphore(%arg9 : memref<!tpu.dma_semaphore, #tpu.memory_space<semaphore_mem>>) src(%dma_wait3A_462 : memref<168x128xf32, #tpu.memory_space<hbm>>) dst(%arg5 : memref<168x128xf32, #tpu.memory_space<vmem>>)
    %add3A_463 = arith.constant 152 : i32
    %add3A_464 = arith.addi %multiple_of3A_126, %add3A_463 : i32
    %dma_wait3A_465 = arith.constant 0 : i32
    %dma_wait3A_466 = tpu.memref_slice %arg3[%add3A_464, %dma_wait3A_465] : memref<77824x128xf32, #tpu.memory_space<hbm>> -> memref<152x128xf32, #tpu.memory_space<hbm>>
    %dma_wait3A_467 = arith.constant 0 : i32
    %dma_wait3A_468 = tpu.memref_slice %arg3[%add3A_464, %dma_wait3A_467] : memref<77824x128xf32, #tpu.memory_space<hbm>> -> memref<152x128xf32, #tpu.memory_space<hbm>>
    tpu.wait_dma2 semaphore(%arg11 : memref<!tpu.dma_semaphore, #tpu.memory_space<semaphore_mem>>) src(%arg7 : memref<152x128xf32, #tpu.memory_space<vmem>>) dst(%dma_wait3A_468 : memref<152x128xf32, #tpu.memory_space<hbm>>)
    %parallel_loop3A_469 = arith.constant 0 : i32
    %parallel_loop3A_470 = arith.constant 1216 : i32
    %parallel_loop3A_471 = arith.constant 1 : i32
    scf.for %parallel_loop3A_808 = %parallel_loop3A_469 to %parallel_loop3A_470 step %parallel_loop3A_471  : i32 {
      %parallel_loop3A_809 = arith.constant 4 : i32
      %parallel_loop3A_810 = arith.shrsi %parallel_loop3A_808, %parallel_loop3A_809 : i32
      %parallel_loop3A_811 = arith.constant 3 : i32
      %parallel_loop3A_812 = arith.shrsi %parallel_loop3A_808, %parallel_loop3A_811 : i32
      %parallel_loop3A_813 = arith.constant 1 : i32
      %parallel_loop3A_814 = arith.andi %parallel_loop3A_812, %parallel_loop3A_813 : i32
      %parallel_loop3A_815 = arith.constant 7 : i32
      %parallel_loop3A_816 = arith.andi %parallel_loop3A_808, %parallel_loop3A_815 : i32
      %parallel_loop3A_817 = arith.constant 16 : i32
      %parallel_loop3A_818 = arith.muli %parallel_loop3A_816, %parallel_loop3A_817 : i32
      %parallel_loop3A_819 = vector.broadcast %parallel_loop3A_818 : i32 to vector<16xi32>
      %parallel_loop3A_820 = arith.addi %add3A_378, %parallel_loop3A_819 : vector<16xi32>
      %parallel_loop3A_821 = arith.constant 7 : i32
      %parallel_loop3A_822 = vector.broadcast %parallel_loop3A_821 : i32 to vector<16xi32>
      %parallel_loop3A_823 = arith.shrsi %parallel_loop3A_820, %parallel_loop3A_822 : vector<16xi32>
      %parallel_loop3A_824 = arith.constant 127 : i32
      %parallel_loop3A_825 = vector.broadcast %parallel_loop3A_824 : i32 to vector<16xi32>
      %parallel_loop3A_826 = arith.andi %parallel_loop3A_820, %parallel_loop3A_825 : vector<16xi32>
      %parallel_loop3A_827 = arith.addi %parallel_loop3A_810, %select_n3A_251 : i32
      %parallel_loop3A_828 = arith.constant 2 : i32
      %parallel_loop3A_829 = arith.muli %parallel_loop3A_828, %parallel_loop3A_827 : i32
      %parallel_loop3A_830 = arith.addi %parallel_loop3A_829, %parallel_loop3A_814 : i32
      %parallel_loop3A_831 = arith.constant 1 : i32
      %parallel_loop3A_832 = vector.broadcast %parallel_loop3A_831 : i32 to vector<16xi32>
      %parallel_loop3A_833 = arith.shli %parallel_loop3A_823, %parallel_loop3A_832 : vector<16xi32>
      %parallel_loop3A_834 = vector.broadcast %parallel_loop3A_830 : i32 to vector<16xi32>
      %parallel_loop3A_835 = arith.addi %parallel_loop3A_834, %parallel_loop3A_833 : vector<16xi32>
      %parallel_loop3A_836 = tpu.vector_load_idx %arg5[%parallel_loop3A_835, %parallel_loop3A_826] : memref<168x128xf32, #tpu.memory_space<vmem>>[vector<16xi32>, vector<16xi32>], vector<16xf32>,
      %parallel_loop3A_837 = arith.constant 3 : i32
      %parallel_loop3A_838 = arith.shrsi %parallel_loop3A_808, %parallel_loop3A_837 : i32
      %parallel_loop3A_839 = arith.constant 7 : i32
      %parallel_loop3A_840 = arith.andi %parallel_loop3A_808, %parallel_loop3A_839 : i32
      %parallel_loop3A_841 = arith.constant 16 : i32
      %parallel_loop3A_842 = arith.muli %parallel_loop3A_840, %parallel_loop3A_841 : i32
      %parallel_loop3A_843 = tpu.assume_multiple %parallel_loop3A_842, 8 : i32
      %parallel_loop3A_844 = arith.index_cast %parallel_loop3A_838 : i32 to index
      %parallel_loop3A_845 = arith.index_cast %parallel_loop3A_843 : i32 to index
      %parallel_loop3A_846 = tpu.vector_load %arg7[%parallel_loop3A_844, %parallel_loop3A_845] {strides = array<i32>} : memref<152x128xf32, #tpu.memory_space<vmem>>, vector<16xf32>,
      tpu.vector_store %arg7[%parallel_loop3A_844, %parallel_loop3A_845], %parallel_loop3A_836 {strides = array<i32>} : memref<152x128xf32, #tpu.memory_space<vmem>>, vector<16xf32>,
    } {sc.loop_unroll_factor = 16 : i64, sc.parallel_access}
    %add3A_472 = arith.constant 456 : i32
    %add3A_473 = arith.addi %multiple_of3A_126, %add3A_472 : i32
    %dma_start3A_474 = arith.constant 0 : i32
    %dma_start3A_475 = tpu.memref_slice %arg3[%add3A_473, %dma_start3A_474] : memref<77824x128xf32, #tpu.memory_space<hbm>> -> memref<152x128xf32, #tpu.memory_space<hbm>>
    %dma_start3A_476 = arith.constant 0 : i32
    %dma_start3A_477 = tpu.memref_slice %arg3[%add3A_473, %dma_start3A_476] : memref<77824x128xf32, #tpu.memory_space<hbm>> -> memref<152x128xf32, #tpu.memory_space<hbm>>
    tpu.enqueue_dma source(%arg7 : memref<152x128xf32, #tpu.memory_space<vmem>>) target(%dma_start3A_477 : memref<152x128xf32, #tpu.memory_space<hbm>>) target_semaphore(%arg11 : memref<!tpu.dma_semaphore, #tpu.memory_space<semaphore_mem>>)
    %add3A_478 = arith.constant 760 : i32
    %add3A_479 = arith.addi %multiple_of3A, %add3A_478 : i32
    %dma_start3A_480 = arith.constant 0 : i32
    %dma_start3A_481 = tpu.memref_slice %arg2[%add3A_479, %dma_start3A_480] : memref<81920x128xf32, #tpu.memory_space<hbm>> -> memref<168x128xf32, #tpu.memory_space<hbm>>
    %dma_start3A_482 = arith.constant 0 : i32
    %dma_start3A_483 = tpu.memref_slice %arg2[%add3A_479, %dma_start3A_482] : memref<81920x128xf32, #tpu.memory_space<hbm>> -> memref<168x128xf32, #tpu.memory_space<hbm>>
    tpu.enqueue_dma source(%dma_start3A_483 : memref<168x128xf32, #tpu.memory_space<hbm>>) target(%arg5 : memref<168x128xf32, #tpu.memory_space<vmem>>) target_semaphore(%arg9 : memref<!tpu.dma_semaphore, #tpu.memory_space<semaphore_mem>>)
    %add3A_484 = arith.constant 608 : i32
    %add3A_485 = arith.addi %multiple_of3A, %add3A_484 : i32
    %dma_wait3A_486 = arith.constant 0 : i32
    %dma_wait3A_487 = tpu.memref_slice %arg2[%add3A_485, %dma_wait3A_486] : memref<81920x128xf32, #tpu.memory_space<hbm>> -> memref<168x128xf32, #tpu.memory_space<hbm>>
    %dma_wait3A_488 = arith.constant 0 : i32
    %dma_wait3A_489 = tpu.memref_slice %arg2[%add3A_485, %dma_wait3A_488] : memref<81920x128xf32, #tpu.memory_space<hbm>> -> memref<168x128xf32, #tpu.memory_space<hbm>>
    tpu.wait_dma2 semaphore(%arg8 : memref<!tpu.dma_semaphore, #tpu.memory_space<semaphore_mem>>) src(%dma_wait3A_489 : memref<168x128xf32, #tpu.memory_space<hbm>>) dst(%arg4 : memref<168x128xf32, #tpu.memory_space<vmem>>)
    %add3A_490 = arith.constant 304 : i32
    %add3A_491 = arith.addi %multiple_of3A_126, %add3A_490 : i32
    %dma_wait3A_492 = arith.constant 0 : i32
    %dma_wait3A_493 = tpu.memref_slice %arg3[%add3A_491, %dma_wait3A_492] : memref<77824x128xf32, #tpu.memory_space<hbm>> -> memref<152x128xf32, #tpu.memory_space<hbm>>
    %dma_wait3A_494 = arith.constant 0 : i32
    %dma_wait3A_495 = tpu.memref_slice %arg3[%add3A_491, %dma_wait3A_494] : memref<77824x128xf32, #tpu.memory_space<hbm>> -> memref<152x128xf32, #tpu.memory_space<hbm>>
    tpu.wait_dma2 semaphore(%arg10 : memref<!tpu.dma_semaphore, #tpu.memory_space<semaphore_mem>>) src(%arg6 : memref<152x128xf32, #tpu.memory_space<vmem>>) dst(%dma_wait3A_495 : memref<152x128xf32, #tpu.memory_space<hbm>>)
    %parallel_loop3A_496 = arith.constant 0 : i32
    %parallel_loop3A_497 = arith.constant 1216 : i32
    %parallel_loop3A_498 = arith.constant 1 : i32
    scf.for %parallel_loop3A_808 = %parallel_loop3A_496 to %parallel_loop3A_497 step %parallel_loop3A_498  : i32 {
      %parallel_loop3A_809 = arith.constant 4 : i32
      %parallel_loop3A_810 = arith.shrsi %parallel_loop3A_808, %parallel_loop3A_809 : i32
      %parallel_loop3A_811 = arith.constant 3 : i32
      %parallel_loop3A_812 = arith.shrsi %parallel_loop3A_808, %parallel_loop3A_811 : i32
      %parallel_loop3A_813 = arith.constant 1 : i32
      %parallel_loop3A_814 = arith.andi %parallel_loop3A_812, %parallel_loop3A_813 : i32
      %parallel_loop3A_815 = arith.constant 7 : i32
      %parallel_loop3A_816 = arith.andi %parallel_loop3A_808, %parallel_loop3A_815 : i32
      %parallel_loop3A_817 = arith.constant 16 : i32
      %parallel_loop3A_818 = arith.muli %parallel_loop3A_816, %parallel_loop3A_817 : i32
      %parallel_loop3A_819 = vector.broadcast %parallel_loop3A_818 : i32 to vector<16xi32>
      %parallel_loop3A_820 = arith.addi %add3A_378, %parallel_loop3A_819 : vector<16xi32>
      %parallel_loop3A_821 = arith.constant 7 : i32
      %parallel_loop3A_822 = vector.broadcast %parallel_loop3A_821 : i32 to vector<16xi32>
      %parallel_loop3A_823 = arith.shrsi %parallel_loop3A_820, %parallel_loop3A_822 : vector<16xi32>
      %parallel_loop3A_824 = arith.constant 127 : i32
      %parallel_loop3A_825 = vector.broadcast %parallel_loop3A_824 : i32 to vector<16xi32>
      %parallel_loop3A_826 = arith.andi %parallel_loop3A_820, %parallel_loop3A_825 : vector<16xi32>
      %parallel_loop3A_827 = arith.addi %parallel_loop3A_810, %select_n3A_251 : i32
      %parallel_loop3A_828 = arith.constant 2 : i32
      %parallel_loop3A_829 = arith.muli %parallel_loop3A_828, %parallel_loop3A_827 : i32
      %parallel_loop3A_830 = arith.addi %parallel_loop3A_829, %parallel_loop3A_814 : i32
      %parallel_loop3A_831 = arith.constant 1 : i32
      %parallel_loop3A_832 = vector.broadcast %parallel_loop3A_831 : i32 to vector<16xi32>
      %parallel_loop3A_833 = arith.shli %parallel_loop3A_823, %parallel_loop3A_832 : vector<16xi32>
      %parallel_loop3A_834 = vector.broadcast %parallel_loop3A_830 : i32 to vector<16xi32>
      %parallel_loop3A_835 = arith.addi %parallel_loop3A_834, %parallel_loop3A_833 : vector<16xi32>
      %parallel_loop3A_836 = tpu.vector_load_idx %arg4[%parallel_loop3A_835, %parallel_loop3A_826] : memref<168x128xf32, #tpu.memory_space<vmem>>[vector<16xi32>, vector<16xi32>], vector<16xf32>,
      %parallel_loop3A_837 = arith.constant 3 : i32
      %parallel_loop3A_838 = arith.shrsi %parallel_loop3A_808, %parallel_loop3A_837 : i32
      %parallel_loop3A_839 = arith.constant 7 : i32
      %parallel_loop3A_840 = arith.andi %parallel_loop3A_808, %parallel_loop3A_839 : i32
      %parallel_loop3A_841 = arith.constant 16 : i32
      %parallel_loop3A_842 = arith.muli %parallel_loop3A_840, %parallel_loop3A_841 : i32
      %parallel_loop3A_843 = tpu.assume_multiple %parallel_loop3A_842, 8 : i32
      %parallel_loop3A_844 = arith.index_cast %parallel_loop3A_838 : i32 to index
      %parallel_loop3A_845 = arith.index_cast %parallel_loop3A_843 : i32 to index
      %parallel_loop3A_846 = tpu.vector_load %arg6[%parallel_loop3A_844, %parallel_loop3A_845] {strides = array<i32>} : memref<152x128xf32, #tpu.memory_space<vmem>>, vector<16xf32>,
      tpu.vector_store %arg6[%parallel_loop3A_844, %parallel_loop3A_845], %parallel_loop3A_836 {strides = array<i32>} : memref<152x128xf32, #tpu.memory_space<vmem>>, vector<16xf32>,
    } {sc.loop_unroll_factor = 16 : i64, sc.parallel_access}
    %add3A_499 = arith.constant 608 : i32
    %add3A_500 = arith.addi %multiple_of3A_126, %add3A_499 : i32
    %dma_start3A_501 = arith.constant 0 : i32
    %dma_start3A_502 = tpu.memref_slice %arg3[%add3A_500, %dma_start3A_501] : memref<77824x128xf32, #tpu.memory_space<hbm>> -> memref<152x128xf32, #tpu.memory_space<hbm>>
    %dma_start3A_503 = arith.constant 0 : i32
    %dma_start3A_504 = tpu.memref_slice %arg3[%add3A_500, %dma_start3A_503] : memref<77824x128xf32, #tpu.memory_space<hbm>> -> memref<152x128xf32, #tpu.memory_space<hbm>>
    tpu.enqueue_dma source(%arg6 : memref<152x128xf32, #tpu.memory_space<vmem>>) target(%dma_start3A_504 : memref<152x128xf32, #tpu.memory_space<hbm>>) target_semaphore(%arg10 : memref<!tpu.dma_semaphore, #tpu.memory_space<semaphore_mem>>)
    %add3A_505 = arith.constant 912 : i32
    %add3A_506 = arith.addi %multiple_of3A, %add3A_505 : i32
    %dma_start3A_507 = arith.constant 0 : i32
    %dma_start3A_508 = tpu.memref_slice %arg2[%add3A_506, %dma_start3A_507] : memref<81920x128xf32, #tpu.memory_space<hbm>> -> memref<168x128xf32, #tpu.memory_space<hbm>>
    %dma_start3A_509 = arith.constant 0 : i32
    %dma_start3A_510 = tpu.memref_slice %arg2[%add3A_506, %dma_start3A_509] : memref<81920x128xf32, #tpu.memory_space<hbm>> -> memref<168x128xf32, #tpu.memory_space<hbm>>
    tpu.enqueue_dma source(%dma_start3A_510 : memref<168x128xf32, #tpu.memory_space<hbm>>) target(%arg4 : memref<168x128xf32, #tpu.memory_space<vmem>>) target_semaphore(%arg8 : memref<!tpu.dma_semaphore, #tpu.memory_space<semaphore_mem>>)
    %add3A_511 = arith.constant 760 : i32
    %add3A_512 = arith.addi %multiple_of3A, %add3A_511 : i32
    %dma_wait3A_513 = arith.constant 0 : i32
    %dma_wait3A_514 = tpu.memref_slice %arg2[%add3A_512, %dma_wait3A_513] : memref<81920x128xf32, #tpu.memory_space<hbm>> -> memref<168x128xf32, #tpu.memory_space<hbm>>
    %dma_wait3A_515 = arith.constant 0 : i32
    %dma_wait3A_516 = tpu.memref_slice %arg2[%add3A_512, %dma_wait3A_515] : memref<81920x128xf32, #tpu.memory_space<hbm>> -> memref<168x128xf32, #tpu.memory_space<hbm>>
    tpu.wait_dma2 semaphore(%arg9 : memref<!tpu.dma_semaphore, #tpu.memory_space<semaphore_mem>>) src(%dma_wait3A_516 : memref<168x128xf32, #tpu.memory_space<hbm>>) dst(%arg5 : memref<168x128xf32, #tpu.memory_space<vmem>>)
    %add3A_517 = arith.constant 456 : i32
    %add3A_518 = arith.addi %multiple_of3A_126, %add3A_517 : i32
    %dma_wait3A_519 = arith.constant 0 : i32
    %dma_wait3A_520 = tpu.memref_slice %arg3[%add3A_518, %dma_wait3A_519] : memref<77824x128xf32, #tpu.memory_space<hbm>> -> memref<152x128xf32, #tpu.memory_space<hbm>>
    %dma_wait3A_521 = arith.constant 0 : i32
    %dma_wait3A_522 = tpu.memref_slice %arg3[%add3A_518, %dma_wait3A_521] : memref<77824x128xf32, #tpu.memory_space<hbm>> -> memref<152x128xf32, #tpu.memory_space<hbm>>
    tpu.wait_dma2 semaphore(%arg11 : memref<!tpu.dma_semaphore, #tpu.memory_space<semaphore_mem>>) src(%arg7 : memref<152x128xf32, #tpu.memory_space<vmem>>) dst(%dma_wait3A_522 : memref<152x128xf32, #tpu.memory_space<hbm>>)
    %parallel_loop3A_523 = arith.constant 0 : i32
    %parallel_loop3A_524 = arith.constant 1216 : i32
    %parallel_loop3A_525 = arith.constant 1 : i32
    scf.for %parallel_loop3A_808 = %parallel_loop3A_523 to %parallel_loop3A_524 step %parallel_loop3A_525  : i32 {
      %parallel_loop3A_809 = arith.constant 4 : i32
      %parallel_loop3A_810 = arith.shrsi %parallel_loop3A_808, %parallel_loop3A_809 : i32
      %parallel_loop3A_811 = arith.constant 3 : i32
      %parallel_loop3A_812 = arith.shrsi %parallel_loop3A_808, %parallel_loop3A_811 : i32
      %parallel_loop3A_813 = arith.constant 1 : i32
      %parallel_loop3A_814 = arith.andi %parallel_loop3A_812, %parallel_loop3A_813 : i32
      %parallel_loop3A_815 = arith.constant 7 : i32
      %parallel_loop3A_816 = arith.andi %parallel_loop3A_808, %parallel_loop3A_815 : i32
      %parallel_loop3A_817 = arith.constant 16 : i32
      %parallel_loop3A_818 = arith.muli %parallel_loop3A_816, %parallel_loop3A_817 : i32
      %parallel_loop3A_819 = vector.broadcast %parallel_loop3A_818 : i32 to vector<16xi32>
      %parallel_loop3A_820 = arith.addi %add3A_378, %parallel_loop3A_819 : vector<16xi32>
      %parallel_loop3A_821 = arith.constant 7 : i32
      %parallel_loop3A_822 = vector.broadcast %parallel_loop3A_821 : i32 to vector<16xi32>
      %parallel_loop3A_823 = arith.shrsi %parallel_loop3A_820, %parallel_loop3A_822 : vector<16xi32>
      %parallel_loop3A_824 = arith.constant 127 : i32
      %parallel_loop3A_825 = vector.broadcast %parallel_loop3A_824 : i32 to vector<16xi32>
      %parallel_loop3A_826 = arith.andi %parallel_loop3A_820, %parallel_loop3A_825 : vector<16xi32>
      %parallel_loop3A_827 = arith.addi %parallel_loop3A_810, %select_n3A_251 : i32
      %parallel_loop3A_828 = arith.constant 2 : i32
      %parallel_loop3A_829 = arith.muli %parallel_loop3A_828, %parallel_loop3A_827 : i32
      %parallel_loop3A_830 = arith.addi %parallel_loop3A_829, %parallel_loop3A_814 : i32
      %parallel_loop3A_831 = arith.constant 1 : i32
      %parallel_loop3A_832 = vector.broadcast %parallel_loop3A_831 : i32 to vector<16xi32>
      %parallel_loop3A_833 = arith.shli %parallel_loop3A_823, %parallel_loop3A_832 : vector<16xi32>
      %parallel_loop3A_834 = vector.broadcast %parallel_loop3A_830 : i32 to vector<16xi32>
      %parallel_loop3A_835 = arith.addi %parallel_loop3A_834, %parallel_loop3A_833 : vector<16xi32>
      %parallel_loop3A_836 = tpu.vector_load_idx %arg5[%parallel_loop3A_835, %parallel_loop3A_826] : memref<168x128xf32, #tpu.memory_space<vmem>>[vector<16xi32>, vector<16xi32>], vector<16xf32>,
      %parallel_loop3A_837 = arith.constant 3 : i32
      %parallel_loop3A_838 = arith.shrsi %parallel_loop3A_808, %parallel_loop3A_837 : i32
      %parallel_loop3A_839 = arith.constant 7 : i32
      %parallel_loop3A_840 = arith.andi %parallel_loop3A_808, %parallel_loop3A_839 : i32
      %parallel_loop3A_841 = arith.constant 16 : i32
      %parallel_loop3A_842 = arith.muli %parallel_loop3A_840, %parallel_loop3A_841 : i32
      %parallel_loop3A_843 = tpu.assume_multiple %parallel_loop3A_842, 8 : i32
      %parallel_loop3A_844 = arith.index_cast %parallel_loop3A_838 : i32 to index
      %parallel_loop3A_845 = arith.index_cast %parallel_loop3A_843 : i32 to index
      %parallel_loop3A_846 = tpu.vector_load %arg7[%parallel_loop3A_844, %parallel_loop3A_845] {strides = array<i32>} : memref<152x128xf32, #tpu.memory_space<vmem>>, vector<16xf32>,
      tpu.vector_store %arg7[%parallel_loop3A_844, %parallel_loop3A_845], %parallel_loop3A_836 {strides = array<i32>} : memref<152x128xf32, #tpu.memory_space<vmem>>, vector<16xf32>,
    } {sc.loop_unroll_factor = 16 : i64, sc.parallel_access}
    %add3A_526 = arith.constant 760 : i32
    %add3A_527 = arith.addi %multiple_of3A_126, %add3A_526 : i32
    %dma_start3A_528 = arith.constant 0 : i32
    %dma_start3A_529 = tpu.memref_slice %arg3[%add3A_527, %dma_start3A_528] : memref<77824x128xf32, #tpu.memory_space<hbm>> -> memref<152x128xf32, #tpu.memory_space<hbm>>
    %dma_start3A_530 = arith.constant 0 : i32
    %dma_start3A_531 = tpu.memref_slice %arg3[%add3A_527, %dma_start3A_530] : memref<77824x128xf32, #tpu.memory_space<hbm>> -> memref<152x128xf32, #tpu.memory_space<hbm>>
    tpu.enqueue_dma source(%arg7 : memref<152x128xf32, #tpu.memory_space<vmem>>) target(%dma_start3A_531 : memref<152x128xf32, #tpu.memory_space<hbm>>) target_semaphore(%arg11 : memref<!tpu.dma_semaphore, #tpu.memory_space<semaphore_mem>>)
    %add3A_532 = arith.constant 1064 : i32
    %add3A_533 = arith.addi %multiple_of3A, %add3A_532 : i32
    %dma_start3A_534 = arith.constant 0 : i32
    %dma_start3A_535 = tpu.memref_slice %arg2[%add3A_533, %dma_start3A_534] : memref<81920x128xf32, #tpu.memory_space<hbm>> -> memref<168x128xf32, #tpu.memory_space<hbm>>
    %dma_start3A_536 = arith.constant 0 : i32
    %dma_start3A_537 = tpu.memref_slice %arg2[%add3A_533, %dma_start3A_536] : memref<81920x128xf32, #tpu.memory_space<hbm>> -> memref<168x128xf32, #tpu.memory_space<hbm>>
    tpu.enqueue_dma source(%dma_start3A_537 : memref<168x128xf32, #tpu.memory_space<hbm>>) target(%arg5 : memref<168x128xf32, #tpu.memory_space<vmem>>) target_semaphore(%arg9 : memref<!tpu.dma_semaphore, #tpu.memory_space<semaphore_mem>>)
    %add3A_538 = arith.constant 912 : i32
    %add3A_539 = arith.addi %multiple_of3A, %add3A_538 : i32
    %dma_wait3A_540 = arith.constant 0 : i32
    %dma_wait3A_541 = tpu.memref_slice %arg2[%add3A_539, %dma_wait3A_540] : memref<81920x128xf32, #tpu.memory_space<hbm>> -> memref<168x128xf32, #tpu.memory_space<hbm>>
    %dma_wait3A_542 = arith.constant 0 : i32
    %dma_wait3A_543 = tpu.memref_slice %arg2[%add3A_539, %dma_wait3A_542] : memref<81920x128xf32, #tpu.memory_space<hbm>> -> memref<168x128xf32, #tpu.memory_space<hbm>>
    tpu.wait_dma2 semaphore(%arg8 : memref<!tpu.dma_semaphore, #tpu.memory_space<semaphore_mem>>) src(%dma_wait3A_543 : memref<168x128xf32, #tpu.memory_space<hbm>>) dst(%arg4 : memref<168x128xf32, #tpu.memory_space<vmem>>)
    %add3A_544 = arith.constant 608 : i32
    %add3A_545 = arith.addi %multiple_of3A_126, %add3A_544 : i32
    %dma_wait3A_546 = arith.constant 0 : i32
    %dma_wait3A_547 = tpu.memref_slice %arg3[%add3A_545, %dma_wait3A_546] : memref<77824x128xf32, #tpu.memory_space<hbm>> -> memref<152x128xf32, #tpu.memory_space<hbm>>
    %dma_wait3A_548 = arith.constant 0 : i32
    %dma_wait3A_549 = tpu.memref_slice %arg3[%add3A_545, %dma_wait3A_548] : memref<77824x128xf32, #tpu.memory_space<hbm>> -> memref<152x128xf32, #tpu.memory_space<hbm>>
    tpu.wait_dma2 semaphore(%arg10 : memref<!tpu.dma_semaphore, #tpu.memory_space<semaphore_mem>>) src(%arg6 : memref<152x128xf32, #tpu.memory_space<vmem>>) dst(%dma_wait3A_549 : memref<152x128xf32, #tpu.memory_space<hbm>>)
    %parallel_loop3A_550 = arith.constant 0 : i32
    %parallel_loop3A_551 = arith.constant 1216 : i32
    %parallel_loop3A_552 = arith.constant 1 : i32
    scf.for %parallel_loop3A_808 = %parallel_loop3A_550 to %parallel_loop3A_551 step %parallel_loop3A_552  : i32 {
      %parallel_loop3A_809 = arith.constant 4 : i32
      %parallel_loop3A_810 = arith.shrsi %parallel_loop3A_808, %parallel_loop3A_809 : i32
      %parallel_loop3A_811 = arith.constant 3 : i32
      %parallel_loop3A_812 = arith.shrsi %parallel_loop3A_808, %parallel_loop3A_811 : i32
      %parallel_loop3A_813 = arith.constant 1 : i32
      %parallel_loop3A_814 = arith.andi %parallel_loop3A_812, %parallel_loop3A_813 : i32
      %parallel_loop3A_815 = arith.constant 7 : i32
      %parallel_loop3A_816 = arith.andi %parallel_loop3A_808, %parallel_loop3A_815 : i32
      %parallel_loop3A_817 = arith.constant 16 : i32
      %parallel_loop3A_818 = arith.muli %parallel_loop3A_816, %parallel_loop3A_817 : i32
      %parallel_loop3A_819 = vector.broadcast %parallel_loop3A_818 : i32 to vector<16xi32>
      %parallel_loop3A_820 = arith.addi %add3A_378, %parallel_loop3A_819 : vector<16xi32>
      %parallel_loop3A_821 = arith.constant 7 : i32
      %parallel_loop3A_822 = vector.broadcast %parallel_loop3A_821 : i32 to vector<16xi32>
      %parallel_loop3A_823 = arith.shrsi %parallel_loop3A_820, %parallel_loop3A_822 : vector<16xi32>
      %parallel_loop3A_824 = arith.constant 127 : i32
      %parallel_loop3A_825 = vector.broadcast %parallel_loop3A_824 : i32 to vector<16xi32>
      %parallel_loop3A_826 = arith.andi %parallel_loop3A_820, %parallel_loop3A_825 : vector<16xi32>
      %parallel_loop3A_827 = arith.addi %parallel_loop3A_810, %select_n3A_251 : i32
      %parallel_loop3A_828 = arith.constant 2 : i32
      %parallel_loop3A_829 = arith.muli %parallel_loop3A_828, %parallel_loop3A_827 : i32
      %parallel_loop3A_830 = arith.addi %parallel_loop3A_829, %parallel_loop3A_814 : i32
      %parallel_loop3A_831 = arith.constant 1 : i32
      %parallel_loop3A_832 = vector.broadcast %parallel_loop3A_831 : i32 to vector<16xi32>
      %parallel_loop3A_833 = arith.shli %parallel_loop3A_823, %parallel_loop3A_832 : vector<16xi32>
      %parallel_loop3A_834 = vector.broadcast %parallel_loop3A_830 : i32 to vector<16xi32>
      %parallel_loop3A_835 = arith.addi %parallel_loop3A_834, %parallel_loop3A_833 : vector<16xi32>
      %parallel_loop3A_836 = tpu.vector_load_idx %arg4[%parallel_loop3A_835, %parallel_loop3A_826] : memref<168x128xf32, #tpu.memory_space<vmem>>[vector<16xi32>, vector<16xi32>], vector<16xf32>,
      %parallel_loop3A_837 = arith.constant 3 : i32
      %parallel_loop3A_838 = arith.shrsi %parallel_loop3A_808, %parallel_loop3A_837 : i32
      %parallel_loop3A_839 = arith.constant 7 : i32
      %parallel_loop3A_840 = arith.andi %parallel_loop3A_808, %parallel_loop3A_839 : i32
      %parallel_loop3A_841 = arith.constant 16 : i32
      %parallel_loop3A_842 = arith.muli %parallel_loop3A_840, %parallel_loop3A_841 : i32
      %parallel_loop3A_843 = tpu.assume_multiple %parallel_loop3A_842, 8 : i32
      %parallel_loop3A_844 = arith.index_cast %parallel_loop3A_838 : i32 to index
      %parallel_loop3A_845 = arith.index_cast %parallel_loop3A_843 : i32 to index
      %parallel_loop3A_846 = tpu.vector_load %arg6[%parallel_loop3A_844, %parallel_loop3A_845] {strides = array<i32>} : memref<152x128xf32, #tpu.memory_space<vmem>>, vector<16xf32>,
      tpu.vector_store %arg6[%parallel_loop3A_844, %parallel_loop3A_845], %parallel_loop3A_836 {strides = array<i32>} : memref<152x128xf32, #tpu.memory_space<vmem>>, vector<16xf32>,
    } {sc.loop_unroll_factor = 16 : i64, sc.parallel_access}
    %add3A_553 = arith.constant 912 : i32
    %add3A_554 = arith.addi %multiple_of3A_126, %add3A_553 : i32
    %dma_start3A_555 = arith.constant 0 : i32
    %dma_start3A_556 = tpu.memref_slice %arg3[%add3A_554, %dma_start3A_555] : memref<77824x128xf32, #tpu.memory_space<hbm>> -> memref<152x128xf32, #tpu.memory_space<hbm>>
    %dma_start3A_557 = arith.constant 0 : i32
    %dma_start3A_558 = tpu.memref_slice %arg3[%add3A_554, %dma_start3A_557] : memref<77824x128xf32, #tpu.memory_space<hbm>> -> memref<152x128xf32, #tpu.memory_space<hbm>>
    tpu.enqueue_dma source(%arg6 : memref<152x128xf32, #tpu.memory_space<vmem>>) target(%dma_start3A_558 : memref<152x128xf32, #tpu.memory_space<hbm>>) target_semaphore(%arg10 : memref<!tpu.dma_semaphore, #tpu.memory_space<semaphore_mem>>)
    %add3A_559 = arith.constant 1216 : i32
    %add3A_560 = arith.addi %multiple_of3A, %add3A_559 : i32
    %dma_start3A_561 = arith.constant 0 : i32
    %dma_start3A_562 = tpu.memref_slice %arg2[%add3A_560, %dma_start3A_561] : memref<81920x128xf32, #tpu.memory_space<hbm>> -> memref<168x128xf32, #tpu.memory_space<hbm>>
    %dma_start3A_563 = arith.constant 0 : i32
    %dma_start3A_564 = tpu.memref_slice %arg2[%add3A_560, %dma_start3A_563] : memref<81920x128xf32, #tpu.memory_space<hbm>> -> memref<168x128xf32, #tpu.memory_space<hbm>>
    tpu.enqueue_dma source(%dma_start3A_564 : memref<168x128xf32, #tpu.memory_space<hbm>>) target(%arg4 : memref<168x128xf32, #tpu.memory_space<vmem>>) target_semaphore(%arg8 : memref<!tpu.dma_semaphore, #tpu.memory_space<semaphore_mem>>)
    %add3A_565 = arith.constant 1064 : i32
    %add3A_566 = arith.addi %multiple_of3A, %add3A_565 : i32
    %dma_wait3A_567 = arith.constant 0 : i32
    %dma_wait3A_568 = tpu.memref_slice %arg2[%add3A_566, %dma_wait3A_567] : memref<81920x128xf32, #tpu.memory_space<hbm>> -> memref<168x128xf32, #tpu.memory_space<hbm>>
    %dma_wait3A_569 = arith.constant 0 : i32
    %dma_wait3A_570 = tpu.memref_slice %arg2[%add3A_566, %dma_wait3A_569] : memref<81920x128xf32, #tpu.memory_space<hbm>> -> memref<168x128xf32, #tpu.memory_space<hbm>>
    tpu.wait_dma2 semaphore(%arg9 : memref<!tpu.dma_semaphore, #tpu.memory_space<semaphore_mem>>) src(%dma_wait3A_570 : memref<168x128xf32, #tpu.memory_space<hbm>>) dst(%arg5 : memref<168x128xf32, #tpu.memory_space<vmem>>)
    %add3A_571 = arith.constant 760 : i32
    %add3A_572 = arith.addi %multiple_of3A_126, %add3A_571 : i32
    %dma_wait3A_573 = arith.constant 0 : i32
    %dma_wait3A_574 = tpu.memref_slice %arg3[%add3A_572, %dma_wait3A_573] : memref<77824x128xf32, #tpu.memory_space<hbm>> -> memref<152x128xf32, #tpu.memory_space<hbm>>
    %dma_wait3A_575 = arith.constant 0 : i32
    %dma_wait3A_576 = tpu.memref_slice %arg3[%add3A_572, %dma_wait3A_575] : memref<77824x128xf32, #tpu.memory_space<hbm>> -> memref<152x128xf32, #tpu.memory_space<hbm>>
    tpu.wait_dma2 semaphore(%arg11 : memref<!tpu.dma_semaphore, #tpu.memory_space<semaphore_mem>>) src(%arg7 : memref<152x128xf32, #tpu.memory_space<vmem>>) dst(%dma_wait3A_576 : memref<152x128xf32, #tpu.memory_space<hbm>>)
    %parallel_loop3A_577 = arith.constant 0 : i32
    %parallel_loop3A_578 = arith.constant 1216 : i32
    %parallel_loop3A_579 = arith.constant 1 : i32
    scf.for %parallel_loop3A_808 = %parallel_loop3A_577 to %parallel_loop3A_578 step %parallel_loop3A_579  : i32 {
      %parallel_loop3A_809 = arith.constant 4 : i32
      %parallel_loop3A_810 = arith.shrsi %parallel_loop3A_808, %parallel_loop3A_809 : i32
      %parallel_loop3A_811 = arith.constant 3 : i32
      %parallel_loop3A_812 = arith.shrsi %parallel_loop3A_808, %parallel_loop3A_811 : i32
      %parallel_loop3A_813 = arith.constant 1 : i32
      %parallel_loop3A_814 = arith.andi %parallel_loop3A_812, %parallel_loop3A_813 : i32
      %parallel_loop3A_815 = arith.constant 7 : i32
      %parallel_loop3A_816 = arith.andi %parallel_loop3A_808, %parallel_loop3A_815 : i32
      %parallel_loop3A_817 = arith.constant 16 : i32
      %parallel_loop3A_818 = arith.muli %parallel_loop3A_816, %parallel_loop3A_817 : i32
      %parallel_loop3A_819 = vector.broadcast %parallel_loop3A_818 : i32 to vector<16xi32>
      %parallel_loop3A_820 = arith.addi %add3A_378, %parallel_loop3A_819 : vector<16xi32>
      %parallel_loop3A_821 = arith.constant 7 : i32
      %parallel_loop3A_822 = vector.broadcast %parallel_loop3A_821 : i32 to vector<16xi32>
      %parallel_loop3A_823 = arith.shrsi %parallel_loop3A_820, %parallel_loop3A_822 : vector<16xi32>
      %parallel_loop3A_824 = arith.constant 127 : i32
      %parallel_loop3A_825 = vector.broadcast %parallel_loop3A_824 : i32 to vector<16xi32>
      %parallel_loop3A_826 = arith.andi %parallel_loop3A_820, %parallel_loop3A_825 : vector<16xi32>
      %parallel_loop3A_827 = arith.addi %parallel_loop3A_810, %select_n3A_251 : i32
      %parallel_loop3A_828 = arith.constant 2 : i32
      %parallel_loop3A_829 = arith.muli %parallel_loop3A_828, %parallel_loop3A_827 : i32
      %parallel_loop3A_830 = arith.addi %parallel_loop3A_829, %parallel_loop3A_814 : i32
      %parallel_loop3A_831 = arith.constant 1 : i32
      %parallel_loop3A_832 = vector.broadcast %parallel_loop3A_831 : i32 to vector<16xi32>
      %parallel_loop3A_833 = arith.shli %parallel_loop3A_823, %parallel_loop3A_832 : vector<16xi32>
      %parallel_loop3A_834 = vector.broadcast %parallel_loop3A_830 : i32 to vector<16xi32>
      %parallel_loop3A_835 = arith.addi %parallel_loop3A_834, %parallel_loop3A_833 : vector<16xi32>
      %parallel_loop3A_836 = tpu.vector_load_idx %arg5[%parallel_loop3A_835, %parallel_loop3A_826] : memref<168x128xf32, #tpu.memory_space<vmem>>[vector<16xi32>, vector<16xi32>], vector<16xf32>,
      %parallel_loop3A_837 = arith.constant 3 : i32
      %parallel_loop3A_838 = arith.shrsi %parallel_loop3A_808, %parallel_loop3A_837 : i32
      %parallel_loop3A_839 = arith.constant 7 : i32
      %parallel_loop3A_840 = arith.andi %parallel_loop3A_808, %parallel_loop3A_839 : i32
      %parallel_loop3A_841 = arith.constant 16 : i32
      %parallel_loop3A_842 = arith.muli %parallel_loop3A_840, %parallel_loop3A_841 : i32
      %parallel_loop3A_843 = tpu.assume_multiple %parallel_loop3A_842, 8 : i32
      %parallel_loop3A_844 = arith.index_cast %parallel_loop3A_838 : i32 to index
      %parallel_loop3A_845 = arith.index_cast %parallel_loop3A_843 : i32 to index
      %parallel_loop3A_846 = tpu.vector_load %arg7[%parallel_loop3A_844, %parallel_loop3A_845] {strides = array<i32>} : memref<152x128xf32, #tpu.memory_space<vmem>>, vector<16xf32>,
      tpu.vector_store %arg7[%parallel_loop3A_844, %parallel_loop3A_845], %parallel_loop3A_836 {strides = array<i32>} : memref<152x128xf32, #tpu.memory_space<vmem>>, vector<16xf32>,
    } {sc.loop_unroll_factor = 16 : i64, sc.parallel_access}
    %add3A_580 = arith.constant 1064 : i32
    %add3A_581 = arith.addi %multiple_of3A_126, %add3A_580 : i32
    %dma_start3A_582 = arith.constant 0 : i32
    %dma_start3A_583 = tpu.memref_slice %arg3[%add3A_581, %dma_start3A_582] : memref<77824x128xf32, #tpu.memory_space<hbm>> -> memref<152x128xf32, #tpu.memory_space<hbm>>
    %dma_start3A_584 = arith.constant 0 : i32
    %dma_start3A_585 = tpu.memref_slice %arg3[%add3A_581, %dma_start3A_584] : memref<77824x128xf32, #tpu.memory_space<hbm>> -> memref<152x128xf32, #tpu.memory_space<hbm>>
    tpu.enqueue_dma source(%arg7 : memref<152x128xf32, #tpu.memory_space<vmem>>) target(%dma_start3A_585 : memref<152x128xf32, #tpu.memory_space<hbm>>) target_semaphore(%arg11 : memref<!tpu.dma_semaphore, #tpu.memory_space<semaphore_mem>>)
    %add3A_586 = arith.constant 1368 : i32
    %add3A_587 = arith.addi %multiple_of3A, %add3A_586 : i32
    %dma_start3A_588 = arith.constant 0 : i32
    %dma_start3A_589 = tpu.memref_slice %arg2[%add3A_587, %dma_start3A_588] : memref<81920x128xf32, #tpu.memory_space<hbm>> -> memref<168x128xf32, #tpu.memory_space<hbm>>
    %dma_start3A_590 = arith.constant 0 : i32
    %dma_start3A_591 = tpu.memref_slice %arg2[%add3A_587, %dma_start3A_590] : memref<81920x128xf32, #tpu.memory_space<hbm>> -> memref<168x128xf32, #tpu.memory_space<hbm>>
    tpu.enqueue_dma source(%dma_start3A_591 : memref<168x128xf32, #tpu.memory_space<hbm>>) target(%arg5 : memref<168x128xf32, #tpu.memory_space<vmem>>) target_semaphore(%arg9 : memref<!tpu.dma_semaphore, #tpu.memory_space<semaphore_mem>>)
    %add3A_592 = arith.constant 1216 : i32
    %add3A_593 = arith.addi %multiple_of3A, %add3A_592 : i32
    %dma_wait3A_594 = arith.constant 0 : i32
    %dma_wait3A_595 = tpu.memref_slice %arg2[%add3A_593, %dma_wait3A_594] : memref<81920x128xf32, #tpu.memory_space<hbm>> -> memref<168x128xf32, #tpu.memory_space<hbm>>
    %dma_wait3A_596 = arith.constant 0 : i32
    %dma_wait3A_597 = tpu.memref_slice %arg2[%add3A_593, %dma_wait3A_596] : memref<81920x128xf32, #tpu.memory_space<hbm>> -> memref<168x128xf32, #tpu.memory_space<hbm>>
    tpu.wait_dma2 semaphore(%arg8 : memref<!tpu.dma_semaphore, #tpu.memory_space<semaphore_mem>>) src(%dma_wait3A_597 : memref<168x128xf32, #tpu.memory_space<hbm>>) dst(%arg4 : memref<168x128xf32, #tpu.memory_space<vmem>>)
    %add3A_598 = arith.constant 912 : i32
    %add3A_599 = arith.addi %multiple_of3A_126, %add3A_598 : i32
    %dma_wait3A_600 = arith.constant 0 : i32
    %dma_wait3A_601 = tpu.memref_slice %arg3[%add3A_599, %dma_wait3A_600] : memref<77824x128xf32, #tpu.memory_space<hbm>> -> memref<152x128xf32, #tpu.memory_space<hbm>>
    %dma_wait3A_602 = arith.constant 0 : i32
    %dma_wait3A_603 = tpu.memref_slice %arg3[%add3A_599, %dma_wait3A_602] : memref<77824x128xf32, #tpu.memory_space<hbm>> -> memref<152x128xf32, #tpu.memory_space<hbm>>
    tpu.wait_dma2 semaphore(%arg10 : memref<!tpu.dma_semaphore, #tpu.memory_space<semaphore_mem>>) src(%arg6 : memref<152x128xf32, #tpu.memory_space<vmem>>) dst(%dma_wait3A_603 : memref<152x128xf32, #tpu.memory_space<hbm>>)
    %parallel_loop3A_604 = arith.constant 0 : i32
    %parallel_loop3A_605 = arith.constant 1216 : i32
    %parallel_loop3A_606 = arith.constant 1 : i32
    scf.for %parallel_loop3A_808 = %parallel_loop3A_604 to %parallel_loop3A_605 step %parallel_loop3A_606  : i32 {
      %parallel_loop3A_809 = arith.constant 4 : i32
      %parallel_loop3A_810 = arith.shrsi %parallel_loop3A_808, %parallel_loop3A_809 : i32
      %parallel_loop3A_811 = arith.constant 3 : i32
      %parallel_loop3A_812 = arith.shrsi %parallel_loop3A_808, %parallel_loop3A_811 : i32
      %parallel_loop3A_813 = arith.constant 1 : i32
      %parallel_loop3A_814 = arith.andi %parallel_loop3A_812, %parallel_loop3A_813 : i32
      %parallel_loop3A_815 = arith.constant 7 : i32
      %parallel_loop3A_816 = arith.andi %parallel_loop3A_808, %parallel_loop3A_815 : i32
      %parallel_loop3A_817 = arith.constant 16 : i32
      %parallel_loop3A_818 = arith.muli %parallel_loop3A_816, %parallel_loop3A_817 : i32
      %parallel_loop3A_819 = vector.broadcast %parallel_loop3A_818 : i32 to vector<16xi32>
      %parallel_loop3A_820 = arith.addi %add3A_378, %parallel_loop3A_819 : vector<16xi32>
      %parallel_loop3A_821 = arith.constant 7 : i32
      %parallel_loop3A_822 = vector.broadcast %parallel_loop3A_821 : i32 to vector<16xi32>
      %parallel_loop3A_823 = arith.shrsi %parallel_loop3A_820, %parallel_loop3A_822 : vector<16xi32>
      %parallel_loop3A_824 = arith.constant 127 : i32
      %parallel_loop3A_825 = vector.broadcast %parallel_loop3A_824 : i32 to vector<16xi32>
      %parallel_loop3A_826 = arith.andi %parallel_loop3A_820, %parallel_loop3A_825 : vector<16xi32>
      %parallel_loop3A_827 = arith.addi %parallel_loop3A_810, %select_n3A_251 : i32
      %parallel_loop3A_828 = arith.constant 2 : i32
      %parallel_loop3A_829 = arith.muli %parallel_loop3A_828, %parallel_loop3A_827 : i32
      %parallel_loop3A_830 = arith.addi %parallel_loop3A_829, %parallel_loop3A_814 : i32
      %parallel_loop3A_831 = arith.constant 1 : i32
      %parallel_loop3A_832 = vector.broadcast %parallel_loop3A_831 : i32 to vector<16xi32>
      %parallel_loop3A_833 = arith.shli %parallel_loop3A_823, %parallel_loop3A_832 : vector<16xi32>
      %parallel_loop3A_834 = vector.broadcast %parallel_loop3A_830 : i32 to vector<16xi32>
      %parallel_loop3A_835 = arith.addi %parallel_loop3A_834, %parallel_loop3A_833 : vector<16xi32>
      %parallel_loop3A_836 = tpu.vector_load_idx %arg4[%parallel_loop3A_835, %parallel_loop3A_826] : memref<168x128xf32, #tpu.memory_space<vmem>>[vector<16xi32>, vector<16xi32>], vector<16xf32>,
      %parallel_loop3A_837 = arith.constant 3 : i32
      %parallel_loop3A_838 = arith.shrsi %parallel_loop3A_808, %parallel_loop3A_837 : i32
      %parallel_loop3A_839 = arith.constant 7 : i32
      %parallel_loop3A_840 = arith.andi %parallel_loop3A_808, %parallel_loop3A_839 : i32
      %parallel_loop3A_841 = arith.constant 16 : i32
      %parallel_loop3A_842 = arith.muli %parallel_loop3A_840, %parallel_loop3A_841 : i32
      %parallel_loop3A_843 = tpu.assume_multiple %parallel_loop3A_842, 8 : i32
      %parallel_loop3A_844 = arith.index_cast %parallel_loop3A_838 : i32 to index
      %parallel_loop3A_845 = arith.index_cast %parallel_loop3A_843 : i32 to index
      %parallel_loop3A_846 = tpu.vector_load %arg6[%parallel_loop3A_844, %parallel_loop3A_845] {strides = array<i32>} : memref<152x128xf32, #tpu.memory_space<vmem>>, vector<16xf32>,
      tpu.vector_store %arg6[%parallel_loop3A_844, %parallel_loop3A_845], %parallel_loop3A_836 {strides = array<i32>} : memref<152x128xf32, #tpu.memory_space<vmem>>, vector<16xf32>,
    } {sc.loop_unroll_factor = 16 : i64, sc.parallel_access}
    %add3A_607 = arith.constant 1216 : i32
    %add3A_608 = arith.addi %multiple_of3A_126, %add3A_607 : i32
    %dma_start3A_609 = arith.constant 0 : i32
    %dma_start3A_610 = tpu.memref_slice %arg3[%add3A_608, %dma_start3A_609] : memref<77824x128xf32, #tpu.memory_space<hbm>> -> memref<152x128xf32, #tpu.memory_space<hbm>>
    %dma_start3A_611 = arith.constant 0 : i32
    %dma_start3A_612 = tpu.memref_slice %arg3[%add3A_608, %dma_start3A_611] : memref<77824x128xf32, #tpu.memory_space<hbm>> -> memref<152x128xf32, #tpu.memory_space<hbm>>
    tpu.enqueue_dma source(%arg6 : memref<152x128xf32, #tpu.memory_space<vmem>>) target(%dma_start3A_612 : memref<152x128xf32, #tpu.memory_space<hbm>>) target_semaphore(%arg10 : memref<!tpu.dma_semaphore, #tpu.memory_space<semaphore_mem>>)
    %add3A_613 = arith.constant 1520 : i32
    %add3A_614 = arith.addi %multiple_of3A, %add3A_613 : i32
    %dma_start3A_615 = arith.constant 0 : i32
    %dma_start3A_616 = tpu.memref_slice %arg2[%add3A_614, %dma_start3A_615] : memref<81920x128xf32, #tpu.memory_space<hbm>> -> memref<168x128xf32, #tpu.memory_space<hbm>>
    %dma_start3A_617 = arith.constant 0 : i32
    %dma_start3A_618 = tpu.memref_slice %arg2[%add3A_614, %dma_start3A_617] : memref<81920x128xf32, #tpu.memory_space<hbm>> -> memref<168x128xf32, #tpu.memory_space<hbm>>
    tpu.enqueue_dma source(%dma_start3A_618 : memref<168x128xf32, #tpu.memory_space<hbm>>) target(%arg4 : memref<168x128xf32, #tpu.memory_space<vmem>>) target_semaphore(%arg8 : memref<!tpu.dma_semaphore, #tpu.memory_space<semaphore_mem>>)
    %add3A_619 = arith.constant 1368 : i32
    %add3A_620 = arith.addi %multiple_of3A, %add3A_619 : i32
    %dma_wait3A_621 = arith.constant 0 : i32
    %dma_wait3A_622 = tpu.memref_slice %arg2[%add3A_620, %dma_wait3A_621] : memref<81920x128xf32, #tpu.memory_space<hbm>> -> memref<168x128xf32, #tpu.memory_space<hbm>>
    %dma_wait3A_623 = arith.constant 0 : i32
    %dma_wait3A_624 = tpu.memref_slice %arg2[%add3A_620, %dma_wait3A_623] : memref<81920x128xf32, #tpu.memory_space<hbm>> -> memref<168x128xf32, #tpu.memory_space<hbm>>
    tpu.wait_dma2 semaphore(%arg9 : memref<!tpu.dma_semaphore, #tpu.memory_space<semaphore_mem>>) src(%dma_wait3A_624 : memref<168x128xf32, #tpu.memory_space<hbm>>) dst(%arg5 : memref<168x128xf32, #tpu.memory_space<vmem>>)
    %add3A_625 = arith.constant 1064 : i32
    %add3A_626 = arith.addi %multiple_of3A_126, %add3A_625 : i32
    %dma_wait3A_627 = arith.constant 0 : i32
    %dma_wait3A_628 = tpu.memref_slice %arg3[%add3A_626, %dma_wait3A_627] : memref<77824x128xf32, #tpu.memory_space<hbm>> -> memref<152x128xf32, #tpu.memory_space<hbm>>
    %dma_wait3A_629 = arith.constant 0 : i32
    %dma_wait3A_630 = tpu.memref_slice %arg3[%add3A_626, %dma_wait3A_629] : memref<77824x128xf32, #tpu.memory_space<hbm>> -> memref<152x128xf32, #tpu.memory_space<hbm>>
    tpu.wait_dma2 semaphore(%arg11 : memref<!tpu.dma_semaphore, #tpu.memory_space<semaphore_mem>>) src(%arg7 : memref<152x128xf32, #tpu.memory_space<vmem>>) dst(%dma_wait3A_630 : memref<152x128xf32, #tpu.memory_space<hbm>>)
    %parallel_loop3A_631 = arith.constant 0 : i32
    %parallel_loop3A_632 = arith.constant 1216 : i32
    %parallel_loop3A_633 = arith.constant 1 : i32
    scf.for %parallel_loop3A_808 = %parallel_loop3A_631 to %parallel_loop3A_632 step %parallel_loop3A_633  : i32 {
      %parallel_loop3A_809 = arith.constant 4 : i32
      %parallel_loop3A_810 = arith.shrsi %parallel_loop3A_808, %parallel_loop3A_809 : i32
      %parallel_loop3A_811 = arith.constant 3 : i32
      %parallel_loop3A_812 = arith.shrsi %parallel_loop3A_808, %parallel_loop3A_811 : i32
      %parallel_loop3A_813 = arith.constant 1 : i32
      %parallel_loop3A_814 = arith.andi %parallel_loop3A_812, %parallel_loop3A_813 : i32
      %parallel_loop3A_815 = arith.constant 7 : i32
      %parallel_loop3A_816 = arith.andi %parallel_loop3A_808, %parallel_loop3A_815 : i32
      %parallel_loop3A_817 = arith.constant 16 : i32
      %parallel_loop3A_818 = arith.muli %parallel_loop3A_816, %parallel_loop3A_817 : i32
      %parallel_loop3A_819 = vector.broadcast %parallel_loop3A_818 : i32 to vector<16xi32>
      %parallel_loop3A_820 = arith.addi %add3A_378, %parallel_loop3A_819 : vector<16xi32>
      %parallel_loop3A_821 = arith.constant 7 : i32
      %parallel_loop3A_822 = vector.broadcast %parallel_loop3A_821 : i32 to vector<16xi32>
      %parallel_loop3A_823 = arith.shrsi %parallel_loop3A_820, %parallel_loop3A_822 : vector<16xi32>
      %parallel_loop3A_824 = arith.constant 127 : i32
      %parallel_loop3A_825 = vector.broadcast %parallel_loop3A_824 : i32 to vector<16xi32>
      %parallel_loop3A_826 = arith.andi %parallel_loop3A_820, %parallel_loop3A_825 : vector<16xi32>
      %parallel_loop3A_827 = arith.addi %parallel_loop3A_810, %select_n3A_251 : i32
      %parallel_loop3A_828 = arith.constant 2 : i32
      %parallel_loop3A_829 = arith.muli %parallel_loop3A_828, %parallel_loop3A_827 : i32
      %parallel_loop3A_830 = arith.addi %parallel_loop3A_829, %parallel_loop3A_814 : i32
      %parallel_loop3A_831 = arith.constant 1 : i32
      %parallel_loop3A_832 = vector.broadcast %parallel_loop3A_831 : i32 to vector<16xi32>
      %parallel_loop3A_833 = arith.shli %parallel_loop3A_823, %parallel_loop3A_832 : vector<16xi32>
      %parallel_loop3A_834 = vector.broadcast %parallel_loop3A_830 : i32 to vector<16xi32>
      %parallel_loop3A_835 = arith.addi %parallel_loop3A_834, %parallel_loop3A_833 : vector<16xi32>
      %parallel_loop3A_836 = tpu.vector_load_idx %arg5[%parallel_loop3A_835, %parallel_loop3A_826] : memref<168x128xf32, #tpu.memory_space<vmem>>[vector<16xi32>, vector<16xi32>], vector<16xf32>,
      %parallel_loop3A_837 = arith.constant 3 : i32
      %parallel_loop3A_838 = arith.shrsi %parallel_loop3A_808, %parallel_loop3A_837 : i32
      %parallel_loop3A_839 = arith.constant 7 : i32
      %parallel_loop3A_840 = arith.andi %parallel_loop3A_808, %parallel_loop3A_839 : i32
      %parallel_loop3A_841 = arith.constant 16 : i32
      %parallel_loop3A_842 = arith.muli %parallel_loop3A_840, %parallel_loop3A_841 : i32
      %parallel_loop3A_843 = tpu.assume_multiple %parallel_loop3A_842, 8 : i32
      %parallel_loop3A_844 = arith.index_cast %parallel_loop3A_838 : i32 to index
      %parallel_loop3A_845 = arith.index_cast %parallel_loop3A_843 : i32 to index
      %parallel_loop3A_846 = tpu.vector_load %arg7[%parallel_loop3A_844, %parallel_loop3A_845] {strides = array<i32>} : memref<152x128xf32, #tpu.memory_space<vmem>>, vector<16xf32>,
      tpu.vector_store %arg7[%parallel_loop3A_844, %parallel_loop3A_845], %parallel_loop3A_836 {strides = array<i32>} : memref<152x128xf32, #tpu.memory_space<vmem>>, vector<16xf32>,
    } {sc.loop_unroll_factor = 16 : i64, sc.parallel_access}
    %add3A_634 = arith.constant 1368 : i32
    %add3A_635 = arith.addi %multiple_of3A_126, %add3A_634 : i32
    %dma_start3A_636 = arith.constant 0 : i32
    %dma_start3A_637 = tpu.memref_slice %arg3[%add3A_635, %dma_start3A_636] : memref<77824x128xf32, #tpu.memory_space<hbm>> -> memref<152x128xf32, #tpu.memory_space<hbm>>
    %dma_start3A_638 = arith.constant 0 : i32
    %dma_start3A_639 = tpu.memref_slice %arg3[%add3A_635, %dma_start3A_638] : memref<77824x128xf32, #tpu.memory_space<hbm>> -> memref<152x128xf32, #tpu.memory_space<hbm>>
    tpu.enqueue_dma source(%arg7 : memref<152x128xf32, #tpu.memory_space<vmem>>) target(%dma_start3A_639 : memref<152x128xf32, #tpu.memory_space<hbm>>) target_semaphore(%arg11 : memref<!tpu.dma_semaphore, #tpu.memory_space<semaphore_mem>>)
    %add3A_640 = arith.constant 1672 : i32
    %add3A_641 = arith.addi %multiple_of3A, %add3A_640 : i32
    %dma_start3A_642 = arith.constant 0 : i32
    %dma_start3A_643 = tpu.memref_slice %arg2[%add3A_641, %dma_start3A_642] : memref<81920x128xf32, #tpu.memory_space<hbm>> -> memref<168x128xf32, #tpu.memory_space<hbm>>
    %dma_start3A_644 = arith.constant 0 : i32
    %dma_start3A_645 = tpu.memref_slice %arg2[%add3A_641, %dma_start3A_644] : memref<81920x128xf32, #tpu.memory_space<hbm>> -> memref<168x128xf32, #tpu.memory_space<hbm>>
    tpu.enqueue_dma source(%dma_start3A_645 : memref<168x128xf32, #tpu.memory_space<hbm>>) target(%arg5 : memref<168x128xf32, #tpu.memory_space<vmem>>) target_semaphore(%arg9 : memref<!tpu.dma_semaphore, #tpu.memory_space<semaphore_mem>>)
    %add3A_646 = arith.constant 1520 : i32
    %add3A_647 = arith.addi %multiple_of3A, %add3A_646 : i32
    %dma_wait3A_648 = arith.constant 0 : i32
    %dma_wait3A_649 = tpu.memref_slice %arg2[%add3A_647, %dma_wait3A_648] : memref<81920x128xf32, #tpu.memory_space<hbm>> -> memref<168x128xf32, #tpu.memory_space<hbm>>
    %dma_wait3A_650 = arith.constant 0 : i32
    %dma_wait3A_651 = tpu.memref_slice %arg2[%add3A_647, %dma_wait3A_650] : memref<81920x128xf32, #tpu.memory_space<hbm>> -> memref<168x128xf32, #tpu.memory_space<hbm>>
    tpu.wait_dma2 semaphore(%arg8 : memref<!tpu.dma_semaphore, #tpu.memory_space<semaphore_mem>>) src(%dma_wait3A_651 : memref<168x128xf32, #tpu.memory_space<hbm>>) dst(%arg4 : memref<168x128xf32, #tpu.memory_space<vmem>>)
    %add3A_652 = arith.constant 1216 : i32
    %add3A_653 = arith.addi %multiple_of3A_126, %add3A_652 : i32
    %dma_wait3A_654 = arith.constant 0 : i32
    %dma_wait3A_655 = tpu.memref_slice %arg3[%add3A_653, %dma_wait3A_654] : memref<77824x128xf32, #tpu.memory_space<hbm>> -> memref<152x128xf32, #tpu.memory_space<hbm>>
    %dma_wait3A_656 = arith.constant 0 : i32
    %dma_wait3A_657 = tpu.memref_slice %arg3[%add3A_653, %dma_wait3A_656] : memref<77824x128xf32, #tpu.memory_space<hbm>> -> memref<152x128xf32, #tpu.memory_space<hbm>>
    tpu.wait_dma2 semaphore(%arg10 : memref<!tpu.dma_semaphore, #tpu.memory_space<semaphore_mem>>) src(%arg6 : memref<152x128xf32, #tpu.memory_space<vmem>>) dst(%dma_wait3A_657 : memref<152x128xf32, #tpu.memory_space<hbm>>)
    %parallel_loop3A_658 = arith.constant 0 : i32
    %parallel_loop3A_659 = arith.constant 1216 : i32
    %parallel_loop3A_660 = arith.constant 1 : i32
    scf.for %parallel_loop3A_808 = %parallel_loop3A_658 to %parallel_loop3A_659 step %parallel_loop3A_660  : i32 {
      %parallel_loop3A_809 = arith.constant 4 : i32
      %parallel_loop3A_810 = arith.shrsi %parallel_loop3A_808, %parallel_loop3A_809 : i32
      %parallel_loop3A_811 = arith.constant 3 : i32
      %parallel_loop3A_812 = arith.shrsi %parallel_loop3A_808, %parallel_loop3A_811 : i32
      %parallel_loop3A_813 = arith.constant 1 : i32
      %parallel_loop3A_814 = arith.andi %parallel_loop3A_812, %parallel_loop3A_813 : i32
      %parallel_loop3A_815 = arith.constant 7 : i32
      %parallel_loop3A_816 = arith.andi %parallel_loop3A_808, %parallel_loop3A_815 : i32
      %parallel_loop3A_817 = arith.constant 16 : i32
      %parallel_loop3A_818 = arith.muli %parallel_loop3A_816, %parallel_loop3A_817 : i32
      %parallel_loop3A_819 = vector.broadcast %parallel_loop3A_818 : i32 to vector<16xi32>
      %parallel_loop3A_820 = arith.addi %add3A_378, %parallel_loop3A_819 : vector<16xi32>
      %parallel_loop3A_821 = arith.constant 7 : i32
      %parallel_loop3A_822 = vector.broadcast %parallel_loop3A_821 : i32 to vector<16xi32>
      %parallel_loop3A_823 = arith.shrsi %parallel_loop3A_820, %parallel_loop3A_822 : vector<16xi32>
      %parallel_loop3A_824 = arith.constant 127 : i32
      %parallel_loop3A_825 = vector.broadcast %parallel_loop3A_824 : i32 to vector<16xi32>
      %parallel_loop3A_826 = arith.andi %parallel_loop3A_820, %parallel_loop3A_825 : vector<16xi32>
      %parallel_loop3A_827 = arith.addi %parallel_loop3A_810, %select_n3A_251 : i32
      %parallel_loop3A_828 = arith.constant 2 : i32
      %parallel_loop3A_829 = arith.muli %parallel_loop3A_828, %parallel_loop3A_827 : i32
      %parallel_loop3A_830 = arith.addi %parallel_loop3A_829, %parallel_loop3A_814 : i32
      %parallel_loop3A_831 = arith.constant 1 : i32
      %parallel_loop3A_832 = vector.broadcast %parallel_loop3A_831 : i32 to vector<16xi32>
      %parallel_loop3A_833 = arith.shli %parallel_loop3A_823, %parallel_loop3A_832 : vector<16xi32>
      %parallel_loop3A_834 = vector.broadcast %parallel_loop3A_830 : i32 to vector<16xi32>
      %parallel_loop3A_835 = arith.addi %parallel_loop3A_834, %parallel_loop3A_833 : vector<16xi32>
      %parallel_loop3A_836 = tpu.vector_load_idx %arg4[%parallel_loop3A_835, %parallel_loop3A_826] : memref<168x128xf32, #tpu.memory_space<vmem>>[vector<16xi32>, vector<16xi32>], vector<16xf32>,
      %parallel_loop3A_837 = arith.constant 3 : i32
      %parallel_loop3A_838 = arith.shrsi %parallel_loop3A_808, %parallel_loop3A_837 : i32
      %parallel_loop3A_839 = arith.constant 7 : i32
      %parallel_loop3A_840 = arith.andi %parallel_loop3A_808, %parallel_loop3A_839 : i32
      %parallel_loop3A_841 = arith.constant 16 : i32
      %parallel_loop3A_842 = arith.muli %parallel_loop3A_840, %parallel_loop3A_841 : i32
      %parallel_loop3A_843 = tpu.assume_multiple %parallel_loop3A_842, 8 : i32
      %parallel_loop3A_844 = arith.index_cast %parallel_loop3A_838 : i32 to index
      %parallel_loop3A_845 = arith.index_cast %parallel_loop3A_843 : i32 to index
      %parallel_loop3A_846 = tpu.vector_load %arg6[%parallel_loop3A_844, %parallel_loop3A_845] {strides = array<i32>} : memref<152x128xf32, #tpu.memory_space<vmem>>, vector<16xf32>,
      tpu.vector_store %arg6[%parallel_loop3A_844, %parallel_loop3A_845], %parallel_loop3A_836 {strides = array<i32>} : memref<152x128xf32, #tpu.memory_space<vmem>>, vector<16xf32>,
    } {sc.loop_unroll_factor = 16 : i64, sc.parallel_access}
    %add3A_661 = arith.constant 1520 : i32
    %add3A_662 = arith.addi %multiple_of3A_126, %add3A_661 : i32
    %dma_start3A_663 = arith.constant 0 : i32
    %dma_start3A_664 = tpu.memref_slice %arg3[%add3A_662, %dma_start3A_663] : memref<77824x128xf32, #tpu.memory_space<hbm>> -> memref<152x128xf32, #tpu.memory_space<hbm>>
    %dma_start3A_665 = arith.constant 0 : i32
    %dma_start3A_666 = tpu.memref_slice %arg3[%add3A_662, %dma_start3A_665] : memref<77824x128xf32, #tpu.memory_space<hbm>> -> memref<152x128xf32, #tpu.memory_space<hbm>>
    tpu.enqueue_dma source(%arg6 : memref<152x128xf32, #tpu.memory_space<vmem>>) target(%dma_start3A_666 : memref<152x128xf32, #tpu.memory_space<hbm>>) target_semaphore(%arg10 : memref<!tpu.dma_semaphore, #tpu.memory_space<semaphore_mem>>)
    %add3A_667 = arith.constant 1824 : i32
    %add3A_668 = arith.addi %multiple_of3A, %add3A_667 : i32
    %dma_start3A_669 = arith.constant 0 : i32
    %dma_start3A_670 = tpu.memref_slice %arg2[%add3A_668, %dma_start3A_669] : memref<81920x128xf32, #tpu.memory_space<hbm>> -> memref<168x128xf32, #tpu.memory_space<hbm>>
    %dma_start3A_671 = arith.constant 0 : i32
    %dma_start3A_672 = tpu.memref_slice %arg2[%add3A_668, %dma_start3A_671] : memref<81920x128xf32, #tpu.memory_space<hbm>> -> memref<168x128xf32, #tpu.memory_space<hbm>>
    tpu.enqueue_dma source(%dma_start3A_672 : memref<168x128xf32, #tpu.memory_space<hbm>>) target(%arg4 : memref<168x128xf32, #tpu.memory_space<vmem>>) target_semaphore(%arg8 : memref<!tpu.dma_semaphore, #tpu.memory_space<semaphore_mem>>)
    %add3A_673 = arith.constant 1672 : i32
    %add3A_674 = arith.addi %multiple_of3A, %add3A_673 : i32
    %dma_wait3A_675 = arith.constant 0 : i32
    %dma_wait3A_676 = tpu.memref_slice %arg2[%add3A_674, %dma_wait3A_675] : memref<81920x128xf32, #tpu.memory_space<hbm>> -> memref<168x128xf32, #tpu.memory_space<hbm>>
    %dma_wait3A_677 = arith.constant 0 : i32
    %dma_wait3A_678 = tpu.memref_slice %arg2[%add3A_674, %dma_wait3A_677] : memref<81920x128xf32, #tpu.memory_space<hbm>> -> memref<168x128xf32, #tpu.memory_space<hbm>>
    tpu.wait_dma2 semaphore(%arg9 : memref<!tpu.dma_semaphore, #tpu.memory_space<semaphore_mem>>) src(%dma_wait3A_678 : memref<168x128xf32, #tpu.memory_space<hbm>>) dst(%arg5 : memref<168x128xf32, #tpu.memory_space<vmem>>)
    %add3A_679 = arith.constant 1368 : i32
    %add3A_680 = arith.addi %multiple_of3A_126, %add3A_679 : i32
    %dma_wait3A_681 = arith.constant 0 : i32
    %dma_wait3A_682 = tpu.memref_slice %arg3[%add3A_680, %dma_wait3A_681] : memref<77824x128xf32, #tpu.memory_space<hbm>> -> memref<152x128xf32, #tpu.memory_space<hbm>>
    %dma_wait3A_683 = arith.constant 0 : i32
    %dma_wait3A_684 = tpu.memref_slice %arg3[%add3A_680, %dma_wait3A_683] : memref<77824x128xf32, #tpu.memory_space<hbm>> -> memref<152x128xf32, #tpu.memory_space<hbm>>
    tpu.wait_dma2 semaphore(%arg11 : memref<!tpu.dma_semaphore, #tpu.memory_space<semaphore_mem>>) src(%arg7 : memref<152x128xf32, #tpu.memory_space<vmem>>) dst(%dma_wait3A_684 : memref<152x128xf32, #tpu.memory_space<hbm>>)
    %parallel_loop3A_685 = arith.constant 0 : i32
    %parallel_loop3A_686 = arith.constant 1216 : i32
    %parallel_loop3A_687 = arith.constant 1 : i32
    scf.for %parallel_loop3A_808 = %parallel_loop3A_685 to %parallel_loop3A_686 step %parallel_loop3A_687  : i32 {
      %parallel_loop3A_809 = arith.constant 4 : i32
      %parallel_loop3A_810 = arith.shrsi %parallel_loop3A_808, %parallel_loop3A_809 : i32
      %parallel_loop3A_811 = arith.constant 3 : i32
      %parallel_loop3A_812 = arith.shrsi %parallel_loop3A_808, %parallel_loop3A_811 : i32
      %parallel_loop3A_813 = arith.constant 1 : i32
      %parallel_loop3A_814 = arith.andi %parallel_loop3A_812, %parallel_loop3A_813 : i32
      %parallel_loop3A_815 = arith.constant 7 : i32
      %parallel_loop3A_816 = arith.andi %parallel_loop3A_808, %parallel_loop3A_815 : i32
      %parallel_loop3A_817 = arith.constant 16 : i32
      %parallel_loop3A_818 = arith.muli %parallel_loop3A_816, %parallel_loop3A_817 : i32
      %parallel_loop3A_819 = vector.broadcast %parallel_loop3A_818 : i32 to vector<16xi32>
      %parallel_loop3A_820 = arith.addi %add3A_378, %parallel_loop3A_819 : vector<16xi32>
      %parallel_loop3A_821 = arith.constant 7 : i32
      %parallel_loop3A_822 = vector.broadcast %parallel_loop3A_821 : i32 to vector<16xi32>
      %parallel_loop3A_823 = arith.shrsi %parallel_loop3A_820, %parallel_loop3A_822 : vector<16xi32>
      %parallel_loop3A_824 = arith.constant 127 : i32
      %parallel_loop3A_825 = vector.broadcast %parallel_loop3A_824 : i32 to vector<16xi32>
      %parallel_loop3A_826 = arith.andi %parallel_loop3A_820, %parallel_loop3A_825 : vector<16xi32>
      %parallel_loop3A_827 = arith.addi %parallel_loop3A_810, %select_n3A_251 : i32
      %parallel_loop3A_828 = arith.constant 2 : i32
      %parallel_loop3A_829 = arith.muli %parallel_loop3A_828, %parallel_loop3A_827 : i32
      %parallel_loop3A_830 = arith.addi %parallel_loop3A_829, %parallel_loop3A_814 : i32
      %parallel_loop3A_831 = arith.constant 1 : i32
      %parallel_loop3A_832 = vector.broadcast %parallel_loop3A_831 : i32 to vector<16xi32>
      %parallel_loop3A_833 = arith.shli %parallel_loop3A_823, %parallel_loop3A_832 : vector<16xi32>
      %parallel_loop3A_834 = vector.broadcast %parallel_loop3A_830 : i32 to vector<16xi32>
      %parallel_loop3A_835 = arith.addi %parallel_loop3A_834, %parallel_loop3A_833 : vector<16xi32>
      %parallel_loop3A_836 = tpu.vector_load_idx %arg5[%parallel_loop3A_835, %parallel_loop3A_826] : memref<168x128xf32, #tpu.memory_space<vmem>>[vector<16xi32>, vector<16xi32>], vector<16xf32>,
      %parallel_loop3A_837 = arith.constant 3 : i32
      %parallel_loop3A_838 = arith.shrsi %parallel_loop3A_808, %parallel_loop3A_837 : i32
      %parallel_loop3A_839 = arith.constant 7 : i32
      %parallel_loop3A_840 = arith.andi %parallel_loop3A_808, %parallel_loop3A_839 : i32
      %parallel_loop3A_841 = arith.constant 16 : i32
      %parallel_loop3A_842 = arith.muli %parallel_loop3A_840, %parallel_loop3A_841 : i32
      %parallel_loop3A_843 = tpu.assume_multiple %parallel_loop3A_842, 8 : i32
      %parallel_loop3A_844 = arith.index_cast %parallel_loop3A_838 : i32 to index
      %parallel_loop3A_845 = arith.index_cast %parallel_loop3A_843 : i32 to index
      %parallel_loop3A_846 = tpu.vector_load %arg7[%parallel_loop3A_844, %parallel_loop3A_845] {strides = array<i32>} : memref<152x128xf32, #tpu.memory_space<vmem>>, vector<16xf32>,
      tpu.vector_store %arg7[%parallel_loop3A_844, %parallel_loop3A_845], %parallel_loop3A_836 {strides = array<i32>} : memref<152x128xf32, #tpu.memory_space<vmem>>, vector<16xf32>,
    } {sc.loop_unroll_factor = 16 : i64, sc.parallel_access}
    %add3A_688 = arith.constant 1672 : i32
    %add3A_689 = arith.addi %multiple_of3A_126, %add3A_688 : i32
    %dma_start3A_690 = arith.constant 0 : i32
    %dma_start3A_691 = tpu.memref_slice %arg3[%add3A_689, %dma_start3A_690] : memref<77824x128xf32, #tpu.memory_space<hbm>> -> memref<152x128xf32, #tpu.memory_space<hbm>>
    %dma_start3A_692 = arith.constant 0 : i32
    %dma_start3A_693 = tpu.memref_slice %arg3[%add3A_689, %dma_start3A_692] : memref<77824x128xf32, #tpu.memory_space<hbm>> -> memref<152x128xf32, #tpu.memory_space<hbm>>
    tpu.enqueue_dma source(%arg7 : memref<152x128xf32, #tpu.memory_space<vmem>>) target(%dma_start3A_693 : memref<152x128xf32, #tpu.memory_space<hbm>>) target_semaphore(%arg11 : memref<!tpu.dma_semaphore, #tpu.memory_space<semaphore_mem>>)
    %add3A_694 = arith.constant 1976 : i32
    %add3A_695 = arith.addi %multiple_of3A, %add3A_694 : i32
    %dma_start3A_696 = arith.constant 0 : i32
    %dma_start3A_697 = tpu.memref_slice %arg2[%add3A_695, %dma_start3A_696] : memref<81920x128xf32, #tpu.memory_space<hbm>> -> memref<168x128xf32, #tpu.memory_space<hbm>>
    %dma_start3A_698 = arith.constant 0 : i32
    %dma_start3A_699 = tpu.memref_slice %arg2[%add3A_695, %dma_start3A_698] : memref<81920x128xf32, #tpu.memory_space<hbm>> -> memref<168x128xf32, #tpu.memory_space<hbm>>
    tpu.enqueue_dma source(%dma_start3A_699 : memref<168x128xf32, #tpu.memory_space<hbm>>) target(%arg5 : memref<168x128xf32, #tpu.memory_space<vmem>>) target_semaphore(%arg9 : memref<!tpu.dma_semaphore, #tpu.memory_space<semaphore_mem>>)
    %add3A_700 = arith.constant 1824 : i32
    %add3A_701 = arith.addi %multiple_of3A, %add3A_700 : i32
    %dma_wait3A_702 = arith.constant 0 : i32
    %dma_wait3A_703 = tpu.memref_slice %arg2[%add3A_701, %dma_wait3A_702] : memref<81920x128xf32, #tpu.memory_space<hbm>> -> memref<168x128xf32, #tpu.memory_space<hbm>>
    %dma_wait3A_704 = arith.constant 0 : i32
    %dma_wait3A_705 = tpu.memref_slice %arg2[%add3A_701, %dma_wait3A_704] : memref<81920x128xf32, #tpu.memory_space<hbm>> -> memref<168x128xf32, #tpu.memory_space<hbm>>
    tpu.wait_dma2 semaphore(%arg8 : memref<!tpu.dma_semaphore, #tpu.memory_space<semaphore_mem>>) src(%dma_wait3A_705 : memref<168x128xf32, #tpu.memory_space<hbm>>) dst(%arg4 : memref<168x128xf32, #tpu.memory_space<vmem>>)
    %add3A_706 = arith.constant 1520 : i32
    %add3A_707 = arith.addi %multiple_of3A_126, %add3A_706 : i32
    %dma_wait3A_708 = arith.constant 0 : i32
    %dma_wait3A_709 = tpu.memref_slice %arg3[%add3A_707, %dma_wait3A_708] : memref<77824x128xf32, #tpu.memory_space<hbm>> -> memref<152x128xf32, #tpu.memory_space<hbm>>
    %dma_wait3A_710 = arith.constant 0 : i32
    %dma_wait3A_711 = tpu.memref_slice %arg3[%add3A_707, %dma_wait3A_710] : memref<77824x128xf32, #tpu.memory_space<hbm>> -> memref<152x128xf32, #tpu.memory_space<hbm>>
    tpu.wait_dma2 semaphore(%arg10 : memref<!tpu.dma_semaphore, #tpu.memory_space<semaphore_mem>>) src(%arg6 : memref<152x128xf32, #tpu.memory_space<vmem>>) dst(%dma_wait3A_711 : memref<152x128xf32, #tpu.memory_space<hbm>>)
    %parallel_loop3A_712 = arith.constant 0 : i32
    %parallel_loop3A_713 = arith.constant 1216 : i32
    %parallel_loop3A_714 = arith.constant 1 : i32
    scf.for %parallel_loop3A_808 = %parallel_loop3A_712 to %parallel_loop3A_713 step %parallel_loop3A_714  : i32 {
      %parallel_loop3A_809 = arith.constant 4 : i32
      %parallel_loop3A_810 = arith.shrsi %parallel_loop3A_808, %parallel_loop3A_809 : i32
      %parallel_loop3A_811 = arith.constant 3 : i32
      %parallel_loop3A_812 = arith.shrsi %parallel_loop3A_808, %parallel_loop3A_811 : i32
      %parallel_loop3A_813 = arith.constant 1 : i32
      %parallel_loop3A_814 = arith.andi %parallel_loop3A_812, %parallel_loop3A_813 : i32
      %parallel_loop3A_815 = arith.constant 7 : i32
      %parallel_loop3A_816 = arith.andi %parallel_loop3A_808, %parallel_loop3A_815 : i32
      %parallel_loop3A_817 = arith.constant 16 : i32
      %parallel_loop3A_818 = arith.muli %parallel_loop3A_816, %parallel_loop3A_817 : i32
      %parallel_loop3A_819 = vector.broadcast %parallel_loop3A_818 : i32 to vector<16xi32>
      %parallel_loop3A_820 = arith.addi %add3A_378, %parallel_loop3A_819 : vector<16xi32>
      %parallel_loop3A_821 = arith.constant 7 : i32
      %parallel_loop3A_822 = vector.broadcast %parallel_loop3A_821 : i32 to vector<16xi32>
      %parallel_loop3A_823 = arith.shrsi %parallel_loop3A_820, %parallel_loop3A_822 : vector<16xi32>
      %parallel_loop3A_824 = arith.constant 127 : i32
      %parallel_loop3A_825 = vector.broadcast %parallel_loop3A_824 : i32 to vector<16xi32>
      %parallel_loop3A_826 = arith.andi %parallel_loop3A_820, %parallel_loop3A_825 : vector<16xi32>
      %parallel_loop3A_827 = arith.addi %parallel_loop3A_810, %select_n3A_251 : i32
      %parallel_loop3A_828 = arith.constant 2 : i32
      %parallel_loop3A_829 = arith.muli %parallel_loop3A_828, %parallel_loop3A_827 : i32
      %parallel_loop3A_830 = arith.addi %parallel_loop3A_829, %parallel_loop3A_814 : i32
      %parallel_loop3A_831 = arith.constant 1 : i32
      %parallel_loop3A_832 = vector.broadcast %parallel_loop3A_831 : i32 to vector<16xi32>
      %parallel_loop3A_833 = arith.shli %parallel_loop3A_823, %parallel_loop3A_832 : vector<16xi32>
      %parallel_loop3A_834 = vector.broadcast %parallel_loop3A_830 : i32 to vector<16xi32>
      %parallel_loop3A_835 = arith.addi %parallel_loop3A_834, %parallel_loop3A_833 : vector<16xi32>
      %parallel_loop3A_836 = tpu.vector_load_idx %arg4[%parallel_loop3A_835, %parallel_loop3A_826] : memref<168x128xf32, #tpu.memory_space<vmem>>[vector<16xi32>, vector<16xi32>], vector<16xf32>,
      %parallel_loop3A_837 = arith.constant 3 : i32
      %parallel_loop3A_838 = arith.shrsi %parallel_loop3A_808, %parallel_loop3A_837 : i32
      %parallel_loop3A_839 = arith.constant 7 : i32
      %parallel_loop3A_840 = arith.andi %parallel_loop3A_808, %parallel_loop3A_839 : i32
      %parallel_loop3A_841 = arith.constant 16 : i32
      %parallel_loop3A_842 = arith.muli %parallel_loop3A_840, %parallel_loop3A_841 : i32
      %parallel_loop3A_843 = tpu.assume_multiple %parallel_loop3A_842, 8 : i32
      %parallel_loop3A_844 = arith.index_cast %parallel_loop3A_838 : i32 to index
      %parallel_loop3A_845 = arith.index_cast %parallel_loop3A_843 : i32 to index
      %parallel_loop3A_846 = tpu.vector_load %arg6[%parallel_loop3A_844, %parallel_loop3A_845] {strides = array<i32>} : memref<152x128xf32, #tpu.memory_space<vmem>>, vector<16xf32>,
      tpu.vector_store %arg6[%parallel_loop3A_844, %parallel_loop3A_845], %parallel_loop3A_836 {strides = array<i32>} : memref<152x128xf32, #tpu.memory_space<vmem>>, vector<16xf32>,
    } {sc.loop_unroll_factor = 16 : i64, sc.parallel_access}
    %add3A_715 = arith.constant 1824 : i32
    %add3A_716 = arith.addi %multiple_of3A_126, %add3A_715 : i32
    %dma_start3A_717 = arith.constant 0 : i32
    %dma_start3A_718 = tpu.memref_slice %arg3[%add3A_716, %dma_start3A_717] : memref<77824x128xf32, #tpu.memory_space<hbm>> -> memref<152x128xf32, #tpu.memory_space<hbm>>
    %dma_start3A_719 = arith.constant 0 : i32
    %dma_start3A_720 = tpu.memref_slice %arg3[%add3A_716, %dma_start3A_719] : memref<77824x128xf32, #tpu.memory_space<hbm>> -> memref<152x128xf32, #tpu.memory_space<hbm>>
    tpu.enqueue_dma source(%arg6 : memref<152x128xf32, #tpu.memory_space<vmem>>) target(%dma_start3A_720 : memref<152x128xf32, #tpu.memory_space<hbm>>) target_semaphore(%arg10 : memref<!tpu.dma_semaphore, #tpu.memory_space<semaphore_mem>>)
    %add3A_721 = arith.constant 2128 : i32
    %add3A_722 = arith.addi %multiple_of3A, %add3A_721 : i32
    %dma_start3A_723 = arith.constant 0 : i32
    %dma_start3A_724 = tpu.memref_slice %arg2[%add3A_722, %dma_start3A_723] : memref<81920x128xf32, #tpu.memory_space<hbm>> -> memref<168x128xf32, #tpu.memory_space<hbm>>
    %dma_start3A_725 = arith.constant 0 : i32
    %dma_start3A_726 = tpu.memref_slice %arg2[%add3A_722, %dma_start3A_725] : memref<81920x128xf32, #tpu.memory_space<hbm>> -> memref<168x128xf32, #tpu.memory_space<hbm>>
    tpu.enqueue_dma source(%dma_start3A_726 : memref<168x128xf32, #tpu.memory_space<hbm>>) target(%arg4 : memref<168x128xf32, #tpu.memory_space<vmem>>) target_semaphore(%arg8 : memref<!tpu.dma_semaphore, #tpu.memory_space<semaphore_mem>>)
    %add3A_727 = arith.constant 1976 : i32
    %add3A_728 = arith.addi %multiple_of3A, %add3A_727 : i32
    %dma_wait3A_729 = arith.constant 0 : i32
    %dma_wait3A_730 = tpu.memref_slice %arg2[%add3A_728, %dma_wait3A_729] : memref<81920x128xf32, #tpu.memory_space<hbm>> -> memref<168x128xf32, #tpu.memory_space<hbm>>
    %dma_wait3A_731 = arith.constant 0 : i32
    %dma_wait3A_732 = tpu.memref_slice %arg2[%add3A_728, %dma_wait3A_731] : memref<81920x128xf32, #tpu.memory_space<hbm>> -> memref<168x128xf32, #tpu.memory_space<hbm>>
    tpu.wait_dma2 semaphore(%arg9 : memref<!tpu.dma_semaphore, #tpu.memory_space<semaphore_mem>>) src(%dma_wait3A_732 : memref<168x128xf32, #tpu.memory_space<hbm>>) dst(%arg5 : memref<168x128xf32, #tpu.memory_space<vmem>>)
    %add3A_733 = arith.constant 1672 : i32
    %add3A_734 = arith.addi %multiple_of3A_126, %add3A_733 : i32
    %dma_wait3A_735 = arith.constant 0 : i32
    %dma_wait3A_736 = tpu.memref_slice %arg3[%add3A_734, %dma_wait3A_735] : memref<77824x128xf32, #tpu.memory_space<hbm>> -> memref<152x128xf32, #tpu.memory_space<hbm>>
    %dma_wait3A_737 = arith.constant 0 : i32
    %dma_wait3A_738 = tpu.memref_slice %arg3[%add3A_734, %dma_wait3A_737] : memref<77824x128xf32, #tpu.memory_space<hbm>> -> memref<152x128xf32, #tpu.memory_space<hbm>>
    tpu.wait_dma2 semaphore(%arg11 : memref<!tpu.dma_semaphore, #tpu.memory_space<semaphore_mem>>) src(%arg7 : memref<152x128xf32, #tpu.memory_space<vmem>>) dst(%dma_wait3A_738 : memref<152x128xf32, #tpu.memory_space<hbm>>)
    %parallel_loop3A_739 = arith.constant 0 : i32
    %parallel_loop3A_740 = arith.constant 1216 : i32
    %parallel_loop3A_741 = arith.constant 1 : i32
    scf.for %parallel_loop3A_808 = %parallel_loop3A_739 to %parallel_loop3A_740 step %parallel_loop3A_741  : i32 {
      %parallel_loop3A_809 = arith.constant 4 : i32
      %parallel_loop3A_810 = arith.shrsi %parallel_loop3A_808, %parallel_loop3A_809 : i32
      %parallel_loop3A_811 = arith.constant 3 : i32
      %parallel_loop3A_812 = arith.shrsi %parallel_loop3A_808, %parallel_loop3A_811 : i32
      %parallel_loop3A_813 = arith.constant 1 : i32
      %parallel_loop3A_814 = arith.andi %parallel_loop3A_812, %parallel_loop3A_813 : i32
      %parallel_loop3A_815 = arith.constant 7 : i32
      %parallel_loop3A_816 = arith.andi %parallel_loop3A_808, %parallel_loop3A_815 : i32
      %parallel_loop3A_817 = arith.constant 16 : i32
      %parallel_loop3A_818 = arith.muli %parallel_loop3A_816, %parallel_loop3A_817 : i32
      %parallel_loop3A_819 = vector.broadcast %parallel_loop3A_818 : i32 to vector<16xi32>
      %parallel_loop3A_820 = arith.addi %add3A_378, %parallel_loop3A_819 : vector<16xi32>
      %parallel_loop3A_821 = arith.constant 7 : i32
      %parallel_loop3A_822 = vector.broadcast %parallel_loop3A_821 : i32 to vector<16xi32>
      %parallel_loop3A_823 = arith.shrsi %parallel_loop3A_820, %parallel_loop3A_822 : vector<16xi32>
      %parallel_loop3A_824 = arith.constant 127 : i32
      %parallel_loop3A_825 = vector.broadcast %parallel_loop3A_824 : i32 to vector<16xi32>
      %parallel_loop3A_826 = arith.andi %parallel_loop3A_820, %parallel_loop3A_825 : vector<16xi32>
      %parallel_loop3A_827 = arith.addi %parallel_loop3A_810, %select_n3A_251 : i32
      %parallel_loop3A_828 = arith.constant 2 : i32
      %parallel_loop3A_829 = arith.muli %parallel_loop3A_828, %parallel_loop3A_827 : i32
      %parallel_loop3A_830 = arith.addi %parallel_loop3A_829, %parallel_loop3A_814 : i32
      %parallel_loop3A_831 = arith.constant 1 : i32
      %parallel_loop3A_832 = vector.broadcast %parallel_loop3A_831 : i32 to vector<16xi32>
      %parallel_loop3A_833 = arith.shli %parallel_loop3A_823, %parallel_loop3A_832 : vector<16xi32>
      %parallel_loop3A_834 = vector.broadcast %parallel_loop3A_830 : i32 to vector<16xi32>
      %parallel_loop3A_835 = arith.addi %parallel_loop3A_834, %parallel_loop3A_833 : vector<16xi32>
      %parallel_loop3A_836 = tpu.vector_load_idx %arg5[%parallel_loop3A_835, %parallel_loop3A_826] : memref<168x128xf32, #tpu.memory_space<vmem>>[vector<16xi32>, vector<16xi32>], vector<16xf32>,
      %parallel_loop3A_837 = arith.constant 3 : i32
      %parallel_loop3A_838 = arith.shrsi %parallel_loop3A_808, %parallel_loop3A_837 : i32
      %parallel_loop3A_839 = arith.constant 7 : i32
      %parallel_loop3A_840 = arith.andi %parallel_loop3A_808, %parallel_loop3A_839 : i32
      %parallel_loop3A_841 = arith.constant 16 : i32
      %parallel_loop3A_842 = arith.muli %parallel_loop3A_840, %parallel_loop3A_841 : i32
      %parallel_loop3A_843 = tpu.assume_multiple %parallel_loop3A_842, 8 : i32
      %parallel_loop3A_844 = arith.index_cast %parallel_loop3A_838 : i32 to index
      %parallel_loop3A_845 = arith.index_cast %parallel_loop3A_843 : i32 to index
      %parallel_loop3A_846 = tpu.vector_load %arg7[%parallel_loop3A_844, %parallel_loop3A_845] {strides = array<i32>} : memref<152x128xf32, #tpu.memory_space<vmem>>, vector<16xf32>,
      tpu.vector_store %arg7[%parallel_loop3A_844, %parallel_loop3A_845], %parallel_loop3A_836 {strides = array<i32>} : memref<152x128xf32, #tpu.memory_space<vmem>>, vector<16xf32>,
    } {sc.loop_unroll_factor = 16 : i64, sc.parallel_access}
    %add3A_742 = arith.constant 1976 : i32
    %add3A_743 = arith.addi %multiple_of3A_126, %add3A_742 : i32
    %dma_start3A_744 = arith.constant 0 : i32
    %dma_start3A_745 = tpu.memref_slice %arg3[%add3A_743, %dma_start3A_744] : memref<77824x128xf32, #tpu.memory_space<hbm>> -> memref<152x128xf32, #tpu.memory_space<hbm>>
    %dma_start3A_746 = arith.constant 0 : i32
    %dma_start3A_747 = tpu.memref_slice %arg3[%add3A_743, %dma_start3A_746] : memref<77824x128xf32, #tpu.memory_space<hbm>> -> memref<152x128xf32, #tpu.memory_space<hbm>>
    tpu.enqueue_dma source(%arg7 : memref<152x128xf32, #tpu.memory_space<vmem>>) target(%dma_start3A_747 : memref<152x128xf32, #tpu.memory_space<hbm>>) target_semaphore(%arg11 : memref<!tpu.dma_semaphore, #tpu.memory_space<semaphore_mem>>)
    %add3A_748 = arith.constant 2280 : i32
    %add3A_749 = arith.addi %multiple_of3A, %add3A_748 : i32
    %dma_start3A_750 = arith.constant 0 : i32
    %dma_start3A_751 = tpu.memref_slice %arg2[%add3A_749, %dma_start3A_750] : memref<81920x128xf32, #tpu.memory_space<hbm>> -> memref<168x128xf32, #tpu.memory_space<hbm>>
    %dma_start3A_752 = arith.constant 0 : i32
    %dma_start3A_753 = tpu.memref_slice %arg2[%add3A_749, %dma_start3A_752] : memref<81920x128xf32, #tpu.memory_space<hbm>> -> memref<168x128xf32, #tpu.memory_space<hbm>>
    tpu.enqueue_dma source(%dma_start3A_753 : memref<168x128xf32, #tpu.memory_space<hbm>>) target(%arg5 : memref<168x128xf32, #tpu.memory_space<vmem>>) target_semaphore(%arg9 : memref<!tpu.dma_semaphore, #tpu.memory_space<semaphore_mem>>)
    %add3A_754 = arith.constant 2128 : i32
    %add3A_755 = arith.addi %multiple_of3A, %add3A_754 : i32
    %dma_wait3A_756 = arith.constant 0 : i32
    %dma_wait3A_757 = tpu.memref_slice %arg2[%add3A_755, %dma_wait3A_756] : memref<81920x128xf32, #tpu.memory_space<hbm>> -> memref<168x128xf32, #tpu.memory_space<hbm>>
    %dma_wait3A_758 = arith.constant 0 : i32
    %dma_wait3A_759 = tpu.memref_slice %arg2[%add3A_755, %dma_wait3A_758] : memref<81920x128xf32, #tpu.memory_space<hbm>> -> memref<168x128xf32, #tpu.memory_space<hbm>>
    tpu.wait_dma2 semaphore(%arg8 : memref<!tpu.dma_semaphore, #tpu.memory_space<semaphore_mem>>) src(%dma_wait3A_759 : memref<168x128xf32, #tpu.memory_space<hbm>>) dst(%arg4 : memref<168x128xf32, #tpu.memory_space<vmem>>)
    %add3A_760 = arith.constant 1824 : i32
    %add3A_761 = arith.addi %multiple_of3A_126, %add3A_760 : i32
    %dma_wait3A_762 = arith.constant 0 : i32
    %dma_wait3A_763 = tpu.memref_slice %arg3[%add3A_761, %dma_wait3A_762] : memref<77824x128xf32, #tpu.memory_space<hbm>> -> memref<152x128xf32, #tpu.memory_space<hbm>>
    %dma_wait3A_764 = arith.constant 0 : i32
    %dma_wait3A_765 = tpu.memref_slice %arg3[%add3A_761, %dma_wait3A_764] : memref<77824x128xf32, #tpu.memory_space<hbm>> -> memref<152x128xf32, #tpu.memory_space<hbm>>
    tpu.wait_dma2 semaphore(%arg10 : memref<!tpu.dma_semaphore, #tpu.memory_space<semaphore_mem>>) src(%arg6 : memref<152x128xf32, #tpu.memory_space<vmem>>) dst(%dma_wait3A_765 : memref<152x128xf32, #tpu.memory_space<hbm>>)
    %parallel_loop3A_766 = arith.constant 0 : i32
    %parallel_loop3A_767 = arith.constant 1216 : i32
    %parallel_loop3A_768 = arith.constant 1 : i32
    scf.for %parallel_loop3A_808 = %parallel_loop3A_766 to %parallel_loop3A_767 step %parallel_loop3A_768  : i32 {
      %parallel_loop3A_809 = arith.constant 4 : i32
      %parallel_loop3A_810 = arith.shrsi %parallel_loop3A_808, %parallel_loop3A_809 : i32
      %parallel_loop3A_811 = arith.constant 3 : i32
      %parallel_loop3A_812 = arith.shrsi %parallel_loop3A_808, %parallel_loop3A_811 : i32
      %parallel_loop3A_813 = arith.constant 1 : i32
      %parallel_loop3A_814 = arith.andi %parallel_loop3A_812, %parallel_loop3A_813 : i32
      %parallel_loop3A_815 = arith.constant 7 : i32
      %parallel_loop3A_816 = arith.andi %parallel_loop3A_808, %parallel_loop3A_815 : i32
      %parallel_loop3A_817 = arith.constant 16 : i32
      %parallel_loop3A_818 = arith.muli %parallel_loop3A_816, %parallel_loop3A_817 : i32
      %parallel_loop3A_819 = vector.broadcast %parallel_loop3A_818 : i32 to vector<16xi32>
      %parallel_loop3A_820 = arith.addi %add3A_378, %parallel_loop3A_819 : vector<16xi32>
      %parallel_loop3A_821 = arith.constant 7 : i32
      %parallel_loop3A_822 = vector.broadcast %parallel_loop3A_821 : i32 to vector<16xi32>
      %parallel_loop3A_823 = arith.shrsi %parallel_loop3A_820, %parallel_loop3A_822 : vector<16xi32>
      %parallel_loop3A_824 = arith.constant 127 : i32
      %parallel_loop3A_825 = vector.broadcast %parallel_loop3A_824 : i32 to vector<16xi32>
      %parallel_loop3A_826 = arith.andi %parallel_loop3A_820, %parallel_loop3A_825 : vector<16xi32>
      %parallel_loop3A_827 = arith.addi %parallel_loop3A_810, %select_n3A_251 : i32
      %parallel_loop3A_828 = arith.constant 2 : i32
      %parallel_loop3A_829 = arith.muli %parallel_loop3A_828, %parallel_loop3A_827 : i32
      %parallel_loop3A_830 = arith.addi %parallel_loop3A_829, %parallel_loop3A_814 : i32
      %parallel_loop3A_831 = arith.constant 1 : i32
      %parallel_loop3A_832 = vector.broadcast %parallel_loop3A_831 : i32 to vector<16xi32>
      %parallel_loop3A_833 = arith.shli %parallel_loop3A_823, %parallel_loop3A_832 : vector<16xi32>
      %parallel_loop3A_834 = vector.broadcast %parallel_loop3A_830 : i32 to vector<16xi32>
      %parallel_loop3A_835 = arith.addi %parallel_loop3A_834, %parallel_loop3A_833 : vector<16xi32>
      %parallel_loop3A_836 = tpu.vector_load_idx %arg4[%parallel_loop3A_835, %parallel_loop3A_826] : memref<168x128xf32, #tpu.memory_space<vmem>>[vector<16xi32>, vector<16xi32>], vector<16xf32>,
      %parallel_loop3A_837 = arith.constant 3 : i32
      %parallel_loop3A_838 = arith.shrsi %parallel_loop3A_808, %parallel_loop3A_837 : i32
      %parallel_loop3A_839 = arith.constant 7 : i32
      %parallel_loop3A_840 = arith.andi %parallel_loop3A_808, %parallel_loop3A_839 : i32
      %parallel_loop3A_841 = arith.constant 16 : i32
      %parallel_loop3A_842 = arith.muli %parallel_loop3A_840, %parallel_loop3A_841 : i32
      %parallel_loop3A_843 = tpu.assume_multiple %parallel_loop3A_842, 8 : i32
      %parallel_loop3A_844 = arith.index_cast %parallel_loop3A_838 : i32 to index
      %parallel_loop3A_845 = arith.index_cast %parallel_loop3A_843 : i32 to index
      %parallel_loop3A_846 = tpu.vector_load %arg6[%parallel_loop3A_844, %parallel_loop3A_845] {strides = array<i32>} : memref<152x128xf32, #tpu.memory_space<vmem>>, vector<16xf32>,
      tpu.vector_store %arg6[%parallel_loop3A_844, %parallel_loop3A_845], %parallel_loop3A_836 {strides = array<i32>} : memref<152x128xf32, #tpu.memory_space<vmem>>, vector<16xf32>,
    } {sc.loop_unroll_factor = 16 : i64, sc.parallel_access}
    %add3A_769 = arith.constant 2128 : i32
    %add3A_770 = arith.addi %multiple_of3A_126, %add3A_769 : i32
    %dma_start3A_771 = arith.constant 0 : i32
    %dma_start3A_772 = tpu.memref_slice %arg3[%add3A_770, %dma_start3A_771] : memref<77824x128xf32, #tpu.memory_space<hbm>> -> memref<152x128xf32, #tpu.memory_space<hbm>>
    %dma_start3A_773 = arith.constant 0 : i32
    %dma_start3A_774 = tpu.memref_slice %arg3[%add3A_770, %dma_start3A_773] : memref<77824x128xf32, #tpu.memory_space<hbm>> -> memref<152x128xf32, #tpu.memory_space<hbm>>
    tpu.enqueue_dma source(%arg6 : memref<152x128xf32, #tpu.memory_space<vmem>>) target(%dma_start3A_774 : memref<152x128xf32, #tpu.memory_space<hbm>>) target_semaphore(%arg10 : memref<!tpu.dma_semaphore, #tpu.memory_space<semaphore_mem>>)
    %add3A_775 = arith.constant 2280 : i32
    %add3A_776 = arith.addi %multiple_of3A, %add3A_775 : i32
    %dma_wait3A_777 = arith.constant 0 : i32
    %dma_wait3A_778 = tpu.memref_slice %arg2[%add3A_776, %dma_wait3A_777] : memref<81920x128xf32, #tpu.memory_space<hbm>> -> memref<168x128xf32, #tpu.memory_space<hbm>>
    %dma_wait3A_779 = arith.constant 0 : i32
    %dma_wait3A_780 = tpu.memref_slice %arg2[%add3A_776, %dma_wait3A_779] : memref<81920x128xf32, #tpu.memory_space<hbm>> -> memref<168x128xf32, #tpu.memory_space<hbm>>
    tpu.wait_dma2 semaphore(%arg9 : memref<!tpu.dma_semaphore, #tpu.memory_space<semaphore_mem>>) src(%dma_wait3A_780 : memref<168x128xf32, #tpu.memory_space<hbm>>) dst(%arg5 : memref<168x128xf32, #tpu.memory_space<vmem>>)
    %add3A_781 = arith.constant 1976 : i32
    %add3A_782 = arith.addi %multiple_of3A_126, %add3A_781 : i32
    %dma_wait3A_783 = arith.constant 0 : i32
    %dma_wait3A_784 = tpu.memref_slice %arg3[%add3A_782, %dma_wait3A_783] : memref<77824x128xf32, #tpu.memory_space<hbm>> -> memref<152x128xf32, #tpu.memory_space<hbm>>
    %dma_wait3A_785 = arith.constant 0 : i32
    %dma_wait3A_786 = tpu.memref_slice %arg3[%add3A_782, %dma_wait3A_785] : memref<77824x128xf32, #tpu.memory_space<hbm>> -> memref<152x128xf32, #tpu.memory_space<hbm>>
    tpu.wait_dma2 semaphore(%arg11 : memref<!tpu.dma_semaphore, #tpu.memory_space<semaphore_mem>>) src(%arg7 : memref<152x128xf32, #tpu.memory_space<vmem>>) dst(%dma_wait3A_786 : memref<152x128xf32, #tpu.memory_space<hbm>>)
    %parallel_loop3A_787 = arith.constant 0 : i32
    %parallel_loop3A_788 = arith.constant 1216 : i32
    %parallel_loop3A_789 = arith.constant 1 : i32
    scf.for %parallel_loop3A_808 = %parallel_loop3A_787 to %parallel_loop3A_788 step %parallel_loop3A_789  : i32 {
      %parallel_loop3A_809 = arith.constant 4 : i32
      %parallel_loop3A_810 = arith.shrsi %parallel_loop3A_808, %parallel_loop3A_809 : i32
      %parallel_loop3A_811 = arith.constant 3 : i32
      %parallel_loop3A_812 = arith.shrsi %parallel_loop3A_808, %parallel_loop3A_811 : i32
      %parallel_loop3A_813 = arith.constant 1 : i32
      %parallel_loop3A_814 = arith.andi %parallel_loop3A_812, %parallel_loop3A_813 : i32
      %parallel_loop3A_815 = arith.constant 7 : i32
      %parallel_loop3A_816 = arith.andi %parallel_loop3A_808, %parallel_loop3A_815 : i32
      %parallel_loop3A_817 = arith.constant 16 : i32
      %parallel_loop3A_818 = arith.muli %parallel_loop3A_816, %parallel_loop3A_817 : i32
      %parallel_loop3A_819 = vector.broadcast %parallel_loop3A_818 : i32 to vector<16xi32>
      %parallel_loop3A_820 = arith.addi %add3A_378, %parallel_loop3A_819 : vector<16xi32>
      %parallel_loop3A_821 = arith.constant 7 : i32
      %parallel_loop3A_822 = vector.broadcast %parallel_loop3A_821 : i32 to vector<16xi32>
      %parallel_loop3A_823 = arith.shrsi %parallel_loop3A_820, %parallel_loop3A_822 : vector<16xi32>
      %parallel_loop3A_824 = arith.constant 127 : i32
      %parallel_loop3A_825 = vector.broadcast %parallel_loop3A_824 : i32 to vector<16xi32>
      %parallel_loop3A_826 = arith.andi %parallel_loop3A_820, %parallel_loop3A_825 : vector<16xi32>
      %parallel_loop3A_827 = arith.addi %parallel_loop3A_810, %select_n3A_251 : i32
      %parallel_loop3A_828 = arith.constant 2 : i32
      %parallel_loop3A_829 = arith.muli %parallel_loop3A_828, %parallel_loop3A_827 : i32
      %parallel_loop3A_830 = arith.addi %parallel_loop3A_829, %parallel_loop3A_814 : i32
      %parallel_loop3A_831 = arith.constant 1 : i32
      %parallel_loop3A_832 = vector.broadcast %parallel_loop3A_831 : i32 to vector<16xi32>
      %parallel_loop3A_833 = arith.shli %parallel_loop3A_823, %parallel_loop3A_832 : vector<16xi32>
      %parallel_loop3A_834 = vector.broadcast %parallel_loop3A_830 : i32 to vector<16xi32>
      %parallel_loop3A_835 = arith.addi %parallel_loop3A_834, %parallel_loop3A_833 : vector<16xi32>
      %parallel_loop3A_836 = tpu.vector_load_idx %arg5[%parallel_loop3A_835, %parallel_loop3A_826] : memref<168x128xf32, #tpu.memory_space<vmem>>[vector<16xi32>, vector<16xi32>], vector<16xf32>,
      %parallel_loop3A_837 = arith.constant 3 : i32
      %parallel_loop3A_838 = arith.shrsi %parallel_loop3A_808, %parallel_loop3A_837 : i32
      %parallel_loop3A_839 = arith.constant 7 : i32
      %parallel_loop3A_840 = arith.andi %parallel_loop3A_808, %parallel_loop3A_839 : i32
      %parallel_loop3A_841 = arith.constant 16 : i32
      %parallel_loop3A_842 = arith.muli %parallel_loop3A_840, %parallel_loop3A_841 : i32
      %parallel_loop3A_843 = tpu.assume_multiple %parallel_loop3A_842, 8 : i32
      %parallel_loop3A_844 = arith.index_cast %parallel_loop3A_838 : i32 to index
      %parallel_loop3A_845 = arith.index_cast %parallel_loop3A_843 : i32 to index
      %parallel_loop3A_846 = tpu.vector_load %arg7[%parallel_loop3A_844, %parallel_loop3A_845] {strides = array<i32>} : memref<152x128xf32, #tpu.memory_space<vmem>>, vector<16xf32>,
      tpu.vector_store %arg7[%parallel_loop3A_844, %parallel_loop3A_845], %parallel_loop3A_836 {strides = array<i32>} : memref<152x128xf32, #tpu.memory_space<vmem>>, vector<16xf32>,
    } {sc.loop_unroll_factor = 16 : i64, sc.parallel_access}
    %add3A_790 = arith.constant 2280 : i32
    %add3A_791 = arith.addi %multiple_of3A_126, %add3A_790 : i32
    %dma_start3A_792 = arith.constant 0 : i32
    %dma_start3A_793 = tpu.memref_slice %arg3[%add3A_791, %dma_start3A_792] : memref<77824x128xf32, #tpu.memory_space<hbm>> -> memref<152x128xf32, #tpu.memory_space<hbm>>
    %dma_start3A_794 = arith.constant 0 : i32
    %dma_start3A_795 = tpu.memref_slice %arg3[%add3A_791, %dma_start3A_794] : memref<77824x128xf32, #tpu.memory_space<hbm>> -> memref<152x128xf32, #tpu.memory_space<hbm>>
    tpu.enqueue_dma source(%arg7 : memref<152x128xf32, #tpu.memory_space<vmem>>) target(%dma_start3A_795 : memref<152x128xf32, #tpu.memory_space<hbm>>) target_semaphore(%arg11 : memref<!tpu.dma_semaphore, #tpu.memory_space<semaphore_mem>>)
    %add3A_796 = arith.constant 2128 : i32
    %add3A_797 = arith.addi %multiple_of3A_126, %add3A_796 : i32
    %dma_wait3A_798 = arith.constant 0 : i32
    %dma_wait3A_799 = tpu.memref_slice %arg3[%add3A_797, %dma_wait3A_798] : memref<77824x128xf32, #tpu.memory_space<hbm>> -> memref<152x128xf32, #tpu.memory_space<hbm>>
    %dma_wait3A_800 = arith.constant 0 : i32
    %dma_wait3A_801 = tpu.memref_slice %arg3[%add3A_797, %dma_wait3A_800] : memref<77824x128xf32, #tpu.memory_space<hbm>> -> memref<152x128xf32, #tpu.memory_space<hbm>>
    tpu.wait_dma2 semaphore(%arg10 : memref<!tpu.dma_semaphore, #tpu.memory_space<semaphore_mem>>) src(%arg6 : memref<152x128xf32, #tpu.memory_space<vmem>>) dst(%dma_wait3A_801 : memref<152x128xf32, #tpu.memory_space<hbm>>)
    %add3A_802 = arith.constant 2280 : i32
    %add3A_803 = arith.addi %multiple_of3A_126, %add3A_802 : i32
    %dma_wait3A_804 = arith.constant 0 : i32
    %dma_wait3A_805 = tpu.memref_slice %arg3[%add3A_803, %dma_wait3A_804] : memref<77824x128xf32, #tpu.memory_space<hbm>> -> memref<152x128xf32, #tpu.memory_space<hbm>>
    %dma_wait3A_806 = arith.constant 0 : i32
    %dma_wait3A_807 = tpu.memref_slice %arg3[%add3A_803, %dma_wait3A_806] : memref<77824x128xf32, #tpu.memory_space<hbm>> -> memref<152x128xf32, #tpu.memory_space<hbm>>
    tpu.wait_dma2 semaphore(%arg11 : memref<!tpu.dma_semaphore, #tpu.memory_space<semaphore_mem>>) src(%arg7 : memref<152x128xf32, #tpu.memory_space<vmem>>) dst(%dma_wait3A_807 : memref<152x128xf32, #tpu.memory_space<hbm>>)
    return
  }
}

</mosaic_0001>

<sc_bundles>
// kernel: kernel.3.cloned.1.call-start
scs
__scs_entry_jumppad:
0x0: {  	(pc) =	sbr.rel $0x88, $3  }
0x1: {  	(tag) =	ssettag $0x0;
	lr =	simm.s32 $0x1  }
0x2: {  	[smem:$0x3FA0] =	sst lr;
	_ =	strace $0xD0000000  }
0x3: {  	_ = 	snop  }
0x4: {  	_ = 	snop  }
0x5: {  	_ = 	snop  }
0x6: {  	_ = 	snop  }
0x7: {  	_ = 	snop  }
__scs_overlays_trampoline_lowered:
0x8: {  	[smem:$0x3FAF] =	sst s0  }
0x9: {  	[smem:$0x3FB0] =	sst s1  }
0xa: {  	[smem:$0x3FB1] =	sst s2  }
0xb: {  	[smem:$0x3FB2] =	sst s3  }
0xc: {  	[smem:$0x3FB3] =	sst s4  }
0xd: {  	[smem:$0x3FB4] =	sst s5  }
0xe: {  	[smem:$0x3FB5] =	sst s6  }
0xf: {  	[smem:$0x3FB6] =	sst s7  }
0x10: {  	[smem:$0x3FB7] =	sst s8  }
0x11: {  	[smem:$0x3FB8] =	sst s9;
	s0 =	simm.s32 @!p0 $0x0  }
0x12: {  	s1 =	sld [smem:$0x3F9E];
	s0 =	simm.s32 @p0 $0x1  }
0x13: {  	[smem:$0x3FB9] =	sst s0;
	s0 =	simm.s32 @!p1 $0x0  }
0x14: {  	s2 =	sld [smem:$0x3F9D];
	s0 =	simm.s32 @p1 $0x1  }
0x15: {  	[smem:$0x3FBA] =	sst s0;
	s0 =	simm.s32 @!p2 $0x0  }
0x16: {  	s3 =	sld [smem:$0x3FDB];
	s0 =	simm.s32 @p2 $0x1  }
0x17: {  	s4 =	simm.s32 $0x1BF5;
	[smem:$0x3FBC] =	sst s0  }
0x18: {  	s0 =	sld [smem:$0x3F9F];
	_ =	swait.ge [sflag:s4], $0x0  }
0x19: {  	s7 =	sld [smem:$0x3FA0]  }
0x1a: {  	s8 =	sadd.s32 $0xFFFFE003, lr  }
0x1b: {  	s9 =	sadd.s32 $0xFFFFFEF7, lr;
	s5 =	simm.s32 $0xFFFFFFFF;
	p2 =	slt.u32 s8, $0xFFFFF086  }
0x1c: {  	p1 =	slt.u32 s9, $0xF7A;
	s5 =	simm.s32 @!p2 $0x0  }
0x1d: {  	s5 =	simm.s32 @p1 $0x1;
	p0 =	seq.s32 s7, s2  }
0x1e: {  	s7 =	smul.u32 @!p0 $0xF7A, s2;
	p2 =	seq.s32 @!p0 s5, $0x0  }
0x1f: {  	s9 =	smul.u32 $0xF7A, s1;
	s8 =	simm.s32 @!p0 $0x1BF5;
	p2 =	por !p2, p0  }
0x20: {  	[sflag:s8] =	ssyncset.s32 @!p0 $0xFFFFF086;
	s6 =	sadd.s32 @!p0 s3, s7;
	s7 =	simm.s32 @!p0 $0x108  }
0x21: {  	s3 =	sadd.s32 s3, s9;
	s6 =	sadd.s32 @!p0 $0x88, s6;
	s7 =	simm.s32 @p2 $0x1082  }
0x22: {  	[simem:s7], [sflag:s8] =	dma.local @!p0 [hbm:s6], $0xF7A  }
0x23: {  	s9 =	sor.u32 $0xD0000000, s2;
	s6 =	simm.s32 $0x108;
	_ =	swait.ge @!p0 [sflag:s8], $0x0  }
0x24: {  	s3 =	sadd.s32 $0x88, s3;
	s6 =	simm.s32 @!p1 $0x1082;
	[sflag:s4] =	ssyncset.s32 $0xFFFFF086  }
0x25: {  	[simem:s6], [sflag:s4] =	dma.local [hbm:s3], $0xF7A  }
0x26: {  	[smem:$0x3FA0] =	sst s1;
	(tag) =	ssettag s2;
	_ =	strace s9  }
0x27: {  	s1 =	sld [smem:$0x3FB0]  }
0x28: {  	s2 =	sld [smem:$0x3FB1]  }
0x29: {  	s4 =	sld [smem:$0x3FB3]  }
0x2a: {  	p0 =	seq.s32 s5, $0x0;
	s5 =	sld [smem:$0x3FB4]  }
0x2b: {  	s6 =	sld [smem:$0x3FB5]  }
0x2c: {  	s7 =	sld [smem:$0x3FB6]  }
0x2d: {  	s3 =	simm.s32 $0x108;
	s8 =	sld [smem:$0x3FB7]  }
0x2e: {  	s3 =	simm.s32 @!p0 $0x1082;
	s9 =	sld [smem:$0x3FB8]  }
0x2f: {  	lr =	sadd.s32 s0, s3;
	s0 =	sld [smem:$0x3FAF]  }
0x30: {  	s3 =	sld [smem:$0x3FB2]  }
0x31: {  	[smem:$0x3FBB] =	sst s10  }
0x32: {  	s10 =	sld [smem:$0x3FB9];
	_ =	sdelay $0x3  }
0x33: {  	p0 =	seq.s32 s10, $0x1;
	s10 =	sld [smem:$0x3FBB];
	_ =	sdelay $0x3  }
0x34: {  	[smem:$0x3FBB] =	sst s10  }
0x35: {  	s10 =	sld [smem:$0x3FBA];
	_ =	sdelay $0x3  }
0x36: {  	p1 =	seq.s32 s10, $0x1;
	s10 =	sld [smem:$0x3FBB];
	_ =	sdelay $0x3  }
0x37: {  	[smem:$0x3FBB] =	sst s10  }
0x38: {  	s10 =	sld [smem:$0x3FBC]  }
0x39: {  	_ = 	snop;
	(pc) =	sbr.ind lr, $3  }
0x3a: {  	_ = 	snop  }
0x3b: {  	_ = 	snop  }
0x3c: {  	p2 =	seq.s32 s10, $0x1;
	s10 =	sld [smem:$0x3FBB]  }
0x3d: {  	_ =	shalt  }
0x3e: {  	_ =	shalt  }
0x3f: {  	_ =	shalt  }
0x40: {  	_ =	shalt  }
0x41: {  	_ =	shalt  }
0x42: {  	_ =	shalt  }
0x43: {  	_ =	shalt  }
0x44: {  	_ =	shalt  }
0x45: {  	_ =	shalt  }
0x46: {  	_ =	shalt  }
0x47: {  	_ =	shalt  }
0x48: {  	_ =	shalt  }
0x49: {  	_ =	shalt  }
0x4a: {  	_ =	shalt  }
0x4b: {  	_ =	shalt  }
0x4c: {  	_ =	shalt  }
0x4d: {  	_ =	shalt  }
0x4e: {  	_ =	shalt  }
0x4f: {  	_ =	shalt  }
0x50: {  	_ =	shalt  }
0x51: {  	_ =	shalt  }
0x52: {  	_ =	shalt  }
0x53: {  	_ =	shalt  }
0x54: {  	_ =	shalt  }
0x55: {  	_ =	shalt  }
0x56: {  	_ =	shalt  }
0x57: {  	_ =	shalt  }
0x58: {  	_ =	shalt  }
0x59: {  	_ =	shalt  }
0x5a: {  	_ =	shalt  }
0x5b: {  	_ =	shalt  }
0x5c: {  	_ =	shalt  }
0x5d: {  	_ =	shalt  }
0x5e: {  	_ =	shalt  }
0x5f: {  	_ =	shalt  }
0x60: {  	_ =	shalt  }
0x61: {  	_ =	shalt  }
0x62: {  	_ =	shalt  }
0x63: {  	_ =	shalt  }
0x64: {  	_ =	shalt  }
0x65: {  	_ =	shalt  }
0x66: {  	_ =	shalt  }
0x67: {  	_ =	shalt  }
0x68: {  	_ =	shalt  }
0x69: {  	_ =	shalt  }
0x6a: {  	_ =	shalt  }
0x6b: {  	_ =	shalt  }
0x6c: {  	_ =	shalt  }
0x6d: {  	_ =	shalt  }
0x6e: {  	_ =	shalt  }
0x6f: {  	_ =	shalt  }
0x70: {  	_ =	shalt  }
0x71: {  	_ =	shalt  }
0x72: {  	_ =	shalt  }
0x73: {  	_ =	shalt  }
0x74: {  	_ =	shalt  }
0x75: {  	_ =	shalt  }
0x76: {  	_ =	shalt  }
0x77: {  	_ =	shalt  }
0x78: {  	_ =	shalt  }
0x79: {  	_ =	shalt  }
0x7a: {  	_ =	shalt  }
0x7b: {  	_ =	shalt  }
0x7c: {  	_ =	shalt  }
0x7d: {  	_ =	shalt  }
0x7e: {  	_ =	shalt  }
0x7f: {  	_ =	shalt  }
0x80: {  	_ =	shalt  }
0x81: {  	_ =	shalt  }
0x82: {  	_ =	shalt  }
0x83: {  	_ =	shalt  }
0x84: {  	_ =	shalt  }
0x85: {  	_ =	shalt  }
0x86: {  	_ =	shalt  }
0x87: {  	_ =	shalt  }
.Lfunc_end0:
.L_simem_size_0:
called_computation_lowered:
.L_overlay_start_0:
0x88: {  	s2 =	sld [smem:$0x3FD9]  }
0x89: {  	s3 =	sld [smem:$0x3FFE];
	_ =	sdelay $0x1  }
0x8a: {  	s1 =	srdreg.scid  }
0x8b: {  	s0 =	sand.u32 $0x1, s1  }
0x8c: {  	s15 =	sshll.u32 s0, $0xA;
	s2 =	sadd.s32 s3, s2  }
0x8d: {  	s2 =	sadd.s32 s2, s15  }
0x8e: {  	[smem:$0x3FC7] =	sst s2  }
0x8f: {  	_ = 	snop  }
0x90: {  	s2 =	sld [smem:$0x3FD0];
	_ =	sdelay $0x2  }
0x91: {  	s4 =	simm.s32 $0xA;
	s5 =	simm.s32 $0x10;
	s16 =	sld [smem:$0x3FC9]  }
0x92: {  	[smem:s5], [sflag:s4] =	dma.local [hbm:s2], $0x1  }
0x93: {  	_ =	swait.eq [sflag:s4], $0x1  }
0x94: {  	[sflag:s4] =	ssyncset.done $0x0  }
0x95: {  	[sflag:s4] =	ssyncadd.s32 $0xFFFFFFFF  }
0x96: {  	s17 =	sld [smem:$0x10];
	(tm) =	ssettm $0x1  }
0x97: {  	s18 =	sld [smem:$0x3FFB];
	_ =	sdelay $0x3  }
0x98: {  	_ =	strace s18  }
0x99: {  	s4 =	sld [smem:$0x3FFC];
	_ =	sdelay $0x3  }
0x9a: {  	_ =	strace s4  }
0x9b: {  	s4 =	sld [smem:$0x3FFD];
	_ =	sdelay $0x3  }
0x9c: {  	_ =	strace s4  }
0x9d: {  	_ =	strace $0x8FFFFFFF  }
0x9e: {  	s19 =	sld [smem:$0x3FDB];
	_ =	sdelay $0x1  }
0x9f: {  	s20 =	simm.s32 $_scs_section_size  }
0xa0: {  	s6 =	simm.s32 $_size__tile_overlayer_lowered;
	s7 =	simm.s32 $_tile_overlayer_lowered  }
0xa1: {  	s23 =	simm.s32 $0x1BFF;
	s22 =	sshll.u32 s7, $0x1;
	s4 =	sadd.s32 s20, s19  }
0xa2: {  	s8 =	simm.s32 $0x0;
	s21 =	sshll.u32 s6, $0x1;
	s6 =	sadd.s32 s22, s4  }
0xa3: {  	[timem:s8], [sflag:s23] =	dma.local [hbm:s6], s21  }
0xa4: {  	_ =	swait.ge [sflag:s23], s21  }
0xa5: {  	s5 =	ssub.s32 $0x0, s21;
	[sflag:s23] =	ssyncset.done $0x0  }
0xa6: {  	[sflag:s23] =	ssyncadd.s32 s5;
	_ =	sdelay $0x1  }
0xa7: {  	s24 =	simm.s32 $0x1B8B  }
0xa8: {  	_ =	swait.ge [sflag:s24], $0x1  }
0xa9: {  	[sflag:s24] =	ssyncset.done $0x0  }
0xaa: {  	s25 =	simm.s32 $0x1B8E;
	[sflag:s24] =	ssyncadd.s32 $0xFFFFFFFF  }
0xab: {  	s26 =	simm.s32 $execute0_lowered;
	[smem:$0x3FD2] =	sst s25  }
0xac: {  	s5 =	sshll.u32 s26, $0x1;
	_ =	strace $0x80000046;
	[dreg:$0x1] =	wrdreg $0xFFFFFFFF  }
0xad: {  	s28 =	simm.s32 $_size_execute0_lowered;
	s4 =	sadd.s32 s4, s5;
	[dreg:$0x0] =	wrdreg $0x0  }
0xae: {  	s5 =	sshll.u32 s28, $0x1;
	[dreg:$0x2] =	wrdreg s4  }
0xaf: {  	[dreg:$0x3] =	wrdreg s5  }
0xb0: {  	[dreg:$0x4] =	wrdreg $0xC0  }
0xb1: {  	_ =	task [dreg:s8], $0x5FFFF  }
0xb2: {  	[dreg:$0x1] =	wrdreg $0xFFFFFFFF  }
0xb3: {  	[dreg:$0x0] =	wrdreg $0x60  }
0xb4: {  	[dreg:$0x2] =	wrdreg s16  }
0xb5: {  	[dreg:$0x3] =	wrdreg s17  }
0xb6: {  	[dreg:$0x4] =	wrdreg $0x9  }
0xb7: {  	_ =	task.clear_ibuf [dreg:s8], $0x5FFFF;
	_ =	strace $0x90000046  }
0xb8: {  	s29 =	simm.s32 $0x9;
	_ =	strace $0x80000048  }
0xb9: {  	_ =	swait.ge [sflag:s29], $0x1  }
0xba: {  	[sflag:s29] =	ssyncadd.s32 $0xFFFFFFFF  }
0xbb: {  	_ =	strace $0x90000048  }
0xbc: {  	_ =	sfence  }
0xbd: {  	s30 =	sld [smem:$0x0];
	_ =	sdelay $0x2  }
0xbe: {  	s31 =	sshll.u32 s1, $0xD;
	s1 =	sshrl.u32 s1, $0x2  }
0xbf: {  	s3 =	sand.u32 $0x4000, s31;
	s1 =	sadd.s32 s1, s30  }
0xc0: {  	s0 =	sor.u32 s3, s0;
	s1 =	sshll.u32 s1, $0x11  }
0xc1: {  	s0 =	sor.u32 s1, s0  }
0xc2: {  	s0 =	sadd.s32 $0x8F2B, s0  }
0xc3: {  	[sflag:s0] =	ssyncadd.remote.s32 $0x1  }
0xc4: {  	_ =	sfence.sel $0xFFFF  }
0xc5: {  	[dreg:$0x0] =	wrdreg $0xFFFFFFFF;
	(pc) =	sbr.abs _section_cstart, $3  }
0xc6: {  	[dreg:$0x1] =	wrdreg $0xFFFFFFFF  }
0xc7: {  	_ =	task.clear_ibuf [dreg:s8], $0x2FFFF;
	_ =	strace $0x9FFFFFFF  }
0xc8: {  	(tm) =	ssettm $0x7FFFFFFF  }
0xc9: {  	_ =	shalt  }
tec
execute0_lowered:
.L_overlay_start_1:
0x0: {  	(tag) =	ssettag $0x1  }
0x1: {  	s0 =	srdreg.scid;
	s2 =	stileid.u32  }
0x2: {  	s3 =	sand.u32 $0x1, s0;
	s1 =	sshll.u32 s2, $0x1  }
0x3: {  	s1 =	sor.u32 s3, s1  }
0x4: {  	s6 =	simm.s32 $0x1;
	s3 =	ssub.s32 $0x2, s3;
	p1 =	sne.s32 s1, $0x1  }
0x5: {  	p5 =	seq.s32 s1, $0x5;
	p2 =	seq.s32 s1, $0x7;
	s6 =	simm.s32 @!p1 $0x0  }
0x6: {  	p3 =	seq.s32 s1, $0x8;
	p1 =	seq.s32 s1, $0x6;
	s6 =	simm.s32 @p5 $0x2  }
0x7: {  	p4 =	seq.s32 s1, $0x9;
	p0 =	seq.s32 s1, $0xA;
	s6 =	simm.s32 @p1 $0x3  }
0x8: {  	s4 =	sadd.s32 $0xFFFFFFF5, s1;
	s5 =	sadd.s32 $0xFFFFFFED, s1;
	s6 =	simm.s32 @p2 $0x2  }
0x9: {  	s7 =	sadd.s32 $0xFFFFFFE4, s1;
	s0 =	simm.s32 @!p0 $0x0;
	s6 =	simm.s32 @p3 $0x0  }
0xa: {  	p6 =	slt.u32 s4, $0x4;
	s0 =	simm.s32 @p0 $0x1;
	s6 =	simm.s32 @p4 $0x2  }
0xb: {  	[smem:$0x7F4] =	sst s0;
	s6 =	simm.s32 @p0 $0x0;
	p0 =	seq.s32 s1, $0xF  }
0xc: {  	s8 =	sld [smem:$0x7F4];
	s6 =	simm.s32 @p6 $0x3;
	s0 =	simm.s32 @!p0 $0x0  }
0xd: {  	s0 =	simm.s32 @p0 $0x1;
	s6 =	simm.s32 @p0 $0x2;
	p0 =	seq.s32 s1, $0x10  }
0xe: {  	[smem:$0x7F5] =	sst s0;
	s0 =	simm.s32 @!p0 $0x0;
	s6 =	simm.s32 @p0 $0x0  }
0xf: {  	s0 =	simm.s32 @p0 $0x1;
	p0 =	seq.s32 s1, $0x11;
	s9 =	sld [smem:$0x7F5]  }
0x10: {  	[smem:$0x7F6] =	sst s0;
	s0 =	simm.s32 @!p0 $0x0;
	s6 =	simm.s32 @p0 $0x3  }
0x11: {  	s0 =	simm.s32 @p0 $0x1;
	p0 =	seq.s32 s1, $0x12;
	s10 =	sld [smem:$0x7F6]  }
0x12: {  	p6 =	slt.u32 s5, $0x2;
	[smem:$0x7F7] =	sst s0;
	s4 =	simm.s32 @!p0 $0x0  }
0x13: {  	s6 =	simm.s32 @p0 $0x2;
	s4 =	simm.s32 @p0 $0x1;
	s11 =	sld [smem:$0x7F7]  }
0x14: {  	s6 =	simm.s32 @p6 $0x0;
	p0 =	seq.s32 s1, $0x15;
	[smem:$0x7F8] =	sst s4  }
0x15: {  	s0 =	simm.s32 @!p0 $0x0;
	s6 =	simm.s32 @p0 $0x1;
	s4 =	rddreg [dreg:$0x0]  }
0x16: {  	s0 =	simm.s32 @p0 $0x1;
	p0 =	seq.s32 s1, $0x16;
	s12 =	sld [smem:$0x7F8]  }
0x17: {  	s17 =	sshrl.u32 s3, $0x1;
	[smem:$0x7F9] =	sst s0;
	s0 =	simm.s32 @!p0 $0x0  }
0x18: {  	s6 =	simm.s32 @p0 $0x2;
	s0 =	simm.s32 @p0 $0x1;
	p0 =	seq.s32 s1, $0x17  }
0x19: {  	p6 =	seq.s32 s2, $0xC;
	[smem:$0x7FA] =	sst s0;
	s0 =	simm.s32 @!p0 $0x0  }
0x1a: {  	s13 =	sld [smem:$0x7F9];
	s6 =	simm.s32 @p0 $0x1;
	s0 =	simm.s32 @p0 $0x1  }
0x1b: {  	s6 =	simm.s32 @p6 $0x0;
	p0 =	seq.s32 s1, $0x1A;
	s14 =	sld [smem:$0x7FA]  }
0x1c: {  	p6 =	slt.u32 s7, $0x3;
	[smem:$0x7FB] =	sst s0;
	s0 =	simm.s32 @!p0 $0x0  }
0x1d: {  	s7 =	simm.s32 $0xA40;
	s0 =	simm.s32 @p0 $0x1;
	s15 =	sld [smem:$0x7FB]  }
0x1e: {  	s6 =	simm.s32 @p0 $0x3;
	p0 =	seq.s32 s1, $0x1B;
	[smem:$0x7FC] =	sst s0  }
0x1f: {  	s2 =	simm.s32 @!p0 $0x0;
	s6 =	simm.s32 @p0 $0x0;
	s0 =	simm.s32 $0x12  }
0x20: {  	s2 =	simm.s32 @p0 $0x1;
	s6 =	simm.s32 @p6 $0x2;
	s16 =	sld [smem:$0x7FC]  }
0x21: {  	p6 =	seq.s32 s1, $0x1;
	p0 =	seq.s32 s1, $0x2;
	[smem:$0x7FD] =	sst s2  }
0x22: {  	s7 =	simm.s32 @!p6 $0x50;
	s0 =	simm.s32 @!p6 $0x44;
	p6 =	seq.s32 s1, $0x3  }
0x23: {  	s2 =	simm.s32 $0x0;
	s7 =	simm.s32 @p0 $0x1410;
	s0 =	simm.s32 @p0 $0x37  }
0x24: {  	p0 =	seq.s32 s1, $0x4;
	s7 =	simm.s32 @p6 $0x1E70;
	s0 =	simm.s32 @p6 $0x41  }
0x25: {  	s5 =	sld [smem:$0x7FD];
	s7 =	simm.s32 @p0 $0x2808;
	s0 =	simm.s32 @p0 $0xD  }
0x26: {  	[smem:$0x7FF] =	sst s2;
	s7 =	simm.s32 @p5 $0x3270;
	s0 =	simm.s32 @p5 $0x6B  }
0x27: {  	p0 =	seq.s32 s1, $0xB;
	s7 =	simm.s32 @p1 $0x3C20;
	s0 =	simm.s32 @p1 $0x1  }
0x28: {  	p1 =	seq.s32 s8, $0x1;
	s7 =	simm.s32 @p2 $0x4620;
	s0 =	simm.s32 @p2 $0x27  }
0x29: {  	s8 =	rddreg [dreg:$0x1];
	s7 =	simm.s32 @p3 $0x5060;
	s0 =	simm.s32 @p3 $0x6  }
0x2a: {  	_ =	strace $0x80000047;
	s7 =	simm.s32 @p4 $0x5A50;
	s0 =	simm.s32 @p4 $0x2  }
0x2b: {  	s7 =	simm.s32 @p1 $0x6408;
	s0 =	simm.s32 @p1 $0x28;
	p1 =	seq.s32 s1, $0xC  }
0x2c: {  	s7 =	simm.s32 @p0 $0x6E58;
	s0 =	simm.s32 @p0 $0x72;
	p0 =	seq.s32 s1, $0xD  }
0x2d: {  	s7 =	simm.s32 @p1 $0x7870;
	s0 =	simm.s32 @p1 $0x19;
	p1 =	seq.s32 s1, $0xE  }
0x2e: {  	s7 =	simm.s32 @p0 $0x8200;
	s0 =	simm.s32 @p0 $0x5B;
	p0 =	seq.s32 s9, $0x1  }
0x2f: {  	s7 =	simm.s32 @p1 $0x8C78;
	s0 =	simm.s32 @p1 $0x4C;
	p1 =	seq.s32 s12, $0x1  }
0x30: {  	s7 =	simm.s32 @p0 $0x9618;
	s0 =	simm.s32 @p0 $0x12;
	p0 =	seq.s32 s10, $0x1  }
0x31: {  	s7 =	simm.s32 @p0 $0xA058;
	s0 =	simm.s32 @p0 $0x4B;
	p0 =	seq.s32 s11, $0x1  }
0x32: {  	s10 =	smul.u32 $0x9800, s1;
	s7 =	simm.s32 @p0 $0xAA48;
	s0 =	simm.s32 @p0 $0x2  }
0x33: {  	p0 =	seq.s32 s1, $0x13;
	s7 =	simm.s32 @p1 $0xB428;
	s0 =	simm.s32 @p1 $0x43  }
0x34: {  	p1 =	seq.s32 s1, $0x14;
	s7 =	simm.s32 @p0 $0xBE08;
	s0 =	simm.s32 @p0 $0x7  }
0x35: {  	p0 =	seq.s32 s13, $0x1;
	s7 =	simm.s32 @p1 $0xC838;
	s0 =	simm.s32 @p1 $0x36  }
0x36: {  	s7 =	simm.s32 @p0 $0xD208;
	s0 =	simm.s32 @p0 $0xB;
	p0 =	seq.s32 s14, $0x1  }
0x37: {  	s20 =	sadd.s32 s8, s10;
	p1 =	seq.s32 s15, $0x1;
	s7 =	simm.s32 @p0 $0xDC20  }
0x38: {  	s0 =	simm.s32 @p0 $0xC;
	p0 =	seq.s32 s1, $0x18;
	s7 =	simm.s32 @p1 $0xE678  }
0x39: {  	s0 =	simm.s32 @p1 $0x43;
	p1 =	seq.s32 s1, $0x19;
	s7 =	simm.s32 @p0 $0xF030  }
0x3a: {  	s0 =	simm.s32 @p0 $0x6C;
	p0 =	seq.s32 s16, $0x1;
	s7 =	simm.s32 @p1 $0xFA18  }
0x3b: {  	[dreg:$0x5] =	wrdreg s20;
	s0 =	simm.s32 @p1 $0x11;
	s7 =	simm.s32 @p0 $0x10468  }
0x3c: {  	s0 =	simm.s32 @p0 $0x70;
	p0 =	seq.s32 s5, $0x1;
	s5 =	ssub.s32 s3, s17  }
0x3d: {  	s7 =	simm.s32 @p0 $0x10E08;
	s0 =	simm.s32 @p0 $0x1B;
	p0 =	seq.s32 s1, $0x1C  }
0x3e: {  	s7 =	simm.s32 @p0 $0x11860;
	s0 =	simm.s32 @p0 $0x1C;
	p0 =	seq.s32 s1, $0x1D  }
0x3f: {  	s7 =	simm.s32 @p0 $0x12230;
	s0 =	simm.s32 @p0 $0x37;
	p0 =	seq.s32 s1, $0x1E  }
0x40: {  	s7 =	simm.s32 @p0 $0x12C60;
	s0 =	simm.s32 @p0 $0x5;
	p0 =	seq.s32 s1, $0x1F  }
0x41: {  	s5 =	smax.u32 s5, $0x1;
	s1 =	smul.u32 $0x4C000, s1;
	s7 =	simm.s32 @p0 $0x13608  }
0x42: {  	s6 =	simm.s32 @p0 $0x1;
	s0 =	simm.s32 @p0 $0x24;
	s3 =	sshll.u32 s7, $0x7  }
0x43: {  	s7 =	sshll.u32 s7, $0x4;
	s1 =	sshrl.u32 s1, $0x3;
	s6 =	sshll.u32 s6, $0x1  }
0x44: {  	s9 =	sadd.s32 $0x4C00, s3;
	s7 =	sand.u32 $0xFFFFF80, s7;
	s19 =	sadd.s32 $0x9800, s3  }
0x45: {  	s21 =	sadd.s32 $0xE400, s3;
	s22 =	sadd.s32 $0x13000, s3;
	s24 =	sadd.s32 $0x17C00, s3  }
0x46: {  	s26 =	sadd.s32 $0x1C800, s3;
	s11 =	sadd.s32 $0x26000, s3;
	s13 =	sadd.s32 $0x2AC00, s3  }
0x47: {  	s15 =	sadd.s32 $0x2F800, s3;
	s17 =	sadd.s32 $0x34400, s3;
	s9 =	sshrl.u32 s9, $0x3  }
0x48: {  	s7 =	sadd.s32 s4, s7;
	s23 =	sshrl.u32 s22, $0x3;
	s25 =	sshrl.u32 s24, $0x3  }
0x49: {  	s12 =	sshrl.u32 s11, $0x3;
	s14 =	sshrl.u32 s13, $0x3;
	s16 =	sshrl.u32 s15, $0x3  }
0x4a: {  	s11 =	simm.s32 $0xF400;
	s13 =	simm.s32 $0x4;
	[dreg:$0x3] =	wrdreg s7  }
0x4b: {  	s18 =	sadd.s32 s4, s9;
	s7 =	sshrl.u32 s19, $0x3;
	s9 =	sadd.s32 $0x21400, s3  }
0x4c: {  	s19 =	sadd.s32 $0x39000, s3;
	[dreg:$0x4] =	wrdreg s18;
	s7 =	sadd.s32 s4, s7  }
0x4d: {  	v0 =	vlaneseq.u32;
	s10 =	sshrl.u32 s9, $0x3;
	s18 =	sshrl.u32 s17, $0x3;
	s20 =	sshrl.u32 s19, $0x3  }
0x4e: {  	v1 =	vor.u32 $0x10, v0;
	v4 =	vor.u32 $0x30, v0;
	v5 =	vor.u32 $0x40, v0;
	s9 =	simm.s32 $0xA800;
	[dreg:$0x6] =	wrdreg s7;
	s7 =	sadd.s32 s8, s1  }
0x4f: {  	v2 =	vadd.s32 s0, v0;
	v3 =	vadd.s32 s0, v1;
	v1 =	vor.u32 $0x20, v0;
	s1 =	sshrl.u32 s21, $0x3;
	s21 =	sadd.s32 $0x3DC00, s3;
	s8 =	sadd.s32 $0x980, s7  }
0x50: {  	v7 =	vadd.s32 s0, v4;
	v9 =	vadd.s32 s0, v5;
	v4 =	vor.u32 $0x60, v0;
	s1 =	sadd.s32 s4, s1;
	s22 =	sshrl.u32 s21, $0x3;
	s24 =	sadd.s32 $0x1300, s7  }
0x51: {  	v6 =	vadd.s32 s0, v1;
	v1 =	vor.u32 $0x50, v0;
	v0 =	vor.u32 $0x70, v0;
	s28 =	sadd.s32 $0x4C00, s7;
	s29 =	sadd.s32 $0x5580, s7;
	s30 =	sadd.s32 $0x5F00, s7  }
0x52: {  	v13 =	vadd.s32 s0, v4;
	v10 =	vadd.s32 s0, v1;
	v14 =	vadd.s32 s0, v0;
	s31 =	sadd.s32 $0x6880, s7;
	s0 =	sadd.s32 $0x7B80, s7;
	[dreg:$0x7] =	wrdreg s8  }
0x53: {  	[dreg:$0x8] =	wrdreg s1;
	s1 =	sadd.s32 s4, s23;
	s8 =	sshrl.u32 s26, $0x3  }
0x54: {  	s23 =	sadd.s32 $0x42800, s3;
	s3 =	sadd.s32 $0x47400, s3;
	[dreg:$0x12] =	wrdreg s24  }
0x55: {  	s24 =	sadd.s32 $0x2F80, s7;
	[dreg:$0x9] =	wrdreg s1;
	s1 =	sadd.s32 s4, s25  }
0x56: {  	s25 =	sadd.s32 s4, s22;
	s26 =	sshrl.u32 s3, $0x3;
	s22 =	sadd.s32 $0x1C80, s7  }
0x57: {  	s3 =	sadd.s32 $0x8500, s7;
	[dreg:$0xa] =	wrdreg s1;
	s1 =	sadd.s32 s4, s8  }
0x58: {  	s8 =	sshrl.u32 s23, $0x3;
	[dreg:$0x13] =	wrdreg s25;
	s21 =	sadd.s32 s4, s26  }
0x59: {  	v4 =	vshrl.u32 v3, $0x6;
	v8 =	vshrl.u32 v7, $0x6;
	v0 =	vand.u32 $0x7F, v2;
	s23 =	sadd.s32 $0x2600, s7;
	[dreg:$0xb] =	wrdreg s1;
	s1 =	sadd.s32 s4, s10  }
0x5a: {  	v1 =	vshrl.u32 v2, $0x6;
	v2 =	vand.u32 $0x7F, v3;
	v3 =	vand.u32 $0x1FFFFFE, v4;
	s25 =	sadd.s32 $0x3900, s7;
	[dreg:$0xc] =	wrdreg s1;
	s1 =	sadd.s32 s4, s12  }
0x5b: {  	v4 =	vand.u32 $0x7F, v6;
	v5 =	vshrl.u32 v6, $0x6;
	v6 =	vand.u32 $0x7F, v7;
	s26 =	sadd.s32 $0x4280, s7;
	[dreg:$0xd] =	wrdreg s1;
	s1 =	sadd.s32 s4, s14  }
0x5c: {  	v7 =	vand.u32 $0x1FFFFFE, v8;
	v8 =	vand.u32 $0x7F, v9;
	v9 =	vshrl.u32 v9, $0x6;
	s10 =	simm.s32 $0x2;
	[dreg:$0xe] =	wrdreg s1;
	s1 =	sadd.s32 s4, s16  }
0x5d: {  	v12 =	vand.u32 $0x7F, v13;
	v13 =	vshrl.u32 v13, $0x6;
	v1 =	vand.u32 $0x1FFFFFE, v1;
	s12 =	simm.s32 $0x3;
	[dreg:$0xf] =	wrdreg s1;
	s1 =	sadd.s32 s4, s18  }
0x5e: {  	v5 =	vand.u32 $0x1FFFFFE, v5;
	v11 =	vshrl.u32 v10, $0x6;
	v9 =	vand.u32 $0x1FFFFFE, v9;
	s14 =	simm.s32 $0x0;
	[dreg:$0x10] =	wrdreg s1;
	s1 =	sadd.s32 s4, s20  }
0x5f: {  	v10 =	vand.u32 $0x7F, v10;
	v15 =	vshrl.u32 v14, $0x6;
	v13 =	vand.u32 $0x1FFFFFE, v13;
	s20 =	sadd.s32 s4, s8;
	s4 =	sadd.s32 $0x8E80, s7;
	s8 =	simm.s32 $0x5400  }
0x60: {  	v14 =	vand.u32 $0x7F, v14;
	v11 =	vand.u32 $0x1FFFFFE, v11;
	v15 =	vand.u32 $0x1FFFFFE, v15;
	[dreg:$0x11] =	wrdreg s1;
	s1 =	sadd.s32 $0x7200, s7;
	s7 =	simm.s32 $0x1  }
.LBB2_1:
0x61: {  	v18 =	vadd.s32 s6, v3  }
0x62: {  	s15 =	sadd.s32 $0x1, s6;
	v29 =	vadd.s32 s6, v5;
	v16 =	vadd.s32 s6, v7;
	v23 =	vadd.s32 s6, v15  }
0x63: {  	v26 =	vadd.s32 s6, v9;
	v31 =	vadd.s32 s6, v1;
	v19 =	vadd.s32 s15, v1  }
0x64: {  	s16 =	rddreg [dreg:$0x3];
	v17 =	vadd.s32 s15, v3;
	v20 =	vadd.s32 s15, v11;
	v21 =	vshll.u32 v16, $0x7  }
0x65: {  	v22 =	vadd.s32 s15, v7;
	v28 =	vadd.s32 s15, v9;
	[tilespmem:s2], [sflag:$0x1] =	stream.linear.gather [hbm4b:s16+s2], $0x5400, $0x38;
	v24 =	vadd.s32 s15, v13;
	[tilespmem:$0x14000] =	vst v63  }
0x66: {  	s19 =	rddreg [dreg:$0x4];
	v25 =	vadd.s32 s15, v15;
	v16 =	vshll.u32 v17, $0x7;
	v17 =	vor.u32 v6, v21  }
0x67: {  	v27 =	vadd.s32 s15, v5;
	v18 =	vshll.u32 v18, $0x7;
	v16 =	vor.u32 v2, v16;
	[tilespmem:s8], [sflag:$0x2] =	stream.linear.gather [hbm4b:s19+s2], $0x5400, $0x38;
	[tilespmem:$0x14000] =	vst v63  }
0x68: {  	v30 =	vshll.u32 v20, $0x7;
	v20 =	vshll.u32 v24, $0x7;
	v18 =	vor.u32 v2, v18;
	_ =	swait.ge [sflag:s7], $0x5400  }
0x69: {  	v23 =	vshll.u32 v23, $0x7;
	v24 =	vshll.u32 v25, $0x7;
	v20 =	vor.u32 v12, v20;
	[sflag:s7] =	ssyncset.done $0x0  }
0x6a: {  	v26 =	vshll.u32 v26, $0x7;
	v29 =	vshll.u32 v29, $0x7;
	v24 =	vor.u32 v14, v24;
	[sflag:s7] =	ssyncadd.s32 $0xFFFFAC00  }
0x6b: {  	v21 =	vshll.u32 v22, $0x7;
	v19 =	vshll.u32 v19, $0x7;
	v22 =	vor.u32 v10, v30;
	v37 =	vld.idx.msk [tilespmem:v17+s2+$0x0], $0xffff  }
0x6c: {  	v25 =	vshll.u32 v27, $0x7;
	v27 =	vshll.u32 v31, $0x7;
	v23 =	vor.u32 v14, v23;
	v47 =	vld.idx.msk [tilespmem:v16+s2+$0x0], $0xffff  }
0x6d: {  	v35 =	vor.u32 v8, v26;
	v28 =	vshll.u32 v28, $0x7;
	v44 =	vor.u32 v0, v19;
	v40 =	vld.idx.msk [tilespmem:v18+s2+$0x0], $0xffff  }
0x6e: {  	v31 =	vadd.s32 s6, v13;
	v46 =	vor.u32 v4, v29;
	v45 =	vor.u32 v8, v28;
	v38 =	vld.idx.msk [tilespmem:v20+s2+$0x0], $0xffff  }
0x6f: {  	v32 =	vor.u32 v6, v21;
	v33 =	vor.u32 v4, v25;
	v30 =	vadd.s32 s6, v11;
	v39 =	vld.idx.msk [tilespmem:v24+s2+$0x0], $0xffff  }
0x70: {  	s15 =	simm.s32 $0xA880;
	v34 =	vor.u32 v0, v27;
	v31 =	vshll.u32 v31, $0x7;
	v30 =	vshll.u32 v30, $0x7;
	v41 =	vld.idx.msk [tilespmem:v22+s2+$0x0], $0xffff  }
0x71: {  	s17 =	sadd.s32 $0x2, s6;
	s18 =	simm.s32 $0xA880;
	s16 =	simm.s32 $0x0;
	v42 =	vor.u32 v12, v31;
	v36 =	vor.u32 v10, v30;
	v43 =	vld.idx.msk [tilespmem:v23+s2+$0x0], $0xffff;
	[tilespmem:s15+$0x10] =	vst v47  }
.LBB2_2:
0x72: {  	v47 =	vadd.s32 s17, v3;
	v48 =	vadd.s32 s17, v5;
	v49 =	vadd.s32 s17, v7;
	s19 =	sadd.s32 $0x1, s17;
	s16 =	sadd.s32 $0x10, s16;
	[tilespmem:s15+$0xFFFFFFB0] =	vst v37;
	v37 =	vld.idx.msk [tilespmem:v44+s2+$0x0], $0xffff;
	s18 =	sadd.s32 $0x100, s18  }
0x73: {  	v44 =	vadd.s32 s19, v1;
	v50 =	vadd.s32 s19, v3;
	v51 =	vadd.s32 s19, v11;
	p0 =	slt.u32 s16, $0x4B0;
	v45 =	vld.idx.msk [tilespmem:v45+s2+$0x0], $0xffff;
	[tilespmem:s15+$0x60] =	vst v38  }
0x74: {  	v38 =	vshll.u32 v49, $0x7;
	v49 =	vadd.s32 s19, v7;
	v52 =	vadd.s32 s19, v9;
	v46 =	vld.idx.msk [tilespmem:v46+s2+$0x0], $0xffff;
	[tilespmem:s15+$0x70] =	vst v39  }
0x75: {  	v53 =	vadd.s32 s19, v13;
	v54 =	vadd.s32 s19, v15;
	v39 =	vadd.s32 s17, v15;
	v35 =	vld.idx.msk [tilespmem:v35+s2+$0x0], $0xffff;
	[tilespmem:s15+$0x50] =	vst v41  }
0x76: {  	v55 =	vadd.s32 s19, v5;
	v50 =	vshll.u32 v50, $0x7;
	v41 =	vadd.s32 s17, v9;
	v34 =	vld.idx.msk [tilespmem:v34+s2+$0x0], $0xffff;
	[tilespmem:s15+$0xFFFFFF90] =	vst v40  }
0x77: {  	v38 =	vor.u32 v6, v38;
	v40 =	vor.u32 v2, v50;
	v50 =	vshll.u32 v51, $0x7;
	v42 =	vld.idx.msk [tilespmem:v42+s2+$0x0], $0xffff;
	[tilespmem:s15+$0xFFFFFFF0] =	vst v43  }
0x78: {  	v49 =	vshll.u32 v49, $0x7;
	v51 =	vshll.u32 v53, $0x7;
	v43 =	vadd.s32 s17, v1;
	[tilespmem:s15+$0x0] =	vst v37;
	v53 =	vld.idx.msk [tilespmem:v33+s2+$0x0], $0xffff  }
0x79: {  	v44 =	vshll.u32 v44, $0x7;
	v51 =	vor.u32 v12, v51;
	v33 =	vshll.u32 v54, $0x7;
	v54 =	vld.idx.msk [tilespmem:v32+s2+$0x0], $0xffff;
	[tilespmem:s15+$0x40] =	vst v45  }
0x7a: {  	v32 =	vshll.u32 v47, $0x7;
	v47 =	vor.u32 v10, v50;
	v50 =	vor.u32 v14, v33;
	[tilespmem:s15+$0xFFFFFFA0] =	vst v46;
	v36 =	vld.idx.msk [tilespmem:v36+s2+$0x0], $0xffff  }
0x7b: {  	v33 =	vshll.u32 v55, $0x7;
	v56 =	vor.u32 v2, v32;
	v32 =	vor.u32 v6, v49;
	[tilespmem:s15+$0xFFFFFFC0] =	vst v35  }
0x7c: {  	v39 =	vshll.u32 v39, $0x7;
	v33 =	vor.u32 v4, v33;
	v35 =	vshll.u32 v41, $0x7;
	v49 =	vld.idx.msk [tilespmem:v40+s2+$0x0], $0xffff;
	[tilespmem:s15+$0xFFFFFF80] =	vst v34  }
0x7d: {  	v34 =	vshll.u32 v43, $0x7;
	v35 =	vor.u32 v8, v35;
	v43 =	vor.u32 v14, v39;
	v37 =	vld.idx.msk [tilespmem:v38+s2+$0x0], $0xffff;
	[tilespmem:s15+$0xFFFFFFE0] =	vst v42  }
.Ltmp0:
0x7e: {  	v44 =	vor.u32 v0, v44;
	v39 =	vshll.u32 v52, $0x7;
	v34 =	vor.u32 v0, v34;
	v38 =	vld.idx.msk [tilespmem:v51+s2+$0x0], $0xffff;
	[tilespmem:s15+$0x20] =	vst v53;
	(pc) =	sbr.rel @p0 .LBB2_2-.Ltmp0, $4  }
0x7f: {  	v40 =	vshll.u32 v48, $0x7;
	v45 =	vor.u32 v8, v39;
	v39 =	vld.idx.msk [tilespmem:v50+s2+$0x0], $0xffff;
	[tilespmem:s15+$0x30] =	vst v54  }
0x80: {  	v48 =	vadd.s32 s17, v13;
	v46 =	vor.u32 v4, v40;
	v42 =	vadd.s32 s17, v11;
	v41 =	vld.idx.msk [tilespmem:v47+s2+$0x0], $0xffff;
	[tilespmem:s15+$0xFFFFFFD0] =	vst v36;
	s15 =	smov.u32 s18  }
0x81: {  	v36 =	vshll.u32 v42, $0x7;
	v42 =	vshll.u32 v48, $0x7;
	v40 =	vld.idx.msk [tilespmem:v56+s2+$0x0], $0xffff  }
0x82: {  	s17 =	sadd.s32 $0x2, s17;
	v36 =	vor.u32 v10, v36;
	v42 =	vor.u32 v12, v42;
	v43 =	vld.idx.msk [tilespmem:v43+s2+$0x0], $0xffff;
	[tilespmem:s18+$0x10] =	vst v49  }
0x83: {  	_ =	sdelay $0x2  }
0x84: {  	[tilespmem:s15+$0xFFFFFFB0] =	vst v37  }
0x85: {  	v60 =	vld.idx.msk [tilespmem:v44+s2+$0x0], $0xffff;
	[tilespmem:s15+$0x60] =	vst v38  }
0x86: {  	v61 =	vld.idx.msk [tilespmem:v45+s2+$0x0], $0xffff;
	[tilespmem:s15+$0x70] =	vst v39  }
0x87: {  	v62 =	vld.idx.msk [tilespmem:v46+s2+$0x0], $0xffff;
	[tilespmem:s15+$0x50] =	vst v41  }
0x88: {  	v35 =	vld.idx.msk [tilespmem:v35+s2+$0x0], $0xffff;
	[tilespmem:s15+$0xFFFFFF90] =	vst v40  }
0x89: {  	v34 =	vld.idx.msk [tilespmem:v34+s2+$0x0], $0xffff;
	[tilespmem:s15+$0xFFFFFFF0] =	vst v43  }
0x8a: {  	v63 =	vld.idx.msk [tilespmem:v42+s2+$0x0], $0xffff;
	[tilespmem:s15+$0x0] =	vst v60  }
0x8b: {  	v33 =	vld.idx.msk [tilespmem:v33+s2+$0x0], $0xffff;
	[tilespmem:s15+$0x40] =	vst v61  }
0x8c: {  	v32 =	vld.idx.msk [tilespmem:v32+s2+$0x0], $0xffff;
	[tilespmem:s15+$0xFFFFFFA0] =	vst v62  }
0x8d: {  	v36 =	vld.idx.msk [tilespmem:v36+s2+$0x0], $0xffff;
	[tilespmem:s15+$0xFFFFFFC0] =	vst v35  }
0x8e: {  	[tilespmem:s15+$0xFFFFFF80] =	vst v34  }
0x8f: {  	[tilespmem:s15+$0xFFFFFFE0] =	vst v63  }
0x90: {  	[tilespmem:s15+$0x20] =	vst v33  }
0x91: {  	[tilespmem:s15+$0x30] =	vst v32  }
0x92: {  	[tilespmem:s15+$0xFFFFFFD0] =	vst v36  }
0x93: {  	s15 =	rddreg [dreg:$0x5]  }
0x94: {  	[hbm4b:s15+s2] =	stream.linear.scatter [tilespmem:s9], [sflag:$0x3], $0x4C00, $0x38;
	[tilespmem:$0x14000] =	vst v63  }
0x95: {  	s19 =	rddreg [dreg:$0x6]  }
0x96: {  	[tilespmem:s2], [sflag:$0x1] =	stream.linear.gather [hbm4b:s19+s2], $0x5400, $0x38;
	[tilespmem:$0x14000] =	vst v63  }
0x97: {  	_ =	swait.ge [sflag:s10], $0x5400  }
0x98: {  	[sflag:s10] =	ssyncset.done $0x0  }
0x99: {  	[sflag:s10] =	ssyncadd.s32 $0xFFFFAC00  }
0x9a: {  	v47 =	vld.idx.msk [tilespmem:v16+s8+$0x0], $0xffff  }
0x9b: {  	v40 =	vld.idx.msk [tilespmem:v17+s8+$0x0], $0xffff  }
0x9c: {  	v46 =	vor.u32 v0, v19;
	v38 =	vld.idx.msk [tilespmem:v20+s8+$0x0], $0xffff  }
0x9d: {  	v45 =	vor.u32 v8, v28;
	v37 =	vld.idx.msk [tilespmem:v24+s8+$0x0], $0xffff  }
0x9e: {  	v44 =	vor.u32 v4, v29;
	v42 =	vor.u32 v12, v31;
	v39 =	vld.idx.msk [tilespmem:v22+s8+$0x0], $0xffff  }
0x9f: {  	v32 =	vor.u32 v6, v21;
	v33 =	vor.u32 v4, v25;
	v36 =	vor.u32 v8, v26;
	s15 =	simm.s32 $0xF480;
	v41 =	vld.idx.msk [tilespmem:v18+s8+$0x0], $0xffff  }
0xa0: {  	s16 =	simm.s32 $0x0;
	s17 =	sadd.s32 $0x2, s6;
	s18 =	simm.s32 $0xF480;
	v35 =	vor.u32 v0, v27;
	v34 =	vor.u32 v10, v30;
	v43 =	vld.idx.msk [tilespmem:v23+s8+$0x0], $0xffff;
	[tilespmem:s15+$0x10] =	vst v47  }
.LBB2_4:
0xa1: {  	v47 =	vadd.s32 s17, v3;
	v48 =	vadd.s32 s17, v5;
	v49 =	vadd.s32 s17, v7;
	s19 =	sadd.s32 $0x1, s17;
	s16 =	sadd.s32 $0x10, s16;
	[tilespmem:s15+$0xFFFFFFB0] =	vst v40;
	v40 =	vld.idx.msk [tilespmem:v46+s8+$0x0], $0xffff;
	s18 =	sadd.s32 $0x100, s18  }
0xa2: {  	v46 =	vadd.s32 s19, v1;
	v50 =	vadd.s32 s19, v3;
	v51 =	vadd.s32 s19, v11;
	p0 =	slt.u32 s16, $0x4B0;
	v45 =	vld.idx.msk [tilespmem:v45+s8+$0x0], $0xffff;
	[tilespmem:s15+$0x60] =	vst v38  }
0xa3: {  	v38 =	vshll.u32 v49, $0x7;
	v49 =	vadd.s32 s19, v7;
	v52 =	vadd.s32 s19, v9;
	v44 =	vld.idx.msk [tilespmem:v44+s8+$0x0], $0xffff;
	[tilespmem:s15+$0x70] =	vst v37  }
0xa4: {  	v53 =	vadd.s32 s19, v13;
	v54 =	vadd.s32 s19, v15;
	v37 =	vadd.s32 s17, v15;
	v36 =	vld.idx.msk [tilespmem:v36+s8+$0x0], $0xffff;
	[tilespmem:s15+$0x50] =	vst v39  }
0xa5: {  	v55 =	vadd.s32 s19, v5;
	v50 =	vshll.u32 v50, $0x7;
	v39 =	vadd.s32 s17, v9;
	v35 =	vld.idx.msk [tilespmem:v35+s8+$0x0], $0xffff;
	[tilespmem:s15+$0xFFFFFF90] =	vst v41  }
0xa6: {  	v38 =	vor.u32 v6, v38;
	v41 =	vor.u32 v2, v50;
	v50 =	vshll.u32 v51, $0x7;
	v42 =	vld.idx.msk [tilespmem:v42+s8+$0x0], $0xffff;
	[tilespmem:s15+$0xFFFFFFF0] =	vst v43  }
0xa7: {  	v49 =	vshll.u32 v49, $0x7;
	v51 =	vshll.u32 v53, $0x7;
	v43 =	vadd.s32 s17, v1;
	[tilespmem:s15+$0x0] =	vst v40;
	v53 =	vld.idx.msk [tilespmem:v33+s8+$0x0], $0xffff  }
0xa8: {  	v46 =	vshll.u32 v46, $0x7;
	v51 =	vor.u32 v12, v51;
	v33 =	vshll.u32 v54, $0x7;
	v54 =	vld.idx.msk [tilespmem:v32+s8+$0x0], $0xffff;
	[tilespmem:s15+$0x40] =	vst v45  }
0xa9: {  	v32 =	vshll.u32 v47, $0x7;
	v47 =	vor.u32 v10, v50;
	v50 =	vor.u32 v14, v33;
	[tilespmem:s15+$0xFFFFFFA0] =	vst v44;
	v34 =	vld.idx.msk [tilespmem:v34+s8+$0x0], $0xffff  }
0xaa: {  	v33 =	vshll.u32 v55, $0x7;
	v56 =	vor.u32 v2, v32;
	v32 =	vor.u32 v6, v49;
	[tilespmem:s15+$0xFFFFFFC0] =	vst v36  }
0xab: {  	v37 =	vshll.u32 v37, $0x7;
	v33 =	vor.u32 v4, v33;
	v36 =	vshll.u32 v39, $0x7;
	v49 =	vld.idx.msk [tilespmem:v41+s8+$0x0], $0xffff;
	[tilespmem:s15+$0xFFFFFF80] =	vst v35  }
0xac: {  	v35 =	vshll.u32 v43, $0x7;
	v36 =	vor.u32 v8, v36;
	v43 =	vor.u32 v14, v37;
	v40 =	vld.idx.msk [tilespmem:v38+s8+$0x0], $0xffff;
	[tilespmem:s15+$0xFFFFFFE0] =	vst v42  }
.Ltmp1:
0xad: {  	v46 =	vor.u32 v0, v46;
	v37 =	vshll.u32 v52, $0x7;
	v35 =	vor.u32 v0, v35;
	v38 =	vld.idx.msk [tilespmem:v51+s8+$0x0], $0xffff;
	[tilespmem:s15+$0x20] =	vst v53;
	(pc) =	sbr.rel @p0 .LBB2_4-.Ltmp1, $4  }
0xae: {  	v39 =	vshll.u32 v48, $0x7;
	v45 =	vor.u32 v8, v37;
	v37 =	vld.idx.msk [tilespmem:v50+s8+$0x0], $0xffff;
	[tilespmem:s15+$0x30] =	vst v54  }
0xaf: {  	v48 =	vadd.s32 s17, v13;
	v44 =	vor.u32 v4, v39;
	v42 =	vadd.s32 s17, v11;
	v39 =	vld.idx.msk [tilespmem:v47+s8+$0x0], $0xffff;
	[tilespmem:s15+$0xFFFFFFD0] =	vst v34;
	s15 =	smov.u32 s18  }
0xb0: {  	v34 =	vshll.u32 v42, $0x7;
	v42 =	vshll.u32 v48, $0x7;
	v41 =	vld.idx.msk [tilespmem:v56+s8+$0x0], $0xffff  }
0xb1: {  	s17 =	sadd.s32 $0x2, s17;
	v34 =	vor.u32 v10, v34;
	v42 =	vor.u32 v12, v42;
	v43 =	vld.idx.msk [tilespmem:v43+s8+$0x0], $0xffff;
	[tilespmem:s18+$0x10] =	vst v49  }
0xb2: {  	_ =	sdelay $0x2  }
0xb3: {  	[tilespmem:s15+$0xFFFFFFB0] =	vst v40  }
0xb4: {  	v60 =	vld.idx.msk [tilespmem:v46+s8+$0x0], $0xffff;
	[tilespmem:s15+$0x60] =	vst v38  }
0xb5: {  	v61 =	vld.idx.msk [tilespmem:v45+s8+$0x0], $0xffff;
	[tilespmem:s15+$0x70] =	vst v37  }
0xb6: {  	v62 =	vld.idx.msk [tilespmem:v44+s8+$0x0], $0xffff;
	[tilespmem:s15+$0x50] =	vst v39  }
0xb7: {  	v36 =	vld.idx.msk [tilespmem:v36+s8+$0x0], $0xffff;
	[tilespmem:s15+$0xFFFFFF90] =	vst v41  }
0xb8: {  	v35 =	vld.idx.msk [tilespmem:v35+s8+$0x0], $0xffff;
	[tilespmem:s15+$0xFFFFFFF0] =	vst v43  }
0xb9: {  	v63 =	vld.idx.msk [tilespmem:v42+s8+$0x0], $0xffff;
	[tilespmem:s15+$0x0] =	vst v60  }
0xba: {  	v33 =	vld.idx.msk [tilespmem:v33+s8+$0x0], $0xffff;
	[tilespmem:s15+$0x40] =	vst v61  }
0xbb: {  	v32 =	vld.idx.msk [tilespmem:v32+s8+$0x0], $0xffff;
	[tilespmem:s15+$0xFFFFFFA0] =	vst v62  }
0xbc: {  	v34 =	vld.idx.msk [tilespmem:v34+s8+$0x0], $0xffff;
	[tilespmem:s15+$0xFFFFFFC0] =	vst v36  }
0xbd: {  	[tilespmem:s15+$0xFFFFFF80] =	vst v35  }
0xbe: {  	[tilespmem:s15+$0xFFFFFFE0] =	vst v63  }
0xbf: {  	[tilespmem:s15+$0x20] =	vst v33  }
0xc0: {  	[tilespmem:s15+$0x30] =	vst v32  }
0xc1: {  	[tilespmem:s15+$0xFFFFFFD0] =	vst v34  }
0xc2: {  	s15 =	rddreg [dreg:$0x7]  }
0xc3: {  	[hbm4b:s15+s2] =	stream.linear.scatter [tilespmem:s11], [sflag:$0x4], $0x4C00, $0x38;
	[tilespmem:$0x14000] =	vst v63  }
0xc4: {  	s19 =	rddreg [dreg:$0x8]  }
0xc5: {  	[tilespmem:s8], [sflag:$0x2] =	stream.linear.gather [hbm4b:s19+s2], $0x5400, $0x38;
	[tilespmem:$0x14000] =	vst v63  }
0xc6: {  	_ =	swait.ge [sflag:s7], $0x5400  }
0xc7: {  	[sflag:s7] =	ssyncset.done $0x0  }
0xc8: {  	[sflag:s7] =	ssyncadd.s32 $0xFFFFAC00  }
0xc9: {  	_ =	swait.ge [sflag:s12], $0x4C00  }
0xca: {  	[sflag:s12] =	ssyncset.done $0x0  }
0xcb: {  	[sflag:s12] =	ssyncadd.s32 $0xFFFFB400  }
0xcc: {  	v47 =	vld.idx.msk [tilespmem:v16+s2+$0x0], $0xffff  }
0xcd: {  	v40 =	vld.idx.msk [tilespmem:v17+s2+$0x0], $0xffff  }
0xce: {  	v46 =	vor.u32 v0, v19;
	v38 =	vld.idx.msk [tilespmem:v20+s2+$0x0], $0xffff  }
0xcf: {  	v45 =	vor.u32 v8, v28;
	v37 =	vld.idx.msk [tilespmem:v24+s2+$0x0], $0xffff  }
0xd0: {  	v44 =	vor.u32 v4, v29;
	v42 =	vor.u32 v12, v31;
	v39 =	vld.idx.msk [tilespmem:v22+s2+$0x0], $0xffff  }
0xd1: {  	v32 =	vor.u32 v6, v21;
	v33 =	vor.u32 v4, v25;
	v36 =	vor.u32 v8, v26;
	s15 =	simm.s32 $0xA880;
	v41 =	vld.idx.msk [tilespmem:v18+s2+$0x0], $0xffff  }
0xd2: {  	s16 =	simm.s32 $0x0;
	s17 =	sadd.s32 $0x2, s6;
	s18 =	simm.s32 $0xA880;
	v35 =	vor.u32 v0, v27;
	v34 =	vor.u32 v10, v30;
	v43 =	vld.idx.msk [tilespmem:v23+s2+$0x0], $0xffff;
	[tilespmem:s15+$0x10] =	vst v47  }
.LBB2_6:
0xd3: {  	v47 =	vadd.s32 s17, v3;
	v48 =	vadd.s32 s17, v5;
	v49 =	vadd.s32 s17, v7;
	s19 =	sadd.s32 $0x1, s17;
	s16 =	sadd.s32 $0x10, s16;
	[tilespmem:s15+$0xFFFFFFB0] =	vst v40;
	v40 =	vld.idx.msk [tilespmem:v46+s2+$0x0], $0xffff;
	s18 =	sadd.s32 $0x100, s18  }
0xd4: {  	v46 =	vadd.s32 s19, v1;
	v50 =	vadd.s32 s19, v3;
	v51 =	vadd.s32 s19, v11;
	p0 =	slt.u32 s16, $0x4B0;
	v45 =	vld.idx.msk [tilespmem:v45+s2+$0x0], $0xffff;
	[tilespmem:s15+$0x60] =	vst v38  }
0xd5: {  	v38 =	vshll.u32 v49, $0x7;
	v49 =	vadd.s32 s19, v7;
	v52 =	vadd.s32 s19, v9;
	v44 =	vld.idx.msk [tilespmem:v44+s2+$0x0], $0xffff;
	[tilespmem:s15+$0x70] =	vst v37  }
0xd6: {  	v53 =	vadd.s32 s19, v13;
	v54 =	vadd.s32 s19, v15;
	v37 =	vadd.s32 s17, v15;
	v36 =	vld.idx.msk [tilespmem:v36+s2+$0x0], $0xffff;
	[tilespmem:s15+$0x50] =	vst v39  }
0xd7: {  	v55 =	vadd.s32 s19, v5;
	v50 =	vshll.u32 v50, $0x7;
	v39 =	vadd.s32 s17, v9;
	v35 =	vld.idx.msk [tilespmem:v35+s2+$0x0], $0xffff;
	[tilespmem:s15+$0xFFFFFF90] =	vst v41  }
0xd8: {  	v38 =	vor.u32 v6, v38;
	v41 =	vor.u32 v2, v50;
	v50 =	vshll.u32 v51, $0x7;
	v42 =	vld.idx.msk [tilespmem:v42+s2+$0x0], $0xffff;
	[tilespmem:s15+$0xFFFFFFF0] =	vst v43  }
0xd9: {  	v49 =	vshll.u32 v49, $0x7;
	v51 =	vshll.u32 v53, $0x7;
	v43 =	vadd.s32 s17, v1;
	[tilespmem:s15+$0x0] =	vst v40;
	v53 =	vld.idx.msk [tilespmem:v33+s2+$0x0], $0xffff  }
0xda: {  	v46 =	vshll.u32 v46, $0x7;
	v51 =	vor.u32 v12, v51;
	v33 =	vshll.u32 v54, $0x7;
	v54 =	vld.idx.msk [tilespmem:v32+s2+$0x0], $0xffff;
	[tilespmem:s15+$0x40] =	vst v45  }
0xdb: {  	v32 =	vshll.u32 v47, $0x7;
	v47 =	vor.u32 v10, v50;
	v50 =	vor.u32 v14, v33;
	[tilespmem:s15+$0xFFFFFFA0] =	vst v44;
	v34 =	vld.idx.msk [tilespmem:v34+s2+$0x0], $0xffff  }
0xdc: {  	v33 =	vshll.u32 v55, $0x7;
	v56 =	vor.u32 v2, v32;
	v32 =	vor.u32 v6, v49;
	[tilespmem:s15+$0xFFFFFFC0] =	vst v36  }
0xdd: {  	v37 =	vshll.u32 v37, $0x7;
	v33 =	vor.u32 v4, v33;
	v36 =	vshll.u32 v39, $0x7;
	v49 =	vld.idx.msk [tilespmem:v41+s2+$0x0], $0xffff;
	[tilespmem:s15+$0xFFFFFF80] =	vst v35  }
0xde: {  	v35 =	vshll.u32 v43, $0x7;
	v36 =	vor.u32 v8, v36;
	v43 =	vor.u32 v14, v37;
	v40 =	vld.idx.msk [tilespmem:v38+s2+$0x0], $0xffff;
	[tilespmem:s15+$0xFFFFFFE0] =	vst v42  }
.Ltmp2:
0xdf: {  	v46 =	vor.u32 v0, v46;
	v37 =	vshll.u32 v52, $0x7;
	v35 =	vor.u32 v0, v35;
	v38 =	vld.idx.msk [tilespmem:v51+s2+$0x0], $0xffff;
	[tilespmem:s15+$0x20] =	vst v53;
	(pc) =	sbr.rel @p0 .LBB2_6-.Ltmp2, $4  }
0xe0: {  	v39 =	vshll.u32 v48, $0x7;
	v45 =	vor.u32 v8, v37;
	v37 =	vld.idx.msk [tilespmem:v50+s2+$0x0], $0xffff;
	[tilespmem:s15+$0x30] =	vst v54  }
0xe1: {  	v48 =	vadd.s32 s17, v13;
	v44 =	vor.u32 v4, v39;
	v42 =	vadd.s32 s17, v11;
	v39 =	vld.idx.msk [tilespmem:v47+s2+$0x0], $0xffff;
	[tilespmem:s15+$0xFFFFFFD0] =	vst v34;
	s15 =	smov.u32 s18  }
0xe2: {  	v34 =	vshll.u32 v42, $0x7;
	v42 =	vshll.u32 v48, $0x7;
	v41 =	vld.idx.msk [tilespmem:v56+s2+$0x0], $0xffff  }
0xe3: {  	s17 =	sadd.s32 $0x2, s17;
	v34 =	vor.u32 v10, v34;
	v42 =	vor.u32 v12, v42;
	v43 =	vld.idx.msk [tilespmem:v43+s2+$0x0], $0xffff;
	[tilespmem:s18+$0x10] =	vst v49  }
0xe4: {  	_ =	sdelay $0x2  }
0xe5: {  	[tilespmem:s15+$0xFFFFFFB0] =	vst v40  }
0xe6: {  	v60 =	vld.idx.msk [tilespmem:v46+s2+$0x0], $0xffff;
	[tilespmem:s15+$0x60] =	vst v38  }
0xe7: {  	v61 =	vld.idx.msk [tilespmem:v45+s2+$0x0], $0xffff;
	[tilespmem:s15+$0x70] =	vst v37  }
0xe8: {  	v62 =	vld.idx.msk [tilespmem:v44+s2+$0x0], $0xffff;
	[tilespmem:s15+$0x50] =	vst v39  }
0xe9: {  	v36 =	vld.idx.msk [tilespmem:v36+s2+$0x0], $0xffff;
	[tilespmem:s15+$0xFFFFFF90] =	vst v41  }
0xea: {  	v35 =	vld.idx.msk [tilespmem:v35+s2+$0x0], $0xffff;
	[tilespmem:s15+$0xFFFFFFF0] =	vst v43  }
0xeb: {  	v63 =	vld.idx.msk [tilespmem:v42+s2+$0x0], $0xffff;
	[tilespmem:s15+$0x0] =	vst v60  }
0xec: {  	v33 =	vld.idx.msk [tilespmem:v33+s2+$0x0], $0xffff;
	[tilespmem:s15+$0x40] =	vst v61  }
0xed: {  	v32 =	vld.idx.msk [tilespmem:v32+s2+$0x0], $0xffff;
	[tilespmem:s15+$0xFFFFFFA0] =	vst v62  }
0xee: {  	v34 =	vld.idx.msk [tilespmem:v34+s2+$0x0], $0xffff;
	[tilespmem:s15+$0xFFFFFFC0] =	vst v36  }
0xef: {  	[tilespmem:s15+$0xFFFFFF80] =	vst v35  }
0xf0: {  	[tilespmem:s15+$0xFFFFFFE0] =	vst v63  }
0xf1: {  	[tilespmem:s15+$0x20] =	vst v33  }
0xf2: {  	[tilespmem:s15+$0x30] =	vst v32  }
0xf3: {  	[tilespmem:s15+$0xFFFFFFD0] =	vst v34  }
0xf4: {  	s15 =	rddreg [dreg:$0x12]  }
0xf5: {  	[hbm4b:s15+s2] =	stream.linear.scatter [tilespmem:s9], [sflag:$0x3], $0x4C00, $0x38;
	[tilespmem:$0x14000] =	vst v63  }
0xf6: {  	s19 =	rddreg [dreg:$0x9]  }
0xf7: {  	[tilespmem:s2], [sflag:$0x1] =	stream.linear.gather [hbm4b:s19+s2], $0x5400, $0x38;
	[tilespmem:$0x14000] =	vst v63  }
0xf8: {  	_ =	swait.ge [sflag:s10], $0x5400  }
0xf9: {  	[sflag:s10] =	ssyncset.done $0x0  }
0xfa: {  	[sflag:s10] =	ssyncadd.s32 $0xFFFFAC00  }
0xfb: {  	_ =	swait.ge [sflag:s13], $0x4C00  }
0xfc: {  	[sflag:s13] =	ssyncset.done $0x0  }
0xfd: {  	[sflag:s13] =	ssyncadd.s32 $0xFFFFB400  }
0xfe: {  	v47 =	vld.idx.msk [tilespmem:v16+s8+$0x0], $0xffff  }
0xff: {  	v40 =	vld.idx.msk [tilespmem:v17+s8+$0x0], $0xffff  }
0x100: {  	v46 =	vor.u32 v0, v19;
	v38 =	vld.idx.msk [tilespmem:v20+s8+$0x0], $0xffff  }
0x101: {  	v45 =	vor.u32 v8, v28;
	v37 =	vld.idx.msk [tilespmem:v24+s8+$0x0], $0xffff  }
0x102: {  	v44 =	vor.u32 v4, v29;
	v42 =	vor.u32 v12, v31;
	v39 =	vld.idx.msk [tilespmem:v22+s8+$0x0], $0xffff  }
0x103: {  	v32 =	vor.u32 v6, v21;
	v33 =	vor.u32 v4, v25;
	v36 =	vor.u32 v8, v26;
	s15 =	simm.s32 $0xF480;
	v41 =	vld.idx.msk [tilespmem:v18+s8+$0x0], $0xffff  }
0x104: {  	s16 =	simm.s32 $0x0;
	s17 =	sadd.s32 $0x2, s6;
	s18 =	simm.s32 $0xF480;
	v35 =	vor.u32 v0, v27;
	v34 =	vor.u32 v10, v30;
	v43 =	vld.idx.msk [tilespmem:v23+s8+$0x0], $0xffff;
	[tilespmem:s15+$0x10] =	vst v47  }
.LBB2_8:
0x105: {  	v47 =	vadd.s32 s17, v3;
	v48 =	vadd.s32 s17, v5;
	v49 =	vadd.s32 s17, v7;
	s19 =	sadd.s32 $0x1, s17;
	s16 =	sadd.s32 $0x10, s16;
	[tilespmem:s15+$0xFFFFFFB0] =	vst v40;
	v40 =	vld.idx.msk [tilespmem:v46+s8+$0x0], $0xffff;
	s18 =	sadd.s32 $0x100, s18  }
0x106: {  	v46 =	vadd.s32 s19, v1;
	v50 =	vadd.s32 s19, v3;
	v51 =	vadd.s32 s19, v11;
	p0 =	slt.u32 s16, $0x4B0;
	v45 =	vld.idx.msk [tilespmem:v45+s8+$0x0], $0xffff;
	[tilespmem:s15+$0x60] =	vst v38  }
0x107: {  	v38 =	vshll.u32 v49, $0x7;
	v49 =	vadd.s32 s19, v7;
	v52 =	vadd.s32 s19, v9;
	v44 =	vld.idx.msk [tilespmem:v44+s8+$0x0], $0xffff;
	[tilespmem:s15+$0x70] =	vst v37  }
0x108: {  	v53 =	vadd.s32 s19, v13;
	v54 =	vadd.s32 s19, v15;
	v37 =	vadd.s32 s17, v15;
	v36 =	vld.idx.msk [tilespmem:v36+s8+$0x0], $0xffff;
	[tilespmem:s15+$0x50] =	vst v39  }
0x109: {  	v55 =	vadd.s32 s19, v5;
	v50 =	vshll.u32 v50, $0x7;
	v39 =	vadd.s32 s17, v9;
	v35 =	vld.idx.msk [tilespmem:v35+s8+$0x0], $0xffff;
	[tilespmem:s15+$0xFFFFFF90] =	vst v41  }
0x10a: {  	v38 =	vor.u32 v6, v38;
	v41 =	vor.u32 v2, v50;
	v50 =	vshll.u32 v51, $0x7;
	v42 =	vld.idx.msk [tilespmem:v42+s8+$0x0], $0xffff;
	[tilespmem:s15+$0xFFFFFFF0] =	vst v43  }
0x10b: {  	v49 =	vshll.u32 v49, $0x7;
	v51 =	vshll.u32 v53, $0x7;
	v43 =	vadd.s32 s17, v1;
	[tilespmem:s15+$0x0] =	vst v40;
	v53 =	vld.idx.msk [tilespmem:v33+s8+$0x0], $0xffff  }
0x10c: {  	v46 =	vshll.u32 v46, $0x7;
	v51 =	vor.u32 v12, v51;
	v33 =	vshll.u32 v54, $0x7;
	v54 =	vld.idx.msk [tilespmem:v32+s8+$0x0], $0xffff;
	[tilespmem:s15+$0x40] =	vst v45  }
0x10d: {  	v32 =	vshll.u32 v47, $0x7;
	v47 =	vor.u32 v10, v50;
	v50 =	vor.u32 v14, v33;
	[tilespmem:s15+$0xFFFFFFA0] =	vst v44;
	v34 =	vld.idx.msk [tilespmem:v34+s8+$0x0], $0xffff  }
0x10e: {  	v33 =	vshll.u32 v55, $0x7;
	v56 =	vor.u32 v2, v32;
	v32 =	vor.u32 v6, v49;
	[tilespmem:s15+$0xFFFFFFC0] =	vst v36  }
0x10f: {  	v37 =	vshll.u32 v37, $0x7;
	v33 =	vor.u32 v4, v33;
	v36 =	vshll.u32 v39, $0x7;
	v49 =	vld.idx.msk [tilespmem:v41+s8+$0x0], $0xffff;
	[tilespmem:s15+$0xFFFFFF80] =	vst v35  }
0x110: {  	v35 =	vshll.u32 v43, $0x7;
	v36 =	vor.u32 v8, v36;
	v43 =	vor.u32 v14, v37;
	v40 =	vld.idx.msk [tilespmem:v38+s8+$0x0], $0xffff;
	[tilespmem:s15+$0xFFFFFFE0] =	vst v42  }
.Ltmp3:
0x111: {  	v46 =	vor.u32 v0, v46;
	v37 =	vshll.u32 v52, $0x7;
	v35 =	vor.u32 v0, v35;
	v38 =	vld.idx.msk [tilespmem:v51+s8+$0x0], $0xffff;
	[tilespmem:s15+$0x20] =	vst v53;
	(pc) =	sbr.rel @p0 .LBB2_8-.Ltmp3, $4  }
0x112: {  	v39 =	vshll.u32 v48, $0x7;
	v45 =	vor.u32 v8, v37;
	v37 =	vld.idx.msk [tilespmem:v50+s8+$0x0], $0xffff;
	[tilespmem:s15+$0x30] =	vst v54  }
0x113: {  	v48 =	vadd.s32 s17, v13;
	v44 =	vor.u32 v4, v39;
	v42 =	vadd.s32 s17, v11;
	v39 =	vld.idx.msk [tilespmem:v47+s8+$0x0], $0xffff;
	[tilespmem:s15+$0xFFFFFFD0] =	vst v34;
	s15 =	smov.u32 s18  }
0x114: {  	v34 =	vshll.u32 v42, $0x7;
	v42 =	vshll.u32 v48, $0x7;
	v41 =	vld.idx.msk [tilespmem:v56+s8+$0x0], $0xffff  }
0x115: {  	s17 =	sadd.s32 $0x2, s17;
	v34 =	vor.u32 v10, v34;
	v42 =	vor.u32 v12, v42;
	v43 =	vld.idx.msk [tilespmem:v43+s8+$0x0], $0xffff;
	[tilespmem:s18+$0x10] =	vst v49  }
0x116: {  	_ =	sdelay $0x2  }
0x117: {  	[tilespmem:s15+$0xFFFFFFB0] =	vst v40  }
0x118: {  	v60 =	vld.idx.msk [tilespmem:v46+s8+$0x0], $0xffff;
	[tilespmem:s15+$0x60] =	vst v38  }
0x119: {  	v61 =	vld.idx.msk [tilespmem:v45+s8+$0x0], $0xffff;
	[tilespmem:s15+$0x70] =	vst v37  }
0x11a: {  	v62 =	vld.idx.msk [tilespmem:v44+s8+$0x0], $0xffff;
	[tilespmem:s15+$0x50] =	vst v39  }
0x11b: {  	v36 =	vld.idx.msk [tilespmem:v36+s8+$0x0], $0xffff;
	[tilespmem:s15+$0xFFFFFF90] =	vst v41  }
0x11c: {  	v35 =	vld.idx.msk [tilespmem:v35+s8+$0x0], $0xffff;
	[tilespmem:s15+$0xFFFFFFF0] =	vst v43  }
0x11d: {  	v63 =	vld.idx.msk [tilespmem:v42+s8+$0x0], $0xffff;
	[tilespmem:s15+$0x0] =	vst v60  }
0x11e: {  	v33 =	vld.idx.msk [tilespmem:v33+s8+$0x0], $0xffff;
	[tilespmem:s15+$0x40] =	vst v61  }
0x11f: {  	v32 =	vld.idx.msk [tilespmem:v32+s8+$0x0], $0xffff;
	[tilespmem:s15+$0xFFFFFFA0] =	vst v62  }
0x120: {  	v34 =	vld.idx.msk [tilespmem:v34+s8+$0x0], $0xffff;
	[tilespmem:s15+$0xFFFFFFC0] =	vst v36  }
0x121: {  	[tilespmem:s15+$0xFFFFFF80] =	vst v35  }
0x122: {  	[tilespmem:s15+$0xFFFFFFE0] =	vst v63  }
0x123: {  	[tilespmem:s15+$0x20] =	vst v33  }
0x124: {  	[tilespmem:s15+$0x30] =	vst v32  }
0x125: {  	[tilespmem:s15+$0xFFFFFFD0] =	vst v34  }
0x126: {  	[hbm4b:s22+s2] =	stream.linear.scatter [tilespmem:s11], [sflag:$0x4], $0x4C00, $0x38;
	[tilespmem:$0x14000] =	vst v63  }
0x127: {  	s15 =	rddreg [dreg:$0xa]  }
0x128: {  	[tilespmem:s8], [sflag:$0x2] =	stream.linear.gather [hbm4b:s15+s2], $0x5400, $0x38;
	[tilespmem:$0x14000] =	vst v63  }
0x129: {  	_ =	swait.ge [sflag:s7], $0x5400  }
0x12a: {  	[sflag:s7] =	ssyncset.done $0x0  }
0x12b: {  	[sflag:s7] =	ssyncadd.s32 $0xFFFFAC00  }
0x12c: {  	_ =	swait.ge [sflag:s12], $0x4C00  }
0x12d: {  	[sflag:s12] =	ssyncset.done $0x0  }
0x12e: {  	[sflag:s12] =	ssyncadd.s32 $0xFFFFB400  }
0x12f: {  	v47 =	vld.idx.msk [tilespmem:v16+s2+$0x0], $0xffff  }
0x130: {  	v40 =	vld.idx.msk [tilespmem:v17+s2+$0x0], $0xffff  }
0x131: {  	v46 =	vor.u32 v0, v19;
	v38 =	vld.idx.msk [tilespmem:v20+s2+$0x0], $0xffff  }
0x132: {  	v45 =	vor.u32 v8, v28;
	v37 =	vld.idx.msk [tilespmem:v24+s2+$0x0], $0xffff  }
0x133: {  	v44 =	vor.u32 v4, v29;
	v42 =	vor.u32 v12, v31;
	v39 =	vld.idx.msk [tilespmem:v22+s2+$0x0], $0xffff  }
0x134: {  	v32 =	vor.u32 v6, v21;
	v33 =	vor.u32 v4, v25;
	v36 =	vor.u32 v8, v26;
	s15 =	simm.s32 $0xA880;
	v41 =	vld.idx.msk [tilespmem:v18+s2+$0x0], $0xffff  }
0x135: {  	s16 =	simm.s32 $0x0;
	s17 =	sadd.s32 $0x2, s6;
	s18 =	simm.s32 $0xA880;
	v35 =	vor.u32 v0, v27;
	v34 =	vor.u32 v10, v30;
	v43 =	vld.idx.msk [tilespmem:v23+s2+$0x0], $0xffff;
	[tilespmem:s15+$0x10] =	vst v47  }
.LBB2_10:
0x136: {  	v47 =	vadd.s32 s17, v3;
	v48 =	vadd.s32 s17, v5;
	v49 =	vadd.s32 s17, v7;
	s19 =	sadd.s32 $0x1, s17;
	s16 =	sadd.s32 $0x10, s16;
	[tilespmem:s15+$0xFFFFFFB0] =	vst v40;
	v40 =	vld.idx.msk [tilespmem:v46+s2+$0x0], $0xffff;
	s18 =	sadd.s32 $0x100, s18  }
0x137: {  	v46 =	vadd.s32 s19, v1;
	v50 =	vadd.s32 s19, v3;
	v51 =	vadd.s32 s19, v11;
	p0 =	slt.u32 s16, $0x4B0;
	v45 =	vld.idx.msk [tilespmem:v45+s2+$0x0], $0xffff;
	[tilespmem:s15+$0x60] =	vst v38  }
0x138: {  	v38 =	vshll.u32 v49, $0x7;
	v49 =	vadd.s32 s19, v7;
	v52 =	vadd.s32 s19, v9;
	v44 =	vld.idx.msk [tilespmem:v44+s2+$0x0], $0xffff;
	[tilespmem:s15+$0x70] =	vst v37  }
0x139: {  	v53 =	vadd.s32 s19, v13;
	v54 =	vadd.s32 s19, v15;
	v37 =	vadd.s32 s17, v15;
	v36 =	vld.idx.msk [tilespmem:v36+s2+$0x0], $0xffff;
	[tilespmem:s15+$0x50] =	vst v39  }
0x13a: {  	v55 =	vadd.s32 s19, v5;
	v50 =	vshll.u32 v50, $0x7;
	v39 =	vadd.s32 s17, v9;
	v35 =	vld.idx.msk [tilespmem:v35+s2+$0x0], $0xffff;
	[tilespmem:s15+$0xFFFFFF90] =	vst v41  }
0x13b: {  	v38 =	vor.u32 v6, v38;
	v41 =	vor.u32 v2, v50;
	v50 =	vshll.u32 v51, $0x7;
	v42 =	vld.idx.msk [tilespmem:v42+s2+$0x0], $0xffff;
	[tilespmem:s15+$0xFFFFFFF0] =	vst v43  }
0x13c: {  	v49 =	vshll.u32 v49, $0x7;
	v51 =	vshll.u32 v53, $0x7;
	v43 =	vadd.s32 s17, v1;
	[tilespmem:s15+$0x0] =	vst v40;
	v53 =	vld.idx.msk [tilespmem:v33+s2+$0x0], $0xffff  }
0x13d: {  	v46 =	vshll.u32 v46, $0x7;
	v51 =	vor.u32 v12, v51;
	v33 =	vshll.u32 v54, $0x7;
	v54 =	vld.idx.msk [tilespmem:v32+s2+$0x0], $0xffff;
	[tilespmem:s15+$0x40] =	vst v45  }
0x13e: {  	v32 =	vshll.u32 v47, $0x7;
	v47 =	vor.u32 v10, v50;
	v50 =	vor.u32 v14, v33;
	[tilespmem:s15+$0xFFFFFFA0] =	vst v44;
	v34 =	vld.idx.msk [tilespmem:v34+s2+$0x0], $0xffff  }
0x13f: {  	v33 =	vshll.u32 v55, $0x7;
	v56 =	vor.u32 v2, v32;
	v32 =	vor.u32 v6, v49;
	[tilespmem:s15+$0xFFFFFFC0] =	vst v36  }
0x140: {  	v37 =	vshll.u32 v37, $0x7;
	v33 =	vor.u32 v4, v33;
	v36 =	vshll.u32 v39, $0x7;
	v49 =	vld.idx.msk [tilespmem:v41+s2+$0x0], $0xffff;
	[tilespmem:s15+$0xFFFFFF80] =	vst v35  }
0x141: {  	v35 =	vshll.u32 v43, $0x7;
	v36 =	vor.u32 v8, v36;
	v43 =	vor.u32 v14, v37;
	v40 =	vld.idx.msk [tilespmem:v38+s2+$0x0], $0xffff;
	[tilespmem:s15+$0xFFFFFFE0] =	vst v42  }
.Ltmp4:
0x142: {  	v46 =	vor.u32 v0, v46;
	v37 =	vshll.u32 v52, $0x7;
	v35 =	vor.u32 v0, v35;
	v38 =	vld.idx.msk [tilespmem:v51+s2+$0x0], $0xffff;
	[tilespmem:s15+$0x20] =	vst v53;
	(pc) =	sbr.rel @p0 .LBB2_10-.Ltmp4, $4  }
0x143: {  	v39 =	vshll.u32 v48, $0x7;
	v45 =	vor.u32 v8, v37;
	v37 =	vld.idx.msk [tilespmem:v50+s2+$0x0], $0xffff;
	[tilespmem:s15+$0x30] =	vst v54  }
0x144: {  	v48 =	vadd.s32 s17, v13;
	v44 =	vor.u32 v4, v39;
	v42 =	vadd.s32 s17, v11;
	v39 =	vld.idx.msk [tilespmem:v47+s2+$0x0], $0xffff;
	[tilespmem:s15+$0xFFFFFFD0] =	vst v34;
	s15 =	smov.u32 s18  }
0x145: {  	v34 =	vshll.u32 v42, $0x7;
	v42 =	vshll.u32 v48, $0x7;
	v41 =	vld.idx.msk [tilespmem:v56+s2+$0x0], $0xffff  }
0x146: {  	s17 =	sadd.s32 $0x2, s17;
	v34 =	vor.u32 v10, v34;
	v42 =	vor.u32 v12, v42;
	v43 =	vld.idx.msk [tilespmem:v43+s2+$0x0], $0xffff;
	[tilespmem:s18+$0x10] =	vst v49  }
0x147: {  	_ =	sdelay $0x2  }
0x148: {  	[tilespmem:s15+$0xFFFFFFB0] =	vst v40  }
0x149: {  	v60 =	vld.idx.msk [tilespmem:v46+s2+$0x0], $0xffff;
	[tilespmem:s15+$0x60] =	vst v38  }
0x14a: {  	v61 =	vld.idx.msk [tilespmem:v45+s2+$0x0], $0xffff;
	[tilespmem:s15+$0x70] =	vst v37  }
0x14b: {  	v62 =	vld.idx.msk [tilespmem:v44+s2+$0x0], $0xffff;
	[tilespmem:s15+$0x50] =	vst v39  }
0x14c: {  	v36 =	vld.idx.msk [tilespmem:v36+s2+$0x0], $0xffff;
	[tilespmem:s15+$0xFFFFFF90] =	vst v41  }
0x14d: {  	v35 =	vld.idx.msk [tilespmem:v35+s2+$0x0], $0xffff;
	[tilespmem:s15+$0xFFFFFFF0] =	vst v43  }
0x14e: {  	v63 =	vld.idx.msk [tilespmem:v42+s2+$0x0], $0xffff;
	[tilespmem:s15+$0x0] =	vst v60  }
0x14f: {  	v33 =	vld.idx.msk [tilespmem:v33+s2+$0x0], $0xffff;
	[tilespmem:s15+$0x40] =	vst v61  }
0x150: {  	v32 =	vld.idx.msk [tilespmem:v32+s2+$0x0], $0xffff;
	[tilespmem:s15+$0xFFFFFFA0] =	vst v62  }
0x151: {  	v34 =	vld.idx.msk [tilespmem:v34+s2+$0x0], $0xffff;
	[tilespmem:s15+$0xFFFFFFC0] =	vst v36  }
0x152: {  	[tilespmem:s15+$0xFFFFFF80] =	vst v35  }
0x153: {  	[tilespmem:s15+$0xFFFFFFE0] =	vst v63  }
0x154: {  	[tilespmem:s15+$0x20] =	vst v33  }
0x155: {  	[tilespmem:s15+$0x30] =	vst v32  }
0x156: {  	[tilespmem:s15+$0xFFFFFFD0] =	vst v34  }
0x157: {  	[hbm4b:s23+s2] =	stream.linear.scatter [tilespmem:s9], [sflag:$0x3], $0x4C00, $0x38;
	[tilespmem:$0x14000] =	vst v63  }
0x158: {  	s15 =	rddreg [dreg:$0xb]  }
0x159: {  	[tilespmem:s2], [sflag:$0x1] =	stream.linear.gather [hbm4b:s15+s2], $0x5400, $0x38;
	[tilespmem:$0x14000] =	vst v63  }
0x15a: {  	_ =	swait.ge [sflag:s10], $0x5400  }
0x15b: {  	[sflag:s10] =	ssyncset.done $0x0  }
0x15c: {  	[sflag:s10] =	ssyncadd.s32 $0xFFFFAC00  }
0x15d: {  	_ =	swait.ge [sflag:s13], $0x4C00  }
0x15e: {  	[sflag:s13] =	ssyncset.done $0x0  }
0x15f: {  	[sflag:s13] =	ssyncadd.s32 $0xFFFFB400  }
0x160: {  	v47 =	vld.idx.msk [tilespmem:v16+s8+$0x0], $0xffff  }
0x161: {  	v40 =	vld.idx.msk [tilespmem:v17+s8+$0x0], $0xffff  }
0x162: {  	v46 =	vor.u32 v0, v19;
	v38 =	vld.idx.msk [tilespmem:v20+s8+$0x0], $0xffff  }
0x163: {  	v45 =	vor.u32 v8, v28;
	v37 =	vld.idx.msk [tilespmem:v24+s8+$0x0], $0xffff  }
0x164: {  	v44 =	vor.u32 v4, v29;
	v42 =	vor.u32 v12, v31;
	v39 =	vld.idx.msk [tilespmem:v22+s8+$0x0], $0xffff  }
0x165: {  	v32 =	vor.u32 v6, v21;
	v33 =	vor.u32 v4, v25;
	v36 =	vor.u32 v8, v26;
	s15 =	simm.s32 $0xF480;
	v41 =	vld.idx.msk [tilespmem:v18+s8+$0x0], $0xffff  }
0x166: {  	s16 =	simm.s32 $0x0;
	s17 =	sadd.s32 $0x2, s6;
	s18 =	simm.s32 $0xF480;
	v35 =	vor.u32 v0, v27;
	v34 =	vor.u32 v10, v30;
	v43 =	vld.idx.msk [tilespmem:v23+s8+$0x0], $0xffff;
	[tilespmem:s15+$0x10] =	vst v47  }
.LBB2_12:
0x167: {  	v47 =	vadd.s32 s17, v3;
	v48 =	vadd.s32 s17, v5;
	v49 =	vadd.s32 s17, v7;
	s19 =	sadd.s32 $0x1, s17;
	s16 =	sadd.s32 $0x10, s16;
	[tilespmem:s15+$0xFFFFFFB0] =	vst v40;
	v40 =	vld.idx.msk [tilespmem:v46+s8+$0x0], $0xffff;
	s18 =	sadd.s32 $0x100, s18  }
0x168: {  	v46 =	vadd.s32 s19, v1;
	v50 =	vadd.s32 s19, v3;
	v51 =	vadd.s32 s19, v11;
	p0 =	slt.u32 s16, $0x4B0;
	v45 =	vld.idx.msk [tilespmem:v45+s8+$0x0], $0xffff;
	[tilespmem:s15+$0x60] =	vst v38  }
0x169: {  	v38 =	vshll.u32 v49, $0x7;
	v49 =	vadd.s32 s19, v7;
	v52 =	vadd.s32 s19, v9;
	v44 =	vld.idx.msk [tilespmem:v44+s8+$0x0], $0xffff;
	[tilespmem:s15+$0x70] =	vst v37  }
0x16a: {  	v53 =	vadd.s32 s19, v13;
	v54 =	vadd.s32 s19, v15;
	v37 =	vadd.s32 s17, v15;
	v36 =	vld.idx.msk [tilespmem:v36+s8+$0x0], $0xffff;
	[tilespmem:s15+$0x50] =	vst v39  }
0x16b: {  	v55 =	vadd.s32 s19, v5;
	v50 =	vshll.u32 v50, $0x7;
	v39 =	vadd.s32 s17, v9;
	v35 =	vld.idx.msk [tilespmem:v35+s8+$0x0], $0xffff;
	[tilespmem:s15+$0xFFFFFF90] =	vst v41  }
0x16c: {  	v38 =	vor.u32 v6, v38;
	v41 =	vor.u32 v2, v50;
	v50 =	vshll.u32 v51, $0x7;
	v42 =	vld.idx.msk [tilespmem:v42+s8+$0x0], $0xffff;
	[tilespmem:s15+$0xFFFFFFF0] =	vst v43  }
0x16d: {  	v49 =	vshll.u32 v49, $0x7;
	v51 =	vshll.u32 v53, $0x7;
	v43 =	vadd.s32 s17, v1;
	[tilespmem:s15+$0x0] =	vst v40;
	v53 =	vld.idx.msk [tilespmem:v33+s8+$0x0], $0xffff  }
0x16e: {  	v46 =	vshll.u32 v46, $0x7;
	v51 =	vor.u32 v12, v51;
	v33 =	vshll.u32 v54, $0x7;
	v54 =	vld.idx.msk [tilespmem:v32+s8+$0x0], $0xffff;
	[tilespmem:s15+$0x40] =	vst v45  }
0x16f: {  	v32 =	vshll.u32 v47, $0x7;
	v47 =	vor.u32 v10, v50;
	v50 =	vor.u32 v14, v33;
	[tilespmem:s15+$0xFFFFFFA0] =	vst v44;
	v34 =	vld.idx.msk [tilespmem:v34+s8+$0x0], $0xffff  }
0x170: {  	v33 =	vshll.u32 v55, $0x7;
	v56 =	vor.u32 v2, v32;
	v32 =	vor.u32 v6, v49;
	[tilespmem:s15+$0xFFFFFFC0] =	vst v36  }
0x171: {  	v37 =	vshll.u32 v37, $0x7;
	v33 =	vor.u32 v4, v33;
	v36 =	vshll.u32 v39, $0x7;
	v49 =	vld.idx.msk [tilespmem:v41+s8+$0x0], $0xffff;
	[tilespmem:s15+$0xFFFFFF80] =	vst v35  }
0x172: {  	v35 =	vshll.u32 v43, $0x7;
	v36 =	vor.u32 v8, v36;
	v43 =	vor.u32 v14, v37;
	v40 =	vld.idx.msk [tilespmem:v38+s8+$0x0], $0xffff;
	[tilespmem:s15+$0xFFFFFFE0] =	vst v42  }
.Ltmp5:
0x173: {  	v46 =	vor.u32 v0, v46;
	v37 =	vshll.u32 v52, $0x7;
	v35 =	vor.u32 v0, v35;
	v38 =	vld.idx.msk [tilespmem:v51+s8+$0x0], $0xffff;
	[tilespmem:s15+$0x20] =	vst v53;
	(pc) =	sbr.rel @p0 .LBB2_12-.Ltmp5, $4  }
0x174: {  	v39 =	vshll.u32 v48, $0x7;
	v45 =	vor.u32 v8, v37;
	v37 =	vld.idx.msk [tilespmem:v50+s8+$0x0], $0xffff;
	[tilespmem:s15+$0x30] =	vst v54  }
0x175: {  	v48 =	vadd.s32 s17, v13;
	v44 =	vor.u32 v4, v39;
	v42 =	vadd.s32 s17, v11;
	v39 =	vld.idx.msk [tilespmem:v47+s8+$0x0], $0xffff;
	[tilespmem:s15+$0xFFFFFFD0] =	vst v34;
	s15 =	smov.u32 s18  }
0x176: {  	v34 =	vshll.u32 v42, $0x7;
	v42 =	vshll.u32 v48, $0x7;
	v41 =	vld.idx.msk [tilespmem:v56+s8+$0x0], $0xffff  }
0x177: {  	s17 =	sadd.s32 $0x2, s17;
	v34 =	vor.u32 v10, v34;
	v42 =	vor.u32 v12, v42;
	v43 =	vld.idx.msk [tilespmem:v43+s8+$0x0], $0xffff;
	[tilespmem:s18+$0x10] =	vst v49  }
0x178: {  	_ =	sdelay $0x2  }
0x179: {  	[tilespmem:s15+$0xFFFFFFB0] =	vst v40  }
0x17a: {  	v60 =	vld.idx.msk [tilespmem:v46+s8+$0x0], $0xffff;
	[tilespmem:s15+$0x60] =	vst v38  }
0x17b: {  	v61 =	vld.idx.msk [tilespmem:v45+s8+$0x0], $0xffff;
	[tilespmem:s15+$0x70] =	vst v37  }
0x17c: {  	v62 =	vld.idx.msk [tilespmem:v44+s8+$0x0], $0xffff;
	[tilespmem:s15+$0x50] =	vst v39  }
0x17d: {  	v36 =	vld.idx.msk [tilespmem:v36+s8+$0x0], $0xffff;
	[tilespmem:s15+$0xFFFFFF90] =	vst v41  }
0x17e: {  	v35 =	vld.idx.msk [tilespmem:v35+s8+$0x0], $0xffff;
	[tilespmem:s15+$0xFFFFFFF0] =	vst v43  }
0x17f: {  	v63 =	vld.idx.msk [tilespmem:v42+s8+$0x0], $0xffff;
	[tilespmem:s15+$0x0] =	vst v60  }
0x180: {  	v33 =	vld.idx.msk [tilespmem:v33+s8+$0x0], $0xffff;
	[tilespmem:s15+$0x40] =	vst v61  }
0x181: {  	v32 =	vld.idx.msk [tilespmem:v32+s8+$0x0], $0xffff;
	[tilespmem:s15+$0xFFFFFFA0] =	vst v62  }
0x182: {  	v34 =	vld.idx.msk [tilespmem:v34+s8+$0x0], $0xffff;
	[tilespmem:s15+$0xFFFFFFC0] =	vst v36  }
0x183: {  	[tilespmem:s15+$0xFFFFFF80] =	vst v35  }
0x184: {  	[tilespmem:s15+$0xFFFFFFE0] =	vst v63  }
0x185: {  	[tilespmem:s15+$0x20] =	vst v33  }
0x186: {  	[tilespmem:s15+$0x30] =	vst v32  }
0x187: {  	[tilespmem:s15+$0xFFFFFFD0] =	vst v34  }
0x188: {  	[hbm4b:s24+s2] =	stream.linear.scatter [tilespmem:s11], [sflag:$0x4], $0x4C00, $0x38;
	[tilespmem:$0x14000] =	vst v63  }
0x189: {  	s15 =	rddreg [dreg:$0xc]  }
0x18a: {  	[tilespmem:s8], [sflag:$0x2] =	stream.linear.gather [hbm4b:s15+s2], $0x5400, $0x38;
	[tilespmem:$0x14000] =	vst v63  }
0x18b: {  	_ =	swait.ge [sflag:s7], $0x5400  }
0x18c: {  	[sflag:s7] =	ssyncset.done $0x0  }
0x18d: {  	[sflag:s7] =	ssyncadd.s32 $0xFFFFAC00  }
0x18e: {  	_ =	swait.ge [sflag:s12], $0x4C00  }
0x18f: {  	[sflag:s12] =	ssyncset.done $0x0  }
0x190: {  	[sflag:s12] =	ssyncadd.s32 $0xFFFFB400  }
0x191: {  	v47 =	vld.idx.msk [tilespmem:v16+s2+$0x0], $0xffff  }
0x192: {  	v40 =	vld.idx.msk [tilespmem:v17+s2+$0x0], $0xffff  }
0x193: {  	v46 =	vor.u32 v0, v19;
	v38 =	vld.idx.msk [tilespmem:v20+s2+$0x0], $0xffff  }
0x194: {  	v45 =	vor.u32 v8, v28;
	v37 =	vld.idx.msk [tilespmem:v24+s2+$0x0], $0xffff  }
0x195: {  	v44 =	vor.u32 v4, v29;
	v42 =	vor.u32 v12, v31;
	v39 =	vld.idx.msk [tilespmem:v22+s2+$0x0], $0xffff  }
0x196: {  	v32 =	vor.u32 v6, v21;
	v33 =	vor.u32 v4, v25;
	v36 =	vor.u32 v8, v26;
	s15 =	simm.s32 $0xA880;
	v41 =	vld.idx.msk [tilespmem:v18+s2+$0x0], $0xffff  }
0x197: {  	s16 =	simm.s32 $0x0;
	s17 =	sadd.s32 $0x2, s6;
	s18 =	simm.s32 $0xA880;
	v35 =	vor.u32 v0, v27;
	v34 =	vor.u32 v10, v30;
	v43 =	vld.idx.msk [tilespmem:v23+s2+$0x0], $0xffff;
	[tilespmem:s15+$0x10] =	vst v47  }
.LBB2_14:
0x198: {  	v47 =	vadd.s32 s17, v3;
	v48 =	vadd.s32 s17, v5;
	v49 =	vadd.s32 s17, v7;
	s19 =	sadd.s32 $0x1, s17;
	s16 =	sadd.s32 $0x10, s16;
	[tilespmem:s15+$0xFFFFFFB0] =	vst v40;
	v40 =	vld.idx.msk [tilespmem:v46+s2+$0x0], $0xffff;
	s18 =	sadd.s32 $0x100, s18  }
0x199: {  	v46 =	vadd.s32 s19, v1;
	v50 =	vadd.s32 s19, v3;
	v51 =	vadd.s32 s19, v11;
	p0 =	slt.u32 s16, $0x4B0;
	v45 =	vld.idx.msk [tilespmem:v45+s2+$0x0], $0xffff;
	[tilespmem:s15+$0x60] =	vst v38  }
0x19a: {  	v38 =	vshll.u32 v49, $0x7;
	v49 =	vadd.s32 s19, v7;
	v52 =	vadd.s32 s19, v9;
	v44 =	vld.idx.msk [tilespmem:v44+s2+$0x0], $0xffff;
	[tilespmem:s15+$0x70] =	vst v37  }
0x19b: {  	v53 =	vadd.s32 s19, v13;
	v54 =	vadd.s32 s19, v15;
	v37 =	vadd.s32 s17, v15;
	v36 =	vld.idx.msk [tilespmem:v36+s2+$0x0], $0xffff;
	[tilespmem:s15+$0x50] =	vst v39  }
0x19c: {  	v55 =	vadd.s32 s19, v5;
	v50 =	vshll.u32 v50, $0x7;
	v39 =	vadd.s32 s17, v9;
	v35 =	vld.idx.msk [tilespmem:v35+s2+$0x0], $0xffff;
	[tilespmem:s15+$0xFFFFFF90] =	vst v41  }
0x19d: {  	v38 =	vor.u32 v6, v38;
	v41 =	vor.u32 v2, v50;
	v50 =	vshll.u32 v51, $0x7;
	v42 =	vld.idx.msk [tilespmem:v42+s2+$0x0], $0xffff;
	[tilespmem:s15+$0xFFFFFFF0] =	vst v43  }
0x19e: {  	v49 =	vshll.u32 v49, $0x7;
	v51 =	vshll.u32 v53, $0x7;
	v43 =	vadd.s32 s17, v1;
	[tilespmem:s15+$0x0] =	vst v40;
	v53 =	vld.idx.msk [tilespmem:v33+s2+$0x0], $0xffff  }
0x19f: {  	v46 =	vshll.u32 v46, $0x7;
	v51 =	vor.u32 v12, v51;
	v33 =	vshll.u32 v54, $0x7;
	v54 =	vld.idx.msk [tilespmem:v32+s2+$0x0], $0xffff;
	[tilespmem:s15+$0x40] =	vst v45  }
0x1a0: {  	v32 =	vshll.u32 v47, $0x7;
	v47 =	vor.u32 v10, v50;
	v50 =	vor.u32 v14, v33;
	[tilespmem:s15+$0xFFFFFFA0] =	vst v44;
	v34 =	vld.idx.msk [tilespmem:v34+s2+$0x0], $0xffff  }
0x1a1: {  	v33 =	vshll.u32 v55, $0x7;
	v56 =	vor.u32 v2, v32;
	v32 =	vor.u32 v6, v49;
	[tilespmem:s15+$0xFFFFFFC0] =	vst v36  }
0x1a2: {  	v37 =	vshll.u32 v37, $0x7;
	v33 =	vor.u32 v4, v33;
	v36 =	vshll.u32 v39, $0x7;
	v49 =	vld.idx.msk [tilespmem:v41+s2+$0x0], $0xffff;
	[tilespmem:s15+$0xFFFFFF80] =	vst v35  }
0x1a3: {  	v35 =	vshll.u32 v43, $0x7;
	v36 =	vor.u32 v8, v36;
	v43 =	vor.u32 v14, v37;
	v40 =	vld.idx.msk [tilespmem:v38+s2+$0x0], $0xffff;
	[tilespmem:s15+$0xFFFFFFE0] =	vst v42  }
.Ltmp6:
0x1a4: {  	v46 =	vor.u32 v0, v46;
	v37 =	vshll.u32 v52, $0x7;
	v35 =	vor.u32 v0, v35;
	v38 =	vld.idx.msk [tilespmem:v51+s2+$0x0], $0xffff;
	[tilespmem:s15+$0x20] =	vst v53;
	(pc) =	sbr.rel @p0 .LBB2_14-.Ltmp6, $4  }
0x1a5: {  	v39 =	vshll.u32 v48, $0x7;
	v45 =	vor.u32 v8, v37;
	v37 =	vld.idx.msk [tilespmem:v50+s2+$0x0], $0xffff;
	[tilespmem:s15+$0x30] =	vst v54  }
0x1a6: {  	v48 =	vadd.s32 s17, v13;
	v44 =	vor.u32 v4, v39;
	v42 =	vadd.s32 s17, v11;
	v39 =	vld.idx.msk [tilespmem:v47+s2+$0x0], $0xffff;
	[tilespmem:s15+$0xFFFFFFD0] =	vst v34;
	s15 =	smov.u32 s18  }
0x1a7: {  	v34 =	vshll.u32 v42, $0x7;
	v42 =	vshll.u32 v48, $0x7;
	v41 =	vld.idx.msk [tilespmem:v56+s2+$0x0], $0xffff  }
0x1a8: {  	s17 =	sadd.s32 $0x2, s17;
	v34 =	vor.u32 v10, v34;
	v42 =	vor.u32 v12, v42;
	v43 =	vld.idx.msk [tilespmem:v43+s2+$0x0], $0xffff;
	[tilespmem:s18+$0x10] =	vst v49  }
0x1a9: {  	_ =	sdelay $0x2  }
0x1aa: {  	[tilespmem:s15+$0xFFFFFFB0] =	vst v40  }
0x1ab: {  	v60 =	vld.idx.msk [tilespmem:v46+s2+$0x0], $0xffff;
	[tilespmem:s15+$0x60] =	vst v38  }
0x1ac: {  	v61 =	vld.idx.msk [tilespmem:v45+s2+$0x0], $0xffff;
	[tilespmem:s15+$0x70] =	vst v37  }
0x1ad: {  	v62 =	vld.idx.msk [tilespmem:v44+s2+$0x0], $0xffff;
	[tilespmem:s15+$0x50] =	vst v39  }
0x1ae: {  	v36 =	vld.idx.msk [tilespmem:v36+s2+$0x0], $0xffff;
	[tilespmem:s15+$0xFFFFFF90] =	vst v41  }
0x1af: {  	v35 =	vld.idx.msk [tilespmem:v35+s2+$0x0], $0xffff;
	[tilespmem:s15+$0xFFFFFFF0] =	vst v43  }
0x1b0: {  	v63 =	vld.idx.msk [tilespmem:v42+s2+$0x0], $0xffff;
	[tilespmem:s15+$0x0] =	vst v60  }
0x1b1: {  	v33 =	vld.idx.msk [tilespmem:v33+s2+$0x0], $0xffff;
	[tilespmem:s15+$0x40] =	vst v61  }
0x1b2: {  	v32 =	vld.idx.msk [tilespmem:v32+s2+$0x0], $0xffff;
	[tilespmem:s15+$0xFFFFFFA0] =	vst v62  }
0x1b3: {  	v34 =	vld.idx.msk [tilespmem:v34+s2+$0x0], $0xffff;
	[tilespmem:s15+$0xFFFFFFC0] =	vst v36  }
0x1b4: {  	[tilespmem:s15+$0xFFFFFF80] =	vst v35  }
0x1b5: {  	[tilespmem:s15+$0xFFFFFFE0] =	vst v63  }
0x1b6: {  	[tilespmem:s15+$0x20] =	vst v33  }
0x1b7: {  	[tilespmem:s15+$0x30] =	vst v32  }
0x1b8: {  	[tilespmem:s15+$0xFFFFFFD0] =	vst v34  }
0x1b9: {  	[hbm4b:s25+s2] =	stream.linear.scatter [tilespmem:s9], [sflag:$0x3], $0x4C00, $0x38;
	[tilespmem:$0x14000] =	vst v63  }
0x1ba: {  	s15 =	rddreg [dreg:$0xd]  }
0x1bb: {  	[tilespmem:s2], [sflag:$0x1] =	stream.linear.gather [hbm4b:s15+s2], $0x5400, $0x38;
	[tilespmem:$0x14000] =	vst v63  }
0x1bc: {  	_ =	swait.ge [sflag:s10], $0x5400  }
0x1bd: {  	[sflag:s10] =	ssyncset.done $0x0  }
0x1be: {  	[sflag:s10] =	ssyncadd.s32 $0xFFFFAC00  }
0x1bf: {  	_ =	swait.ge [sflag:s13], $0x4C00  }
0x1c0: {  	[sflag:s13] =	ssyncset.done $0x0  }
0x1c1: {  	[sflag:s13] =	ssyncadd.s32 $0xFFFFB400  }
0x1c2: {  	v47 =	vld.idx.msk [tilespmem:v16+s8+$0x0], $0xffff  }
0x1c3: {  	v40 =	vld.idx.msk [tilespmem:v17+s8+$0x0], $0xffff  }
0x1c4: {  	v46 =	vor.u32 v0, v19;
	v38 =	vld.idx.msk [tilespmem:v20+s8+$0x0], $0xffff  }
0x1c5: {  	v45 =	vor.u32 v8, v28;
	v37 =	vld.idx.msk [tilespmem:v24+s8+$0x0], $0xffff  }
0x1c6: {  	v44 =	vor.u32 v4, v29;
	v42 =	vor.u32 v12, v31;
	v39 =	vld.idx.msk [tilespmem:v22+s8+$0x0], $0xffff  }
0x1c7: {  	v32 =	vor.u32 v6, v21;
	v33 =	vor.u32 v4, v25;
	v36 =	vor.u32 v8, v26;
	s15 =	simm.s32 $0xF480;
	v41 =	vld.idx.msk [tilespmem:v18+s8+$0x0], $0xffff  }
0x1c8: {  	s16 =	simm.s32 $0x0;
	s17 =	sadd.s32 $0x2, s6;
	s18 =	simm.s32 $0xF480;
	v35 =	vor.u32 v0, v27;
	v34 =	vor.u32 v10, v30;
	v43 =	vld.idx.msk [tilespmem:v23+s8+$0x0], $0xffff;
	[tilespmem:s15+$0x10] =	vst v47  }
.LBB2_16:
0x1c9: {  	v47 =	vadd.s32 s17, v3;
	v48 =	vadd.s32 s17, v5;
	v49 =	vadd.s32 s17, v7;
	s19 =	sadd.s32 $0x1, s17;
	s16 =	sadd.s32 $0x10, s16;
	[tilespmem:s15+$0xFFFFFFB0] =	vst v40;
	v40 =	vld.idx.msk [tilespmem:v46+s8+$0x0], $0xffff;
	s18 =	sadd.s32 $0x100, s18  }
0x1ca: {  	v46 =	vadd.s32 s19, v1;
	v50 =	vadd.s32 s19, v3;
	v51 =	vadd.s32 s19, v11;
	p0 =	slt.u32 s16, $0x4B0;
	v45 =	vld.idx.msk [tilespmem:v45+s8+$0x0], $0xffff;
	[tilespmem:s15+$0x60] =	vst v38  }
0x1cb: {  	v38 =	vshll.u32 v49, $0x7;
	v49 =	vadd.s32 s19, v7;
	v52 =	vadd.s32 s19, v9;
	v44 =	vld.idx.msk [tilespmem:v44+s8+$0x0], $0xffff;
	[tilespmem:s15+$0x70] =	vst v37  }
0x1cc: {  	v53 =	vadd.s32 s19, v13;
	v54 =	vadd.s32 s19, v15;
	v37 =	vadd.s32 s17, v15;
	v36 =	vld.idx.msk [tilespmem:v36+s8+$0x0], $0xffff;
	[tilespmem:s15+$0x50] =	vst v39  }
0x1cd: {  	v55 =	vadd.s32 s19, v5;
	v50 =	vshll.u32 v50, $0x7;
	v39 =	vadd.s32 s17, v9;
	v35 =	vld.idx.msk [tilespmem:v35+s8+$0x0], $0xffff;
	[tilespmem:s15+$0xFFFFFF90] =	vst v41  }
0x1ce: {  	v38 =	vor.u32 v6, v38;
	v41 =	vor.u32 v2, v50;
	v50 =	vshll.u32 v51, $0x7;
	v42 =	vld.idx.msk [tilespmem:v42+s8+$0x0], $0xffff;
	[tilespmem:s15+$0xFFFFFFF0] =	vst v43  }
0x1cf: {  	v49 =	vshll.u32 v49, $0x7;
	v51 =	vshll.u32 v53, $0x7;
	v43 =	vadd.s32 s17, v1;
	[tilespmem:s15+$0x0] =	vst v40;
	v53 =	vld.idx.msk [tilespmem:v33+s8+$0x0], $0xffff  }
0x1d0: {  	v46 =	vshll.u32 v46, $0x7;
	v51 =	vor.u32 v12, v51;
	v33 =	vshll.u32 v54, $0x7;
	v54 =	vld.idx.msk [tilespmem:v32+s8+$0x0], $0xffff;
	[tilespmem:s15+$0x40] =	vst v45  }
0x1d1: {  	v32 =	vshll.u32 v47, $0x7;
	v47 =	vor.u32 v10, v50;
	v50 =	vor.u32 v14, v33;
	[tilespmem:s15+$0xFFFFFFA0] =	vst v44;
	v34 =	vld.idx.msk [tilespmem:v34+s8+$0x0], $0xffff  }
0x1d2: {  	v33 =	vshll.u32 v55, $0x7;
	v56 =	vor.u32 v2, v32;
	v32 =	vor.u32 v6, v49;
	[tilespmem:s15+$0xFFFFFFC0] =	vst v36  }
0x1d3: {  	v37 =	vshll.u32 v37, $0x7;
	v33 =	vor.u32 v4, v33;
	v36 =	vshll.u32 v39, $0x7;
	v49 =	vld.idx.msk [tilespmem:v41+s8+$0x0], $0xffff;
	[tilespmem:s15+$0xFFFFFF80] =	vst v35  }
0x1d4: {  	v35 =	vshll.u32 v43, $0x7;
	v36 =	vor.u32 v8, v36;
	v43 =	vor.u32 v14, v37;
	v40 =	vld.idx.msk [tilespmem:v38+s8+$0x0], $0xffff;
	[tilespmem:s15+$0xFFFFFFE0] =	vst v42  }
.Ltmp7:
0x1d5: {  	v46 =	vor.u32 v0, v46;
	v37 =	vshll.u32 v52, $0x7;
	v35 =	vor.u32 v0, v35;
	v38 =	vld.idx.msk [tilespmem:v51+s8+$0x0], $0xffff;
	[tilespmem:s15+$0x20] =	vst v53;
	(pc) =	sbr.rel @p0 .LBB2_16-.Ltmp7, $4  }
0x1d6: {  	v39 =	vshll.u32 v48, $0x7;
	v45 =	vor.u32 v8, v37;
	v37 =	vld.idx.msk [tilespmem:v50+s8+$0x0], $0xffff;
	[tilespmem:s15+$0x30] =	vst v54  }
0x1d7: {  	v48 =	vadd.s32 s17, v13;
	v44 =	vor.u32 v4, v39;
	v42 =	vadd.s32 s17, v11;
	v39 =	vld.idx.msk [tilespmem:v47+s8+$0x0], $0xffff;
	[tilespmem:s15+$0xFFFFFFD0] =	vst v34;
	s15 =	smov.u32 s18  }
0x1d8: {  	v34 =	vshll.u32 v42, $0x7;
	v42 =	vshll.u32 v48, $0x7;
	v41 =	vld.idx.msk [tilespmem:v56+s8+$0x0], $0xffff  }
0x1d9: {  	s17 =	sadd.s32 $0x2, s17;
	v34 =	vor.u32 v10, v34;
	v42 =	vor.u32 v12, v42;
	v43 =	vld.idx.msk [tilespmem:v43+s8+$0x0], $0xffff;
	[tilespmem:s18+$0x10] =	vst v49  }
0x1da: {  	_ =	sdelay $0x2  }
0x1db: {  	[tilespmem:s15+$0xFFFFFFB0] =	vst v40  }
0x1dc: {  	v60 =	vld.idx.msk [tilespmem:v46+s8+$0x0], $0xffff;
	[tilespmem:s15+$0x60] =	vst v38  }
0x1dd: {  	v61 =	vld.idx.msk [tilespmem:v45+s8+$0x0], $0xffff;
	[tilespmem:s15+$0x70] =	vst v37  }
0x1de: {  	v62 =	vld.idx.msk [tilespmem:v44+s8+$0x0], $0xffff;
	[tilespmem:s15+$0x50] =	vst v39  }
0x1df: {  	v36 =	vld.idx.msk [tilespmem:v36+s8+$0x0], $0xffff;
	[tilespmem:s15+$0xFFFFFF90] =	vst v41  }
0x1e0: {  	v35 =	vld.idx.msk [tilespmem:v35+s8+$0x0], $0xffff;
	[tilespmem:s15+$0xFFFFFFF0] =	vst v43  }
0x1e1: {  	v63 =	vld.idx.msk [tilespmem:v42+s8+$0x0], $0xffff;
	[tilespmem:s15+$0x0] =	vst v60  }
0x1e2: {  	v33 =	vld.idx.msk [tilespmem:v33+s8+$0x0], $0xffff;
	[tilespmem:s15+$0x40] =	vst v61  }
0x1e3: {  	v32 =	vld.idx.msk [tilespmem:v32+s8+$0x0], $0xffff;
	[tilespmem:s15+$0xFFFFFFA0] =	vst v62  }
0x1e4: {  	v34 =	vld.idx.msk [tilespmem:v34+s8+$0x0], $0xffff;
	[tilespmem:s15+$0xFFFFFFC0] =	vst v36  }
0x1e5: {  	[tilespmem:s15+$0xFFFFFF80] =	vst v35  }
0x1e6: {  	[tilespmem:s15+$0xFFFFFFE0] =	vst v63  }
0x1e7: {  	[tilespmem:s15+$0x20] =	vst v33  }
0x1e8: {  	[tilespmem:s15+$0x30] =	vst v32  }
0x1e9: {  	[tilespmem:s15+$0xFFFFFFD0] =	vst v34  }
0x1ea: {  	[hbm4b:s26+s2] =	stream.linear.scatter [tilespmem:s11], [sflag:$0x4], $0x4C00, $0x38;
	[tilespmem:$0x14000] =	vst v63  }
0x1eb: {  	s15 =	rddreg [dreg:$0xe]  }
0x1ec: {  	[tilespmem:s8], [sflag:$0x2] =	stream.linear.gather [hbm4b:s15+s2], $0x5400, $0x38;
	[tilespmem:$0x14000] =	vst v63  }
0x1ed: {  	_ =	swait.ge [sflag:s7], $0x5400  }
0x1ee: {  	[sflag:s7] =	ssyncset.done $0x0  }
0x1ef: {  	[sflag:s7] =	ssyncadd.s32 $0xFFFFAC00  }
0x1f0: {  	_ =	swait.ge [sflag:s12], $0x4C00  }
0x1f1: {  	[sflag:s12] =	ssyncset.done $0x0  }
0x1f2: {  	[sflag:s12] =	ssyncadd.s32 $0xFFFFB400  }
0x1f3: {  	v47 =	vld.idx.msk [tilespmem:v16+s2+$0x0], $0xffff  }
0x1f4: {  	v40 =	vld.idx.msk [tilespmem:v17+s2+$0x0], $0xffff  }
0x1f5: {  	v46 =	vor.u32 v0, v19;
	v38 =	vld.idx.msk [tilespmem:v20+s2+$0x0], $0xffff  }
0x1f6: {  	v45 =	vor.u32 v8, v28;
	v37 =	vld.idx.msk [tilespmem:v24+s2+$0x0], $0xffff  }
0x1f7: {  	v44 =	vor.u32 v4, v29;
	v42 =	vor.u32 v12, v31;
	v39 =	vld.idx.msk [tilespmem:v22+s2+$0x0], $0xffff  }
0x1f8: {  	v32 =	vor.u32 v6, v21;
	v33 =	vor.u32 v4, v25;
	v36 =	vor.u32 v8, v26;
	s15 =	simm.s32 $0xA880;
	v41 =	vld.idx.msk [tilespmem:v18+s2+$0x0], $0xffff  }
0x1f9: {  	s16 =	simm.s32 $0x0;
	s17 =	sadd.s32 $0x2, s6;
	s18 =	simm.s32 $0xA880;
	v35 =	vor.u32 v0, v27;
	v34 =	vor.u32 v10, v30;
	v43 =	vld.idx.msk [tilespmem:v23+s2+$0x0], $0xffff;
	[tilespmem:s15+$0x10] =	vst v47  }
.LBB2_18:
0x1fa: {  	v47 =	vadd.s32 s17, v3;
	v48 =	vadd.s32 s17, v5;
	v49 =	vadd.s32 s17, v7;
	s19 =	sadd.s32 $0x1, s17;
	s16 =	sadd.s32 $0x10, s16;
	[tilespmem:s15+$0xFFFFFFB0] =	vst v40;
	v40 =	vld.idx.msk [tilespmem:v46+s2+$0x0], $0xffff;
	s18 =	sadd.s32 $0x100, s18  }
0x1fb: {  	v46 =	vadd.s32 s19, v1;
	v50 =	vadd.s32 s19, v3;
	v51 =	vadd.s32 s19, v11;
	p0 =	slt.u32 s16, $0x4B0;
	v45 =	vld.idx.msk [tilespmem:v45+s2+$0x0], $0xffff;
	[tilespmem:s15+$0x60] =	vst v38  }
0x1fc: {  	v38 =	vshll.u32 v49, $0x7;
	v49 =	vadd.s32 s19, v7;
	v52 =	vadd.s32 s19, v9;
	v44 =	vld.idx.msk [tilespmem:v44+s2+$0x0], $0xffff;
	[tilespmem:s15+$0x70] =	vst v37  }
0x1fd: {  	v53 =	vadd.s32 s19, v13;
	v54 =	vadd.s32 s19, v15;
	v37 =	vadd.s32 s17, v15;
	v36 =	vld.idx.msk [tilespmem:v36+s2+$0x0], $0xffff;
	[tilespmem:s15+$0x50] =	vst v39  }
0x1fe: {  	v55 =	vadd.s32 s19, v5;
	v50 =	vshll.u32 v50, $0x7;
	v39 =	vadd.s32 s17, v9;
	v35 =	vld.idx.msk [tilespmem:v35+s2+$0x0], $0xffff;
	[tilespmem:s15+$0xFFFFFF90] =	vst v41  }
0x1ff: {  	v38 =	vor.u32 v6, v38;
	v41 =	vor.u32 v2, v50;
	v50 =	vshll.u32 v51, $0x7;
	v42 =	vld.idx.msk [tilespmem:v42+s2+$0x0], $0xffff;
	[tilespmem:s15+$0xFFFFFFF0] =	vst v43  }
0x200: {  	v49 =	vshll.u32 v49, $0x7;
	v51 =	vshll.u32 v53, $0x7;
	v43 =	vadd.s32 s17, v1;
	[tilespmem:s15+$0x0] =	vst v40;
	v53 =	vld.idx.msk [tilespmem:v33+s2+$0x0], $0xffff  }
0x201: {  	v46 =	vshll.u32 v46, $0x7;
	v51 =	vor.u32 v12, v51;
	v33 =	vshll.u32 v54, $0x7;
	v54 =	vld.idx.msk [tilespmem:v32+s2+$0x0], $0xffff;
	[tilespmem:s15+$0x40] =	vst v45  }
0x202: {  	v32 =	vshll.u32 v47, $0x7;
	v47 =	vor.u32 v10, v50;
	v50 =	vor.u32 v14, v33;
	[tilespmem:s15+$0xFFFFFFA0] =	vst v44;
	v34 =	vld.idx.msk [tilespmem:v34+s2+$0x0], $0xffff  }
0x203: {  	v33 =	vshll.u32 v55, $0x7;
	v56 =	vor.u32 v2, v32;
	v32 =	vor.u32 v6, v49;
	[tilespmem:s15+$0xFFFFFFC0] =	vst v36  }
0x204: {  	v37 =	vshll.u32 v37, $0x7;
	v33 =	vor.u32 v4, v33;
	v36 =	vshll.u32 v39, $0x7;
	v49 =	vld.idx.msk [tilespmem:v41+s2+$0x0], $0xffff;
	[tilespmem:s15+$0xFFFFFF80] =	vst v35  }
0x205: {  	v35 =	vshll.u32 v43, $0x7;
	v36 =	vor.u32 v8, v36;
	v43 =	vor.u32 v14, v37;
	v40 =	vld.idx.msk [tilespmem:v38+s2+$0x0], $0xffff;
	[tilespmem:s15+$0xFFFFFFE0] =	vst v42  }
.Ltmp8:
0x206: {  	v46 =	vor.u32 v0, v46;
	v37 =	vshll.u32 v52, $0x7;
	v35 =	vor.u32 v0, v35;
	v38 =	vld.idx.msk [tilespmem:v51+s2+$0x0], $0xffff;
	[tilespmem:s15+$0x20] =	vst v53;
	(pc) =	sbr.rel @p0 .LBB2_18-.Ltmp8, $4  }
0x207: {  	v39 =	vshll.u32 v48, $0x7;
	v45 =	vor.u32 v8, v37;
	v37 =	vld.idx.msk [tilespmem:v50+s2+$0x0], $0xffff;
	[tilespmem:s15+$0x30] =	vst v54  }
0x208: {  	v48 =	vadd.s32 s17, v13;
	v44 =	vor.u32 v4, v39;
	v42 =	vadd.s32 s17, v11;
	v39 =	vld.idx.msk [tilespmem:v47+s2+$0x0], $0xffff;
	[tilespmem:s15+$0xFFFFFFD0] =	vst v34;
	s15 =	smov.u32 s18  }
0x209: {  	v34 =	vshll.u32 v42, $0x7;
	v42 =	vshll.u32 v48, $0x7;
	v41 =	vld.idx.msk [tilespmem:v56+s2+$0x0], $0xffff  }
0x20a: {  	s17 =	sadd.s32 $0x2, s17;
	v34 =	vor.u32 v10, v34;
	v42 =	vor.u32 v12, v42;
	v43 =	vld.idx.msk [tilespmem:v43+s2+$0x0], $0xffff;
	[tilespmem:s18+$0x10] =	vst v49  }
0x20b: {  	_ =	sdelay $0x2  }
0x20c: {  	[tilespmem:s15+$0xFFFFFFB0] =	vst v40  }
0x20d: {  	v60 =	vld.idx.msk [tilespmem:v46+s2+$0x0], $0xffff;
	[tilespmem:s15+$0x60] =	vst v38  }
0x20e: {  	v61 =	vld.idx.msk [tilespmem:v45+s2+$0x0], $0xffff;
	[tilespmem:s15+$0x70] =	vst v37  }
0x20f: {  	v62 =	vld.idx.msk [tilespmem:v44+s2+$0x0], $0xffff;
	[tilespmem:s15+$0x50] =	vst v39  }
0x210: {  	v36 =	vld.idx.msk [tilespmem:v36+s2+$0x0], $0xffff;
	[tilespmem:s15+$0xFFFFFF90] =	vst v41  }
0x211: {  	v35 =	vld.idx.msk [tilespmem:v35+s2+$0x0], $0xffff;
	[tilespmem:s15+$0xFFFFFFF0] =	vst v43  }
0x212: {  	v63 =	vld.idx.msk [tilespmem:v42+s2+$0x0], $0xffff;
	[tilespmem:s15+$0x0] =	vst v60  }
0x213: {  	v33 =	vld.idx.msk [tilespmem:v33+s2+$0x0], $0xffff;
	[tilespmem:s15+$0x40] =	vst v61  }
0x214: {  	v32 =	vld.idx.msk [tilespmem:v32+s2+$0x0], $0xffff;
	[tilespmem:s15+$0xFFFFFFA0] =	vst v62  }
0x215: {  	v34 =	vld.idx.msk [tilespmem:v34+s2+$0x0], $0xffff;
	[tilespmem:s15+$0xFFFFFFC0] =	vst v36  }
0x216: {  	[tilespmem:s15+$0xFFFFFF80] =	vst v35  }
0x217: {  	[tilespmem:s15+$0xFFFFFFE0] =	vst v63  }
0x218: {  	[tilespmem:s15+$0x20] =	vst v33  }
0x219: {  	[tilespmem:s15+$0x30] =	vst v32  }
0x21a: {  	[tilespmem:s15+$0xFFFFFFD0] =	vst v34  }
0x21b: {  	[hbm4b:s28+s2] =	stream.linear.scatter [tilespmem:s9], [sflag:$0x3], $0x4C00, $0x38;
	[tilespmem:$0x14000] =	vst v63  }
0x21c: {  	s15 =	rddreg [dreg:$0xf]  }
0x21d: {  	[tilespmem:s2], [sflag:$0x1] =	stream.linear.gather [hbm4b:s15+s2], $0x5400, $0x38;
	[tilespmem:$0x14000] =	vst v63  }
0x21e: {  	_ =	swait.ge [sflag:s10], $0x5400  }
0x21f: {  	[sflag:s10] =	ssyncset.done $0x0  }
0x220: {  	[sflag:s10] =	ssyncadd.s32 $0xFFFFAC00  }
0x221: {  	_ =	swait.ge [sflag:s13], $0x4C00  }
0x222: {  	[sflag:s13] =	ssyncset.done $0x0  }
0x223: {  	[sflag:s13] =	ssyncadd.s32 $0xFFFFB400  }
0x224: {  	v47 =	vld.idx.msk [tilespmem:v16+s8+$0x0], $0xffff  }
0x225: {  	v40 =	vld.idx.msk [tilespmem:v17+s8+$0x0], $0xffff  }
0x226: {  	v46 =	vor.u32 v0, v19;
	v38 =	vld.idx.msk [tilespmem:v20+s8+$0x0], $0xffff  }
0x227: {  	v45 =	vor.u32 v8, v28;
	v37 =	vld.idx.msk [tilespmem:v24+s8+$0x0], $0xffff  }
0x228: {  	v44 =	vor.u32 v4, v29;
	v42 =	vor.u32 v12, v31;
	v39 =	vld.idx.msk [tilespmem:v22+s8+$0x0], $0xffff  }
0x229: {  	v32 =	vor.u32 v6, v21;
	v33 =	vor.u32 v4, v25;
	v36 =	vor.u32 v8, v26;
	s15 =	simm.s32 $0xF480;
	v41 =	vld.idx.msk [tilespmem:v18+s8+$0x0], $0xffff  }
0x22a: {  	s16 =	simm.s32 $0x0;
	s17 =	sadd.s32 $0x2, s6;
	s18 =	simm.s32 $0xF480;
	v35 =	vor.u32 v0, v27;
	v34 =	vor.u32 v10, v30;
	v43 =	vld.idx.msk [tilespmem:v23+s8+$0x0], $0xffff;
	[tilespmem:s15+$0x10] =	vst v47  }
.LBB2_20:
0x22b: {  	v47 =	vadd.s32 s17, v3;
	v48 =	vadd.s32 s17, v5;
	v49 =	vadd.s32 s17, v7;
	s19 =	sadd.s32 $0x1, s17;
	s16 =	sadd.s32 $0x10, s16;
	[tilespmem:s15+$0xFFFFFFB0] =	vst v40;
	v40 =	vld.idx.msk [tilespmem:v46+s8+$0x0], $0xffff;
	s18 =	sadd.s32 $0x100, s18  }
0x22c: {  	v46 =	vadd.s32 s19, v1;
	v50 =	vadd.s32 s19, v3;
	v51 =	vadd.s32 s19, v11;
	p0 =	slt.u32 s16, $0x4B0;
	v45 =	vld.idx.msk [tilespmem:v45+s8+$0x0], $0xffff;
	[tilespmem:s15+$0x60] =	vst v38  }
0x22d: {  	v38 =	vshll.u32 v49, $0x7;
	v49 =	vadd.s32 s19, v7;
	v52 =	vadd.s32 s19, v9;
	v44 =	vld.idx.msk [tilespmem:v44+s8+$0x0], $0xffff;
	[tilespmem:s15+$0x70] =	vst v37  }
0x22e: {  	v53 =	vadd.s32 s19, v13;
	v54 =	vadd.s32 s19, v15;
	v37 =	vadd.s32 s17, v15;
	v36 =	vld.idx.msk [tilespmem:v36+s8+$0x0], $0xffff;
	[tilespmem:s15+$0x50] =	vst v39  }
0x22f: {  	v55 =	vadd.s32 s19, v5;
	v50 =	vshll.u32 v50, $0x7;
	v39 =	vadd.s32 s17, v9;
	v35 =	vld.idx.msk [tilespmem:v35+s8+$0x0], $0xffff;
	[tilespmem:s15+$0xFFFFFF90] =	vst v41  }
0x230: {  	v38 =	vor.u32 v6, v38;
	v41 =	vor.u32 v2, v50;
	v50 =	vshll.u32 v51, $0x7;
	v42 =	vld.idx.msk [tilespmem:v42+s8+$0x0], $0xffff;
	[tilespmem:s15+$0xFFFFFFF0] =	vst v43  }
0x231: {  	v49 =	vshll.u32 v49, $0x7;
	v51 =	vshll.u32 v53, $0x7;
	v43 =	vadd.s32 s17, v1;
	[tilespmem:s15+$0x0] =	vst v40;
	v53 =	vld.idx.msk [tilespmem:v33+s8+$0x0], $0xffff  }
0x232: {  	v46 =	vshll.u32 v46, $0x7;
	v51 =	vor.u32 v12, v51;
	v33 =	vshll.u32 v54, $0x7;
	v54 =	vld.idx.msk [tilespmem:v32+s8+$0x0], $0xffff;
	[tilespmem:s15+$0x40] =	vst v45  }
0x233: {  	v32 =	vshll.u32 v47, $0x7;
	v47 =	vor.u32 v10, v50;
	v50 =	vor.u32 v14, v33;
	[tilespmem:s15+$0xFFFFFFA0] =	vst v44;
	v34 =	vld.idx.msk [tilespmem:v34+s8+$0x0], $0xffff  }
0x234: {  	v33 =	vshll.u32 v55, $0x7;
	v56 =	vor.u32 v2, v32;
	v32 =	vor.u32 v6, v49;
	[tilespmem:s15+$0xFFFFFFC0] =	vst v36  }
0x235: {  	v37 =	vshll.u32 v37, $0x7;
	v33 =	vor.u32 v4, v33;
	v36 =	vshll.u32 v39, $0x7;
	v49 =	vld.idx.msk [tilespmem:v41+s8+$0x0], $0xffff;
	[tilespmem:s15+$0xFFFFFF80] =	vst v35  }
0x236: {  	v35 =	vshll.u32 v43, $0x7;
	v36 =	vor.u32 v8, v36;
	v43 =	vor.u32 v14, v37;
	v40 =	vld.idx.msk [tilespmem:v38+s8+$0x0], $0xffff;
	[tilespmem:s15+$0xFFFFFFE0] =	vst v42  }
.Ltmp9:
0x237: {  	v46 =	vor.u32 v0, v46;
	v37 =	vshll.u32 v52, $0x7;
	v35 =	vor.u32 v0, v35;
	v38 =	vld.idx.msk [tilespmem:v51+s8+$0x0], $0xffff;
	[tilespmem:s15+$0x20] =	vst v53;
	(pc) =	sbr.rel @p0 .LBB2_20-.Ltmp9, $4  }
0x238: {  	v39 =	vshll.u32 v48, $0x7;
	v45 =	vor.u32 v8, v37;
	v37 =	vld.idx.msk [tilespmem:v50+s8+$0x0], $0xffff;
	[tilespmem:s15+$0x30] =	vst v54  }
0x239: {  	v48 =	vadd.s32 s17, v13;
	v44 =	vor.u32 v4, v39;
	v42 =	vadd.s32 s17, v11;
	v39 =	vld.idx.msk [tilespmem:v47+s8+$0x0], $0xffff;
	[tilespmem:s15+$0xFFFFFFD0] =	vst v34;
	s15 =	smov.u32 s18  }
0x23a: {  	v34 =	vshll.u32 v42, $0x7;
	v42 =	vshll.u32 v48, $0x7;
	v41 =	vld.idx.msk [tilespmem:v56+s8+$0x0], $0xffff  }
0x23b: {  	s17 =	sadd.s32 $0x2, s17;
	v34 =	vor.u32 v10, v34;
	v42 =	vor.u32 v12, v42;
	v43 =	vld.idx.msk [tilespmem:v43+s8+$0x0], $0xffff;
	[tilespmem:s18+$0x10] =	vst v49  }
0x23c: {  	_ =	sdelay $0x2  }
0x23d: {  	[tilespmem:s15+$0xFFFFFFB0] =	vst v40  }
0x23e: {  	v60 =	vld.idx.msk [tilespmem:v46+s8+$0x0], $0xffff;
	[tilespmem:s15+$0x60] =	vst v38  }
0x23f: {  	v61 =	vld.idx.msk [tilespmem:v45+s8+$0x0], $0xffff;
	[tilespmem:s15+$0x70] =	vst v37  }
0x240: {  	v62 =	vld.idx.msk [tilespmem:v44+s8+$0x0], $0xffff;
	[tilespmem:s15+$0x50] =	vst v39  }
0x241: {  	v36 =	vld.idx.msk [tilespmem:v36+s8+$0x0], $0xffff;
	[tilespmem:s15+$0xFFFFFF90] =	vst v41  }
0x242: {  	v35 =	vld.idx.msk [tilespmem:v35+s8+$0x0], $0xffff;
	[tilespmem:s15+$0xFFFFFFF0] =	vst v43  }
0x243: {  	v63 =	vld.idx.msk [tilespmem:v42+s8+$0x0], $0xffff;
	[tilespmem:s15+$0x0] =	vst v60  }
0x244: {  	v33 =	vld.idx.msk [tilespmem:v33+s8+$0x0], $0xffff;
	[tilespmem:s15+$0x40] =	vst v61  }
0x245: {  	v32 =	vld.idx.msk [tilespmem:v32+s8+$0x0], $0xffff;
	[tilespmem:s15+$0xFFFFFFA0] =	vst v62  }
0x246: {  	v34 =	vld.idx.msk [tilespmem:v34+s8+$0x0], $0xffff;
	[tilespmem:s15+$0xFFFFFFC0] =	vst v36  }
0x247: {  	[tilespmem:s15+$0xFFFFFF80] =	vst v35  }
0x248: {  	[tilespmem:s15+$0xFFFFFFE0] =	vst v63  }
0x249: {  	[tilespmem:s15+$0x20] =	vst v33  }
0x24a: {  	[tilespmem:s15+$0x30] =	vst v32  }
0x24b: {  	[tilespmem:s15+$0xFFFFFFD0] =	vst v34  }
0x24c: {  	[hbm4b:s29+s2] =	stream.linear.scatter [tilespmem:s11], [sflag:$0x4], $0x4C00, $0x38;
	[tilespmem:$0x14000] =	vst v63  }
0x24d: {  	s15 =	rddreg [dreg:$0x10]  }
0x24e: {  	[tilespmem:s8], [sflag:$0x2] =	stream.linear.gather [hbm4b:s15+s2], $0x5400, $0x38;
	[tilespmem:$0x14000] =	vst v63  }
0x24f: {  	_ =	swait.ge [sflag:s7], $0x5400  }
0x250: {  	[sflag:s7] =	ssyncset.done $0x0  }
0x251: {  	[sflag:s7] =	ssyncadd.s32 $0xFFFFAC00  }
0x252: {  	_ =	swait.ge [sflag:s12], $0x4C00  }
0x253: {  	[sflag:s12] =	ssyncset.done $0x0  }
0x254: {  	[sflag:s12] =	ssyncadd.s32 $0xFFFFB400  }
0x255: {  	v47 =	vld.idx.msk [tilespmem:v16+s2+$0x0], $0xffff  }
0x256: {  	v40 =	vld.idx.msk [tilespmem:v17+s2+$0x0], $0xffff  }
0x257: {  	v46 =	vor.u32 v0, v19;
	v38 =	vld.idx.msk [tilespmem:v20+s2+$0x0], $0xffff  }
0x258: {  	v45 =	vor.u32 v8, v28;
	v37 =	vld.idx.msk [tilespmem:v24+s2+$0x0], $0xffff  }
0x259: {  	v44 =	vor.u32 v4, v29;
	v42 =	vor.u32 v12, v31;
	v39 =	vld.idx.msk [tilespmem:v22+s2+$0x0], $0xffff  }
0x25a: {  	v32 =	vor.u32 v6, v21;
	v33 =	vor.u32 v4, v25;
	v36 =	vor.u32 v8, v26;
	s15 =	simm.s32 $0xA880;
	v41 =	vld.idx.msk [tilespmem:v18+s2+$0x0], $0xffff  }
0x25b: {  	s16 =	simm.s32 $0x0;
	s17 =	sadd.s32 $0x2, s6;
	s18 =	simm.s32 $0xA880;
	v35 =	vor.u32 v0, v27;
	v34 =	vor.u32 v10, v30;
	v43 =	vld.idx.msk [tilespmem:v23+s2+$0x0], $0xffff;
	[tilespmem:s15+$0x10] =	vst v47  }
.LBB2_22:
0x25c: {  	v47 =	vadd.s32 s17, v3;
	v48 =	vadd.s32 s17, v5;
	v49 =	vadd.s32 s17, v7;
	s19 =	sadd.s32 $0x1, s17;
	s16 =	sadd.s32 $0x10, s16;
	[tilespmem:s15+$0xFFFFFFB0] =	vst v40;
	v40 =	vld.idx.msk [tilespmem:v46+s2+$0x0], $0xffff;
	s18 =	sadd.s32 $0x100, s18  }
0x25d: {  	v46 =	vadd.s32 s19, v1;
	v50 =	vadd.s32 s19, v3;
	v51 =	vadd.s32 s19, v11;
	p0 =	slt.u32 s16, $0x4B0;
	v45 =	vld.idx.msk [tilespmem:v45+s2+$0x0], $0xffff;
	[tilespmem:s15+$0x60] =	vst v38  }
0x25e: {  	v38 =	vshll.u32 v49, $0x7;
	v49 =	vadd.s32 s19, v7;
	v52 =	vadd.s32 s19, v9;
	v44 =	vld.idx.msk [tilespmem:v44+s2+$0x0], $0xffff;
	[tilespmem:s15+$0x70] =	vst v37  }
0x25f: {  	v53 =	vadd.s32 s19, v13;
	v54 =	vadd.s32 s19, v15;
	v37 =	vadd.s32 s17, v15;
	v36 =	vld.idx.msk [tilespmem:v36+s2+$0x0], $0xffff;
	[tilespmem:s15+$0x50] =	vst v39  }
0x260: {  	v55 =	vadd.s32 s19, v5;
	v50 =	vshll.u32 v50, $0x7;
	v39 =	vadd.s32 s17, v9;
	v35 =	vld.idx.msk [tilespmem:v35+s2+$0x0], $0xffff;
	[tilespmem:s15+$0xFFFFFF90] =	vst v41  }
0x261: {  	v38 =	vor.u32 v6, v38;
	v41 =	vor.u32 v2, v50;
	v50 =	vshll.u32 v51, $0x7;
	v42 =	vld.idx.msk [tilespmem:v42+s2+$0x0], $0xffff;
	[tilespmem:s15+$0xFFFFFFF0] =	vst v43  }
0x262: {  	v49 =	vshll.u32 v49, $0x7;
	v51 =	vshll.u32 v53, $0x7;
	v43 =	vadd.s32 s17, v1;
	[tilespmem:s15+$0x0] =	vst v40;
	v53 =	vld.idx.msk [tilespmem:v33+s2+$0x0], $0xffff  }
0x263: {  	v46 =	vshll.u32 v46, $0x7;
	v51 =	vor.u32 v12, v51;
	v33 =	vshll.u32 v54, $0x7;
	v54 =	vld.idx.msk [tilespmem:v32+s2+$0x0], $0xffff;
	[tilespmem:s15+$0x40] =	vst v45  }
0x264: {  	v32 =	vshll.u32 v47, $0x7;
	v47 =	vor.u32 v10, v50;
	v50 =	vor.u32 v14, v33;
	[tilespmem:s15+$0xFFFFFFA0] =	vst v44;
	v34 =	vld.idx.msk [tilespmem:v34+s2+$0x0], $0xffff  }
0x265: {  	v33 =	vshll.u32 v55, $0x7;
	v56 =	vor.u32 v2, v32;
	v32 =	vor.u32 v6, v49;
	[tilespmem:s15+$0xFFFFFFC0] =	vst v36  }
0x266: {  	v37 =	vshll.u32 v37, $0x7;
	v33 =	vor.u32 v4, v33;
	v36 =	vshll.u32 v39, $0x7;
	v49 =	vld.idx.msk [tilespmem:v41+s2+$0x0], $0xffff;
	[tilespmem:s15+$0xFFFFFF80] =	vst v35  }
0x267: {  	v35 =	vshll.u32 v43, $0x7;
	v36 =	vor.u32 v8, v36;
	v43 =	vor.u32 v14, v37;
	v40 =	vld.idx.msk [tilespmem:v38+s2+$0x0], $0xffff;
	[tilespmem:s15+$0xFFFFFFE0] =	vst v42  }
.Ltmp10:
0x268: {  	v46 =	vor.u32 v0, v46;
	v37 =	vshll.u32 v52, $0x7;
	v35 =	vor.u32 v0, v35;
	v38 =	vld.idx.msk [tilespmem:v51+s2+$0x0], $0xffff;
	[tilespmem:s15+$0x20] =	vst v53;
	(pc) =	sbr.rel @p0 .LBB2_22-.Ltmp10, $4  }
0x269: {  	v39 =	vshll.u32 v48, $0x7;
	v45 =	vor.u32 v8, v37;
	v37 =	vld.idx.msk [tilespmem:v50+s2+$0x0], $0xffff;
	[tilespmem:s15+$0x30] =	vst v54  }
0x26a: {  	v48 =	vadd.s32 s17, v13;
	v44 =	vor.u32 v4, v39;
	v42 =	vadd.s32 s17, v11;
	v39 =	vld.idx.msk [tilespmem:v47+s2+$0x0], $0xffff;
	[tilespmem:s15+$0xFFFFFFD0] =	vst v34;
	s15 =	smov.u32 s18  }
0x26b: {  	v34 =	vshll.u32 v42, $0x7;
	v42 =	vshll.u32 v48, $0x7;
	v41 =	vld.idx.msk [tilespmem:v56+s2+$0x0], $0xffff  }
0x26c: {  	s17 =	sadd.s32 $0x2, s17;
	v34 =	vor.u32 v10, v34;
	v42 =	vor.u32 v12, v42;
	v43 =	vld.idx.msk [tilespmem:v43+s2+$0x0], $0xffff;
	[tilespmem:s18+$0x10] =	vst v49  }
0x26d: {  	_ =	sdelay $0x2  }
0x26e: {  	[tilespmem:s15+$0xFFFFFFB0] =	vst v40  }
0x26f: {  	v60 =	vld.idx.msk [tilespmem:v46+s2+$0x0], $0xffff;
	[tilespmem:s15+$0x60] =	vst v38  }
0x270: {  	v61 =	vld.idx.msk [tilespmem:v45+s2+$0x0], $0xffff;
	[tilespmem:s15+$0x70] =	vst v37  }
0x271: {  	v62 =	vld.idx.msk [tilespmem:v44+s2+$0x0], $0xffff;
	[tilespmem:s15+$0x50] =	vst v39  }
0x272: {  	v36 =	vld.idx.msk [tilespmem:v36+s2+$0x0], $0xffff;
	[tilespmem:s15+$0xFFFFFF90] =	vst v41  }
0x273: {  	v35 =	vld.idx.msk [tilespmem:v35+s2+$0x0], $0xffff;
	[tilespmem:s15+$0xFFFFFFF0] =	vst v43  }
0x274: {  	v63 =	vld.idx.msk [tilespmem:v42+s2+$0x0], $0xffff;
	[tilespmem:s15+$0x0] =	vst v60  }
0x275: {  	v33 =	vld.idx.msk [tilespmem:v33+s2+$0x0], $0xffff;
	[tilespmem:s15+$0x40] =	vst v61  }
0x276: {  	v32 =	vld.idx.msk [tilespmem:v32+s2+$0x0], $0xffff;
	[tilespmem:s15+$0xFFFFFFA0] =	vst v62  }
0x277: {  	v34 =	vld.idx.msk [tilespmem:v34+s2+$0x0], $0xffff;
	[tilespmem:s15+$0xFFFFFFC0] =	vst v36  }
0x278: {  	[tilespmem:s15+$0xFFFFFF80] =	vst v35  }
0x279: {  	[tilespmem:s15+$0xFFFFFFE0] =	vst v63  }
0x27a: {  	[tilespmem:s15+$0x20] =	vst v33  }
0x27b: {  	[tilespmem:s15+$0x30] =	vst v32  }
0x27c: {  	[tilespmem:s15+$0xFFFFFFD0] =	vst v34  }
0x27d: {  	[hbm4b:s30+s2] =	stream.linear.scatter [tilespmem:s9], [sflag:$0x3], $0x4C00, $0x38;
	[tilespmem:$0x14000] =	vst v63  }
0x27e: {  	s15 =	rddreg [dreg:$0x11]  }
0x27f: {  	[tilespmem:s2], [sflag:$0x1] =	stream.linear.gather [hbm4b:s15+s2], $0x5400, $0x38;
	[tilespmem:$0x14000] =	vst v63  }
0x280: {  	_ =	swait.ge [sflag:s10], $0x5400  }
0x281: {  	[sflag:s10] =	ssyncset.done $0x0  }
0x282: {  	[sflag:s10] =	ssyncadd.s32 $0xFFFFAC00  }
0x283: {  	_ =	swait.ge [sflag:s13], $0x4C00  }
0x284: {  	[sflag:s13] =	ssyncset.done $0x0  }
0x285: {  	[sflag:s13] =	ssyncadd.s32 $0xFFFFB400  }
0x286: {  	v47 =	vld.idx.msk [tilespmem:v16+s8+$0x0], $0xffff  }
0x287: {  	v40 =	vld.idx.msk [tilespmem:v17+s8+$0x0], $0xffff  }
0x288: {  	v46 =	vor.u32 v0, v19;
	v38 =	vld.idx.msk [tilespmem:v20+s8+$0x0], $0xffff  }
0x289: {  	v45 =	vor.u32 v8, v28;
	v37 =	vld.idx.msk [tilespmem:v24+s8+$0x0], $0xffff  }
0x28a: {  	v44 =	vor.u32 v4, v29;
	v42 =	vor.u32 v12, v31;
	v39 =	vld.idx.msk [tilespmem:v22+s8+$0x0], $0xffff  }
0x28b: {  	v32 =	vor.u32 v6, v21;
	v33 =	vor.u32 v4, v25;
	v36 =	vor.u32 v8, v26;
	s15 =	simm.s32 $0xF480;
	v41 =	vld.idx.msk [tilespmem:v18+s8+$0x0], $0xffff  }
0x28c: {  	s16 =	simm.s32 $0x0;
	s17 =	sadd.s32 $0x2, s6;
	s18 =	simm.s32 $0xF480;
	v35 =	vor.u32 v0, v27;
	v34 =	vor.u32 v10, v30;
	v43 =	vld.idx.msk [tilespmem:v23+s8+$0x0], $0xffff;
	[tilespmem:s15+$0x10] =	vst v47  }
.LBB2_24:
0x28d: {  	v47 =	vadd.s32 s17, v3;
	v48 =	vadd.s32 s17, v5;
	v49 =	vadd.s32 s17, v7;
	s19 =	sadd.s32 $0x1, s17;
	s16 =	sadd.s32 $0x10, s16;
	[tilespmem:s15+$0xFFFFFFB0] =	vst v40;
	v40 =	vld.idx.msk [tilespmem:v46+s8+$0x0], $0xffff;
	s18 =	sadd.s32 $0x100, s18  }
0x28e: {  	v46 =	vadd.s32 s19, v1;
	v50 =	vadd.s32 s19, v3;
	v51 =	vadd.s32 s19, v11;
	p0 =	slt.u32 s16, $0x4B0;
	v45 =	vld.idx.msk [tilespmem:v45+s8+$0x0], $0xffff;
	[tilespmem:s15+$0x60] =	vst v38  }
0x28f: {  	v38 =	vshll.u32 v49, $0x7;
	v49 =	vadd.s32 s19, v7;
	v52 =	vadd.s32 s19, v9;
	v44 =	vld.idx.msk [tilespmem:v44+s8+$0x0], $0xffff;
	[tilespmem:s15+$0x70] =	vst v37  }
0x290: {  	v53 =	vadd.s32 s19, v13;
	v54 =	vadd.s32 s19, v15;
	v37 =	vadd.s32 s17, v15;
	v36 =	vld.idx.msk [tilespmem:v36+s8+$0x0], $0xffff;
	[tilespmem:s15+$0x50] =	vst v39  }
0x291: {  	v55 =	vadd.s32 s19, v5;
	v50 =	vshll.u32 v50, $0x7;
	v39 =	vadd.s32 s17, v9;
	v35 =	vld.idx.msk [tilespmem:v35+s8+$0x0], $0xffff;
	[tilespmem:s15+$0xFFFFFF90] =	vst v41  }
0x292: {  	v38 =	vor.u32 v6, v38;
	v41 =	vor.u32 v2, v50;
	v50 =	vshll.u32 v51, $0x7;
	v42 =	vld.idx.msk [tilespmem:v42+s8+$0x0], $0xffff;
	[tilespmem:s15+$0xFFFFFFF0] =	vst v43  }
0x293: {  	v49 =	vshll.u32 v49, $0x7;
	v51 =	vshll.u32 v53, $0x7;
	v43 =	vadd.s32 s17, v1;
	[tilespmem:s15+$0x0] =	vst v40;
	v53 =	vld.idx.msk [tilespmem:v33+s8+$0x0], $0xffff  }
0x294: {  	v46 =	vshll.u32 v46, $0x7;
	v51 =	vor.u32 v12, v51;
	v33 =	vshll.u32 v54, $0x7;
	v54 =	vld.idx.msk [tilespmem:v32+s8+$0x0], $0xffff;
	[tilespmem:s15+$0x40] =	vst v45  }
0x295: {  	v32 =	vshll.u32 v47, $0x7;
	v47 =	vor.u32 v10, v50;
	v50 =	vor.u32 v14, v33;
	[tilespmem:s15+$0xFFFFFFA0] =	vst v44;
	v34 =	vld.idx.msk [tilespmem:v34+s8+$0x0], $0xffff  }
0x296: {  	v33 =	vshll.u32 v55, $0x7;
	v56 =	vor.u32 v2, v32;
	v32 =	vor.u32 v6, v49;
	[tilespmem:s15+$0xFFFFFFC0] =	vst v36  }
0x297: {  	v37 =	vshll.u32 v37, $0x7;
	v33 =	vor.u32 v4, v33;
	v36 =	vshll.u32 v39, $0x7;
	v49 =	vld.idx.msk [tilespmem:v41+s8+$0x0], $0xffff;
	[tilespmem:s15+$0xFFFFFF80] =	vst v35  }
0x298: {  	v35 =	vshll.u32 v43, $0x7;
	v36 =	vor.u32 v8, v36;
	v43 =	vor.u32 v14, v37;
	v40 =	vld.idx.msk [tilespmem:v38+s8+$0x0], $0xffff;
	[tilespmem:s15+$0xFFFFFFE0] =	vst v42  }
.Ltmp11:
0x299: {  	v46 =	vor.u32 v0, v46;
	v37 =	vshll.u32 v52, $0x7;
	v35 =	vor.u32 v0, v35;
	v38 =	vld.idx.msk [tilespmem:v51+s8+$0x0], $0xffff;
	[tilespmem:s15+$0x20] =	vst v53;
	(pc) =	sbr.rel @p0 .LBB2_24-.Ltmp11, $4  }
0x29a: {  	v39 =	vshll.u32 v48, $0x7;
	v45 =	vor.u32 v8, v37;
	v37 =	vld.idx.msk [tilespmem:v50+s8+$0x0], $0xffff;
	[tilespmem:s15+$0x30] =	vst v54  }
0x29b: {  	v48 =	vadd.s32 s17, v13;
	v44 =	vor.u32 v4, v39;
	v42 =	vadd.s32 s17, v11;
	v39 =	vld.idx.msk [tilespmem:v47+s8+$0x0], $0xffff;
	[tilespmem:s15+$0xFFFFFFD0] =	vst v34;
	s15 =	smov.u32 s18  }
0x29c: {  	v34 =	vshll.u32 v42, $0x7;
	v42 =	vshll.u32 v48, $0x7;
	v41 =	vld.idx.msk [tilespmem:v56+s8+$0x0], $0xffff  }
0x29d: {  	s17 =	sadd.s32 $0x2, s17;
	v34 =	vor.u32 v10, v34;
	v42 =	vor.u32 v12, v42;
	v43 =	vld.idx.msk [tilespmem:v43+s8+$0x0], $0xffff;
	[tilespmem:s18+$0x10] =	vst v49  }
0x29e: {  	_ =	sdelay $0x2  }
0x29f: {  	[tilespmem:s15+$0xFFFFFFB0] =	vst v40  }
0x2a0: {  	v60 =	vld.idx.msk [tilespmem:v46+s8+$0x0], $0xffff;
	[tilespmem:s15+$0x60] =	vst v38  }
0x2a1: {  	v61 =	vld.idx.msk [tilespmem:v45+s8+$0x0], $0xffff;
	[tilespmem:s15+$0x70] =	vst v37  }
0x2a2: {  	v62 =	vld.idx.msk [tilespmem:v44+s8+$0x0], $0xffff;
	[tilespmem:s15+$0x50] =	vst v39  }
0x2a3: {  	v36 =	vld.idx.msk [tilespmem:v36+s8+$0x0], $0xffff;
	[tilespmem:s15+$0xFFFFFF90] =	vst v41  }
0x2a4: {  	v35 =	vld.idx.msk [tilespmem:v35+s8+$0x0], $0xffff;
	[tilespmem:s15+$0xFFFFFFF0] =	vst v43  }
0x2a5: {  	v63 =	vld.idx.msk [tilespmem:v42+s8+$0x0], $0xffff;
	[tilespmem:s15+$0x0] =	vst v60  }
0x2a6: {  	v33 =	vld.idx.msk [tilespmem:v33+s8+$0x0], $0xffff;
	[tilespmem:s15+$0x40] =	vst v61  }
0x2a7: {  	v32 =	vld.idx.msk [tilespmem:v32+s8+$0x0], $0xffff;
	[tilespmem:s15+$0xFFFFFFA0] =	vst v62  }
0x2a8: {  	v34 =	vld.idx.msk [tilespmem:v34+s8+$0x0], $0xffff;
	[tilespmem:s15+$0xFFFFFFC0] =	vst v36  }
0x2a9: {  	[tilespmem:s15+$0xFFFFFF80] =	vst v35  }
0x2aa: {  	[tilespmem:s15+$0xFFFFFFE0] =	vst v63  }
0x2ab: {  	[tilespmem:s15+$0x20] =	vst v33  }
0x2ac: {  	[tilespmem:s15+$0x30] =	vst v32  }
0x2ad: {  	[tilespmem:s15+$0xFFFFFFD0] =	vst v34  }
0x2ae: {  	[hbm4b:s31+s2] =	stream.linear.scatter [tilespmem:s11], [sflag:$0x4], $0x4C00, $0x38;
	[tilespmem:$0x14000] =	vst v63  }
0x2af: {  	s15 =	rddreg [dreg:$0x13]  }
0x2b0: {  	[tilespmem:s8], [sflag:$0x2] =	stream.linear.gather [hbm4b:s15+s2], $0x5400, $0x38;
	[tilespmem:$0x14000] =	vst v63  }
0x2b1: {  	_ =	swait.ge [sflag:s7], $0x5400  }
0x2b2: {  	[sflag:s7] =	ssyncset.done $0x0  }
0x2b3: {  	[sflag:s7] =	ssyncadd.s32 $0xFFFFAC00  }
0x2b4: {  	_ =	swait.ge [sflag:s12], $0x4C00  }
0x2b5: {  	[sflag:s12] =	ssyncset.done $0x0  }
0x2b6: {  	[sflag:s12] =	ssyncadd.s32 $0xFFFFB400  }
0x2b7: {  	v47 =	vld.idx.msk [tilespmem:v16+s2+$0x0], $0xffff  }
0x2b8: {  	v40 =	vld.idx.msk [tilespmem:v17+s2+$0x0], $0xffff  }
0x2b9: {  	v46 =	vor.u32 v0, v19;
	v38 =	vld.idx.msk [tilespmem:v20+s2+$0x0], $0xffff  }
0x2ba: {  	v45 =	vor.u32 v8, v28;
	v37 =	vld.idx.msk [tilespmem:v24+s2+$0x0], $0xffff  }
0x2bb: {  	v44 =	vor.u32 v4, v29;
	v42 =	vor.u32 v12, v31;
	v39 =	vld.idx.msk [tilespmem:v22+s2+$0x0], $0xffff  }
0x2bc: {  	v32 =	vor.u32 v6, v21;
	v33 =	vor.u32 v4, v25;
	v36 =	vor.u32 v8, v26;
	s15 =	simm.s32 $0xA880;
	v41 =	vld.idx.msk [tilespmem:v18+s2+$0x0], $0xffff  }
0x2bd: {  	s16 =	simm.s32 $0x0;
	s17 =	sadd.s32 $0x2, s6;
	s18 =	simm.s32 $0xA880;
	v35 =	vor.u32 v0, v27;
	v34 =	vor.u32 v10, v30;
	v43 =	vld.idx.msk [tilespmem:v23+s2+$0x0], $0xffff;
	[tilespmem:s15+$0x10] =	vst v47  }
.LBB2_26:
0x2be: {  	v47 =	vadd.s32 s17, v3;
	v48 =	vadd.s32 s17, v5;
	v49 =	vadd.s32 s17, v7;
	s19 =	sadd.s32 $0x1, s17;
	s16 =	sadd.s32 $0x10, s16;
	[tilespmem:s15+$0xFFFFFFB0] =	vst v40;
	v40 =	vld.idx.msk [tilespmem:v46+s2+$0x0], $0xffff;
	s18 =	sadd.s32 $0x100, s18  }
0x2bf: {  	v46 =	vadd.s32 s19, v1;
	v50 =	vadd.s32 s19, v3;
	v51 =	vadd.s32 s19, v11;
	p0 =	slt.u32 s16, $0x4B0;
	v45 =	vld.idx.msk [tilespmem:v45+s2+$0x0], $0xffff;
	[tilespmem:s15+$0x60] =	vst v38  }
0x2c0: {  	v38 =	vshll.u32 v49, $0x7;
	v49 =	vadd.s32 s19, v7;
	v52 =	vadd.s32 s19, v9;
	v44 =	vld.idx.msk [tilespmem:v44+s2+$0x0], $0xffff;
	[tilespmem:s15+$0x70] =	vst v37  }
0x2c1: {  	v53 =	vadd.s32 s19, v13;
	v54 =	vadd.s32 s19, v15;
	v37 =	vadd.s32 s17, v15;
	v36 =	vld.idx.msk [tilespmem:v36+s2+$0x0], $0xffff;
	[tilespmem:s15+$0x50] =	vst v39  }
0x2c2: {  	v55 =	vadd.s32 s19, v5;
	v50 =	vshll.u32 v50, $0x7;
	v39 =	vadd.s32 s17, v9;
	v35 =	vld.idx.msk [tilespmem:v35+s2+$0x0], $0xffff;
	[tilespmem:s15+$0xFFFFFF90] =	vst v41  }
0x2c3: {  	v38 =	vor.u32 v6, v38;
	v41 =	vor.u32 v2, v50;
	v50 =	vshll.u32 v51, $0x7;
	v42 =	vld.idx.msk [tilespmem:v42+s2+$0x0], $0xffff;
	[tilespmem:s15+$0xFFFFFFF0] =	vst v43  }
0x2c4: {  	v49 =	vshll.u32 v49, $0x7;
	v51 =	vshll.u32 v53, $0x7;
	v43 =	vadd.s32 s17, v1;
	[tilespmem:s15+$0x0] =	vst v40;
	v53 =	vld.idx.msk [tilespmem:v33+s2+$0x0], $0xffff  }
0x2c5: {  	v46 =	vshll.u32 v46, $0x7;
	v51 =	vor.u32 v12, v51;
	v33 =	vshll.u32 v54, $0x7;
	v54 =	vld.idx.msk [tilespmem:v32+s2+$0x0], $0xffff;
	[tilespmem:s15+$0x40] =	vst v45  }
0x2c6: {  	v32 =	vshll.u32 v47, $0x7;
	v47 =	vor.u32 v10, v50;
	v50 =	vor.u32 v14, v33;
	[tilespmem:s15+$0xFFFFFFA0] =	vst v44;
	v34 =	vld.idx.msk [tilespmem:v34+s2+$0x0], $0xffff  }
0x2c7: {  	v33 =	vshll.u32 v55, $0x7;
	v56 =	vor.u32 v2, v32;
	v32 =	vor.u32 v6, v49;
	[tilespmem:s15+$0xFFFFFFC0] =	vst v36  }
0x2c8: {  	v37 =	vshll.u32 v37, $0x7;
	v33 =	vor.u32 v4, v33;
	v36 =	vshll.u32 v39, $0x7;
	v49 =	vld.idx.msk [tilespmem:v41+s2+$0x0], $0xffff;
	[tilespmem:s15+$0xFFFFFF80] =	vst v35  }
0x2c9: {  	v35 =	vshll.u32 v43, $0x7;
	v36 =	vor.u32 v8, v36;
	v43 =	vor.u32 v14, v37;
	v40 =	vld.idx.msk [tilespmem:v38+s2+$0x0], $0xffff;
	[tilespmem:s15+$0xFFFFFFE0] =	vst v42  }
.Ltmp12:
0x2ca: {  	v46 =	vor.u32 v0, v46;
	v37 =	vshll.u32 v52, $0x7;
	v35 =	vor.u32 v0, v35;
	v38 =	vld.idx.msk [tilespmem:v51+s2+$0x0], $0xffff;
	[tilespmem:s15+$0x20] =	vst v53;
	(pc) =	sbr.rel @p0 .LBB2_26-.Ltmp12, $4  }
0x2cb: {  	v39 =	vshll.u32 v48, $0x7;
	v45 =	vor.u32 v8, v37;
	v37 =	vld.idx.msk [tilespmem:v50+s2+$0x0], $0xffff;
	[tilespmem:s15+$0x30] =	vst v54  }
0x2cc: {  	v48 =	vadd.s32 s17, v13;
	v44 =	vor.u32 v4, v39;
	v42 =	vadd.s32 s17, v11;
	v39 =	vld.idx.msk [tilespmem:v47+s2+$0x0], $0xffff;
	[tilespmem:s15+$0xFFFFFFD0] =	vst v34;
	s15 =	smov.u32 s18  }
0x2cd: {  	v34 =	vshll.u32 v42, $0x7;
	v42 =	vshll.u32 v48, $0x7;
	v41 =	vld.idx.msk [tilespmem:v56+s2+$0x0], $0xffff  }
0x2ce: {  	s17 =	sadd.s32 $0x2, s17;
	v34 =	vor.u32 v10, v34;
	v42 =	vor.u32 v12, v42;
	v43 =	vld.idx.msk [tilespmem:v43+s2+$0x0], $0xffff;
	[tilespmem:s18+$0x10] =	vst v49  }
0x2cf: {  	_ =	sdelay $0x2  }
0x2d0: {  	[tilespmem:s15+$0xFFFFFFB0] =	vst v40  }
0x2d1: {  	v60 =	vld.idx.msk [tilespmem:v46+s2+$0x0], $0xffff;
	[tilespmem:s15+$0x60] =	vst v38  }
0x2d2: {  	v61 =	vld.idx.msk [tilespmem:v45+s2+$0x0], $0xffff;
	[tilespmem:s15+$0x70] =	vst v37  }
0x2d3: {  	v62 =	vld.idx.msk [tilespmem:v44+s2+$0x0], $0xffff;
	[tilespmem:s15+$0x50] =	vst v39  }
0x2d4: {  	v36 =	vld.idx.msk [tilespmem:v36+s2+$0x0], $0xffff;
	[tilespmem:s15+$0xFFFFFF90] =	vst v41  }
0x2d5: {  	v35 =	vld.idx.msk [tilespmem:v35+s2+$0x0], $0xffff;
	[tilespmem:s15+$0xFFFFFFF0] =	vst v43  }
0x2d6: {  	v63 =	vld.idx.msk [tilespmem:v42+s2+$0x0], $0xffff;
	[tilespmem:s15+$0x0] =	vst v60  }
0x2d7: {  	v33 =	vld.idx.msk [tilespmem:v33+s2+$0x0], $0xffff;
	[tilespmem:s15+$0x40] =	vst v61  }
0x2d8: {  	v32 =	vld.idx.msk [tilespmem:v32+s2+$0x0], $0xffff;
	[tilespmem:s15+$0xFFFFFFA0] =	vst v62  }
0x2d9: {  	v34 =	vld.idx.msk [tilespmem:v34+s2+$0x0], $0xffff;
	[tilespmem:s15+$0xFFFFFFC0] =	vst v36  }
0x2da: {  	[tilespmem:s15+$0xFFFFFF80] =	vst v35  }
0x2db: {  	[tilespmem:s15+$0xFFFFFFE0] =	vst v63  }
0x2dc: {  	[tilespmem:s15+$0x20] =	vst v33  }
0x2dd: {  	[tilespmem:s15+$0x30] =	vst v32  }
0x2de: {  	[tilespmem:s15+$0xFFFFFFD0] =	vst v34  }
0x2df: {  	[hbm4b:s1+s2] =	stream.linear.scatter [tilespmem:s9], [sflag:$0x3], $0x4C00, $0x38;
	[tilespmem:$0x14000] =	vst v63  }
0x2e0: {  	_ = 	snop  }
0x2e1: {  	[tilespmem:s2], [sflag:$0x1] =	stream.linear.gather [hbm4b:s20+s2], $0x5400, $0x38;
	[tilespmem:$0x14000] =	vst v63  }
0x2e2: {  	_ =	swait.ge [sflag:s10], $0x5400  }
0x2e3: {  	[sflag:s10] =	ssyncset.done $0x0  }
0x2e4: {  	[sflag:s10] =	ssyncadd.s32 $0xFFFFAC00  }
0x2e5: {  	_ =	swait.ge [sflag:s13], $0x4C00  }
0x2e6: {  	[sflag:s13] =	ssyncset.done $0x0  }
0x2e7: {  	[sflag:s13] =	ssyncadd.s32 $0xFFFFB400  }
0x2e8: {  	v47 =	vld.idx.msk [tilespmem:v16+s8+$0x0], $0xffff  }
0x2e9: {  	v40 =	vld.idx.msk [tilespmem:v17+s8+$0x0], $0xffff  }
0x2ea: {  	v46 =	vor.u32 v0, v19;
	v38 =	vld.idx.msk [tilespmem:v20+s8+$0x0], $0xffff  }
0x2eb: {  	v45 =	vor.u32 v8, v28;
	v37 =	vld.idx.msk [tilespmem:v24+s8+$0x0], $0xffff  }
0x2ec: {  	v44 =	vor.u32 v4, v29;
	v42 =	vor.u32 v12, v31;
	v39 =	vld.idx.msk [tilespmem:v22+s8+$0x0], $0xffff  }
0x2ed: {  	v32 =	vor.u32 v6, v21;
	v33 =	vor.u32 v4, v25;
	v36 =	vor.u32 v8, v26;
	s15 =	simm.s32 $0xF480;
	v41 =	vld.idx.msk [tilespmem:v18+s8+$0x0], $0xffff  }
0x2ee: {  	s16 =	simm.s32 $0x0;
	s17 =	sadd.s32 $0x2, s6;
	s18 =	simm.s32 $0xF480;
	v35 =	vor.u32 v0, v27;
	v34 =	vor.u32 v10, v30;
	v43 =	vld.idx.msk [tilespmem:v23+s8+$0x0], $0xffff;
	[tilespmem:s15+$0x10] =	vst v47  }
.LBB2_28:
0x2ef: {  	v47 =	vadd.s32 s17, v3;
	v48 =	vadd.s32 s17, v5;
	v49 =	vadd.s32 s17, v7;
	s19 =	sadd.s32 $0x1, s17;
	s16 =	sadd.s32 $0x10, s16;
	[tilespmem:s15+$0xFFFFFFB0] =	vst v40;
	v40 =	vld.idx.msk [tilespmem:v46+s8+$0x0], $0xffff;
	s18 =	sadd.s32 $0x100, s18  }
0x2f0: {  	v46 =	vadd.s32 s19, v1;
	v50 =	vadd.s32 s19, v3;
	v51 =	vadd.s32 s19, v11;
	p0 =	slt.u32 s16, $0x4B0;
	v45 =	vld.idx.msk [tilespmem:v45+s8+$0x0], $0xffff;
	[tilespmem:s15+$0x60] =	vst v38  }
0x2f1: {  	v38 =	vshll.u32 v49, $0x7;
	v49 =	vadd.s32 s19, v7;
	v52 =	vadd.s32 s19, v9;
	v44 =	vld.idx.msk [tilespmem:v44+s8+$0x0], $0xffff;
	[tilespmem:s15+$0x70] =	vst v37  }
0x2f2: {  	v53 =	vadd.s32 s19, v13;
	v54 =	vadd.s32 s19, v15;
	v37 =	vadd.s32 s17, v15;
	v36 =	vld.idx.msk [tilespmem:v36+s8+$0x0], $0xffff;
	[tilespmem:s15+$0x50] =	vst v39  }
0x2f3: {  	v55 =	vadd.s32 s19, v5;
	v50 =	vshll.u32 v50, $0x7;
	v39 =	vadd.s32 s17, v9;
	v35 =	vld.idx.msk [tilespmem:v35+s8+$0x0], $0xffff;
	[tilespmem:s15+$0xFFFFFF90] =	vst v41  }
0x2f4: {  	v38 =	vor.u32 v6, v38;
	v41 =	vor.u32 v2, v50;
	v50 =	vshll.u32 v51, $0x7;
	v42 =	vld.idx.msk [tilespmem:v42+s8+$0x0], $0xffff;
	[tilespmem:s15+$0xFFFFFFF0] =	vst v43  }
0x2f5: {  	v49 =	vshll.u32 v49, $0x7;
	v51 =	vshll.u32 v53, $0x7;
	v43 =	vadd.s32 s17, v1;
	[tilespmem:s15+$0x0] =	vst v40;
	v53 =	vld.idx.msk [tilespmem:v33+s8+$0x0], $0xffff  }
0x2f6: {  	v46 =	vshll.u32 v46, $0x7;
	v51 =	vor.u32 v12, v51;
	v33 =	vshll.u32 v54, $0x7;
	v54 =	vld.idx.msk [tilespmem:v32+s8+$0x0], $0xffff;
	[tilespmem:s15+$0x40] =	vst v45  }
0x2f7: {  	v32 =	vshll.u32 v47, $0x7;
	v47 =	vor.u32 v10, v50;
	v50 =	vor.u32 v14, v33;
	[tilespmem:s15+$0xFFFFFFA0] =	vst v44;
	v34 =	vld.idx.msk [tilespmem:v34+s8+$0x0], $0xffff  }
0x2f8: {  	v33 =	vshll.u32 v55, $0x7;
	v56 =	vor.u32 v2, v32;
	v32 =	vor.u32 v6, v49;
	[tilespmem:s15+$0xFFFFFFC0] =	vst v36  }
0x2f9: {  	v37 =	vshll.u32 v37, $0x7;
	v33 =	vor.u32 v4, v33;
	v36 =	vshll.u32 v39, $0x7;
	v49 =	vld.idx.msk [tilespmem:v41+s8+$0x0], $0xffff;
	[tilespmem:s15+$0xFFFFFF80] =	vst v35  }
0x2fa: {  	v35 =	vshll.u32 v43, $0x7;
	v36 =	vor.u32 v8, v36;
	v43 =	vor.u32 v14, v37;
	v40 =	vld.idx.msk [tilespmem:v38+s8+$0x0], $0xffff;
	[tilespmem:s15+$0xFFFFFFE0] =	vst v42  }
.Ltmp13:
0x2fb: {  	v46 =	vor.u32 v0, v46;
	v37 =	vshll.u32 v52, $0x7;
	v35 =	vor.u32 v0, v35;
	v38 =	vld.idx.msk [tilespmem:v51+s8+$0x0], $0xffff;
	[tilespmem:s15+$0x20] =	vst v53;
	(pc) =	sbr.rel @p0 .LBB2_28-.Ltmp13, $4  }
0x2fc: {  	v39 =	vshll.u32 v48, $0x7;
	v45 =	vor.u32 v8, v37;
	v37 =	vld.idx.msk [tilespmem:v50+s8+$0x0], $0xffff;
	[tilespmem:s15+$0x30] =	vst v54  }
0x2fd: {  	v48 =	vadd.s32 s17, v13;
	v44 =	vor.u32 v4, v39;
	v42 =	vadd.s32 s17, v11;
	v39 =	vld.idx.msk [tilespmem:v47+s8+$0x0], $0xffff;
	[tilespmem:s15+$0xFFFFFFD0] =	vst v34;
	s15 =	smov.u32 s18  }
0x2fe: {  	v34 =	vshll.u32 v42, $0x7;
	v42 =	vshll.u32 v48, $0x7;
	v41 =	vld.idx.msk [tilespmem:v56+s8+$0x0], $0xffff  }
0x2ff: {  	s17 =	sadd.s32 $0x2, s17;
	v34 =	vor.u32 v10, v34;
	v42 =	vor.u32 v12, v42;
	v43 =	vld.idx.msk [tilespmem:v43+s8+$0x0], $0xffff;
	[tilespmem:s18+$0x10] =	vst v49  }
0x300: {  	_ =	sdelay $0x2  }
0x301: {  	[tilespmem:s15+$0xFFFFFFB0] =	vst v40  }
0x302: {  	v60 =	vld.idx.msk [tilespmem:v46+s8+$0x0], $0xffff;
	[tilespmem:s15+$0x60] =	vst v38  }
0x303: {  	v61 =	vld.idx.msk [tilespmem:v45+s8+$0x0], $0xffff;
	[tilespmem:s15+$0x70] =	vst v37  }
0x304: {  	v62 =	vld.idx.msk [tilespmem:v44+s8+$0x0], $0xffff;
	[tilespmem:s15+$0x50] =	vst v39  }
0x305: {  	v36 =	vld.idx.msk [tilespmem:v36+s8+$0x0], $0xffff;
	[tilespmem:s15+$0xFFFFFF90] =	vst v41  }
0x306: {  	v35 =	vld.idx.msk [tilespmem:v35+s8+$0x0], $0xffff;
	[tilespmem:s15+$0xFFFFFFF0] =	vst v43  }
0x307: {  	v63 =	vld.idx.msk [tilespmem:v42+s8+$0x0], $0xffff;
	[tilespmem:s15+$0x0] =	vst v60  }
0x308: {  	v33 =	vld.idx.msk [tilespmem:v33+s8+$0x0], $0xffff;
	[tilespmem:s15+$0x40] =	vst v61  }
0x309: {  	v32 =	vld.idx.msk [tilespmem:v32+s8+$0x0], $0xffff;
	[tilespmem:s15+$0xFFFFFFA0] =	vst v62  }
0x30a: {  	v34 =	vld.idx.msk [tilespmem:v34+s8+$0x0], $0xffff;
	[tilespmem:s15+$0xFFFFFFC0] =	vst v36  }
0x30b: {  	[tilespmem:s15+$0xFFFFFF80] =	vst v35  }
0x30c: {  	[tilespmem:s15+$0xFFFFFFE0] =	vst v63  }
0x30d: {  	[tilespmem:s15+$0x20] =	vst v33  }
0x30e: {  	[tilespmem:s15+$0x30] =	vst v32  }
0x30f: {  	[tilespmem:s15+$0xFFFFFFD0] =	vst v34  }
0x310: {  	[hbm4b:s0+s2] =	stream.linear.scatter [tilespmem:s11], [sflag:$0x4], $0x4C00, $0x38;
	[tilespmem:$0x14000] =	vst v63  }
0x311: {  	_ = 	snop  }
0x312: {  	[tilespmem:s8], [sflag:$0x2] =	stream.linear.gather [hbm4b:s21+s2], $0x5400, $0x38;
	[tilespmem:$0x14000] =	vst v63  }
0x313: {  	_ =	swait.ge [sflag:s7], $0x5400  }
0x314: {  	[sflag:s7] =	ssyncset.done $0x0  }
0x315: {  	[sflag:s7] =	ssyncadd.s32 $0xFFFFAC00  }
0x316: {  	_ =	swait.ge [sflag:s12], $0x4C00  }
0x317: {  	[sflag:s12] =	ssyncset.done $0x0  }
0x318: {  	[sflag:s12] =	ssyncadd.s32 $0xFFFFB400  }
0x319: {  	v47 =	vld.idx.msk [tilespmem:v16+s2+$0x0], $0xffff  }
0x31a: {  	v40 =	vld.idx.msk [tilespmem:v17+s2+$0x0], $0xffff  }
0x31b: {  	v46 =	vor.u32 v0, v19;
	v38 =	vld.idx.msk [tilespmem:v20+s2+$0x0], $0xffff  }
0x31c: {  	v45 =	vor.u32 v8, v28;
	v37 =	vld.idx.msk [tilespmem:v24+s2+$0x0], $0xffff  }
0x31d: {  	v44 =	vor.u32 v4, v29;
	v42 =	vor.u32 v12, v31;
	v39 =	vld.idx.msk [tilespmem:v22+s2+$0x0], $0xffff  }
0x31e: {  	v32 =	vor.u32 v6, v21;
	v33 =	vor.u32 v4, v25;
	v36 =	vor.u32 v8, v26;
	s15 =	simm.s32 $0xA880;
	v41 =	vld.idx.msk [tilespmem:v18+s2+$0x0], $0xffff  }
0x31f: {  	s16 =	simm.s32 $0x0;
	s17 =	sadd.s32 $0x2, s6;
	s18 =	simm.s32 $0xA880;
	v35 =	vor.u32 v0, v27;
	v34 =	vor.u32 v10, v30;
	v43 =	vld.idx.msk [tilespmem:v23+s2+$0x0], $0xffff;
	[tilespmem:s15+$0x10] =	vst v47  }
.LBB2_30:
0x320: {  	v47 =	vadd.s32 s17, v3;
	v48 =	vadd.s32 s17, v5;
	v49 =	vadd.s32 s17, v7;
	s19 =	sadd.s32 $0x1, s17;
	s16 =	sadd.s32 $0x10, s16;
	[tilespmem:s15+$0xFFFFFFB0] =	vst v40;
	v40 =	vld.idx.msk [tilespmem:v46+s2+$0x0], $0xffff;
	s18 =	sadd.s32 $0x100, s18  }
0x321: {  	v46 =	vadd.s32 s19, v1;
	v50 =	vadd.s32 s19, v3;
	v51 =	vadd.s32 s19, v11;
	p0 =	slt.u32 s16, $0x4B0;
	v45 =	vld.idx.msk [tilespmem:v45+s2+$0x0], $0xffff;
	[tilespmem:s15+$0x60] =	vst v38  }
0x322: {  	v38 =	vshll.u32 v49, $0x7;
	v49 =	vadd.s32 s19, v7;
	v52 =	vadd.s32 s19, v9;
	v44 =	vld.idx.msk [tilespmem:v44+s2+$0x0], $0xffff;
	[tilespmem:s15+$0x70] =	vst v37  }
0x323: {  	v53 =	vadd.s32 s19, v13;
	v54 =	vadd.s32 s19, v15;
	v37 =	vadd.s32 s17, v15;
	v36 =	vld.idx.msk [tilespmem:v36+s2+$0x0], $0xffff;
	[tilespmem:s15+$0x50] =	vst v39  }
0x324: {  	v55 =	vadd.s32 s19, v5;
	v50 =	vshll.u32 v50, $0x7;
	v39 =	vadd.s32 s17, v9;
	v35 =	vld.idx.msk [tilespmem:v35+s2+$0x0], $0xffff;
	[tilespmem:s15+$0xFFFFFF90] =	vst v41  }
0x325: {  	v38 =	vor.u32 v6, v38;
	v41 =	vor.u32 v2, v50;
	v50 =	vshll.u32 v51, $0x7;
	v42 =	vld.idx.msk [tilespmem:v42+s2+$0x0], $0xffff;
	[tilespmem:s15+$0xFFFFFFF0] =	vst v43  }
0x326: {  	v49 =	vshll.u32 v49, $0x7;
	v51 =	vshll.u32 v53, $0x7;
	v43 =	vadd.s32 s17, v1;
	[tilespmem:s15+$0x0] =	vst v40;
	v53 =	vld.idx.msk [tilespmem:v33+s2+$0x0], $0xffff  }
0x327: {  	v46 =	vshll.u32 v46, $0x7;
	v51 =	vor.u32 v12, v51;
	v33 =	vshll.u32 v54, $0x7;
	v54 =	vld.idx.msk [tilespmem:v32+s2+$0x0], $0xffff;
	[tilespmem:s15+$0x40] =	vst v45  }
0x328: {  	v32 =	vshll.u32 v47, $0x7;
	v47 =	vor.u32 v10, v50;
	v50 =	vor.u32 v14, v33;
	[tilespmem:s15+$0xFFFFFFA0] =	vst v44;
	v34 =	vld.idx.msk [tilespmem:v34+s2+$0x0], $0xffff  }
0x329: {  	v33 =	vshll.u32 v55, $0x7;
	v56 =	vor.u32 v2, v32;
	v32 =	vor.u32 v6, v49;
	[tilespmem:s15+$0xFFFFFFC0] =	vst v36  }
0x32a: {  	v37 =	vshll.u32 v37, $0x7;
	v33 =	vor.u32 v4, v33;
	v36 =	vshll.u32 v39, $0x7;
	v49 =	vld.idx.msk [tilespmem:v41+s2+$0x0], $0xffff;
	[tilespmem:s15+$0xFFFFFF80] =	vst v35  }
0x32b: {  	v35 =	vshll.u32 v43, $0x7;
	v36 =	vor.u32 v8, v36;
	v43 =	vor.u32 v14, v37;
	v40 =	vld.idx.msk [tilespmem:v38+s2+$0x0], $0xffff;
	[tilespmem:s15+$0xFFFFFFE0] =	vst v42  }
.Ltmp14:
0x32c: {  	v46 =	vor.u32 v0, v46;
	v37 =	vshll.u32 v52, $0x7;
	v35 =	vor.u32 v0, v35;
	v38 =	vld.idx.msk [tilespmem:v51+s2+$0x0], $0xffff;
	[tilespmem:s15+$0x20] =	vst v53;
	(pc) =	sbr.rel @p0 .LBB2_30-.Ltmp14, $4  }
0x32d: {  	v39 =	vshll.u32 v48, $0x7;
	v45 =	vor.u32 v8, v37;
	v37 =	vld.idx.msk [tilespmem:v50+s2+$0x0], $0xffff;
	[tilespmem:s15+$0x30] =	vst v54  }
0x32e: {  	v48 =	vadd.s32 s17, v13;
	v44 =	vor.u32 v4, v39;
	v42 =	vadd.s32 s17, v11;
	v39 =	vld.idx.msk [tilespmem:v47+s2+$0x0], $0xffff;
	[tilespmem:s15+$0xFFFFFFD0] =	vst v34;
	s15 =	smov.u32 s18  }
0x32f: {  	v34 =	vshll.u32 v42, $0x7;
	v42 =	vshll.u32 v48, $0x7;
	v41 =	vld.idx.msk [tilespmem:v56+s2+$0x0], $0xffff  }
0x330: {  	s17 =	sadd.s32 $0x2, s17;
	v34 =	vor.u32 v10, v34;
	v42 =	vor.u32 v12, v42;
	v43 =	vld.idx.msk [tilespmem:v43+s2+$0x0], $0xffff;
	[tilespmem:s18+$0x10] =	vst v49  }
0x331: {  	_ =	sdelay $0x2  }
0x332: {  	[tilespmem:s15+$0xFFFFFFB0] =	vst v40  }
0x333: {  	v59 =	vld.idx.msk [tilespmem:v46+s2+$0x0], $0xffff;
	[tilespmem:s15+$0x60] =	vst v38  }
0x334: {  	v60 =	vld.idx.msk [tilespmem:v45+s2+$0x0], $0xffff;
	[tilespmem:s15+$0x70] =	vst v37  }
0x335: {  	v61 =	vld.idx.msk [tilespmem:v44+s2+$0x0], $0xffff;
	[tilespmem:s15+$0x50] =	vst v39  }
0x336: {  	v36 =	vld.idx.msk [tilespmem:v36+s2+$0x0], $0xffff;
	[tilespmem:s15+$0xFFFFFF90] =	vst v41  }
0x337: {  	v35 =	vld.idx.msk [tilespmem:v35+s2+$0x0], $0xffff;
	[tilespmem:s15+$0xFFFFFFF0] =	vst v43  }
0x338: {  	v62 =	vld.idx.msk [tilespmem:v42+s2+$0x0], $0xffff;
	[tilespmem:s15+$0x0] =	vst v59  }
0x339: {  	v33 =	vld.idx.msk [tilespmem:v33+s2+$0x0], $0xffff;
	[tilespmem:s15+$0x40] =	vst v60  }
0x33a: {  	v32 =	vld.idx.msk [tilespmem:v32+s2+$0x0], $0xffff;
	[tilespmem:s15+$0xFFFFFFA0] =	vst v61  }
0x33b: {  	v34 =	vld.idx.msk [tilespmem:v34+s2+$0x0], $0xffff;
	[tilespmem:s15+$0xFFFFFFC0] =	vst v36  }
0x33c: {  	[tilespmem:s15+$0xFFFFFF80] =	vst v35  }
0x33d: {  	[tilespmem:s15+$0xFFFFFFE0] =	vst v62  }
0x33e: {  	[tilespmem:s15+$0x20] =	vst v33  }
0x33f: {  	[tilespmem:s15+$0x30] =	vst v32  }
0x340: {  	[tilespmem:s15+$0xFFFFFFD0] =	vst v34  }
0x341: {  	[hbm4b:s3+s2] =	stream.linear.scatter [tilespmem:s9], [sflag:$0x3], $0x4C00, $0x38;
	[tilespmem:$0x14000] =	vst v63  }
0x342: {  	_ =	swait.ge [sflag:s10], $0x5400  }
0x343: {  	[sflag:s10] =	ssyncset.done $0x0  }
0x344: {  	[sflag:s10] =	ssyncadd.s32 $0xFFFFAC00  }
0x345: {  	_ =	swait.ge [sflag:s13], $0x4C00  }
0x346: {  	[sflag:s13] =	ssyncset.done $0x0  }
0x347: {  	[sflag:s13] =	ssyncadd.s32 $0xFFFFB400  }
0x348: {  	v63 =	vld.idx.msk [tilespmem:v16+s8+$0x0], $0xffff  }
0x349: {  	v33 =	vld.idx.msk [tilespmem:v17+s8+$0x0], $0xffff  }
0x34a: {  	v34 =	vor.u32 v0, v19;
	v32 =	vld.idx.msk [tilespmem:v20+s8+$0x0], $0xffff  }
0x34b: {  	v24 =	vld.idx.msk [tilespmem:v24+s8+$0x0], $0xffff;
	v20 =	vor.u32 v0, v27;
	v27 =	vor.u32 v8, v28  }
0x34c: {  	v16 =	vor.u32 v6, v21;
	v21 =	vor.u32 v8, v26;
	v22 =	vld.idx.msk [tilespmem:v22+s8+$0x0], $0xffff;
	v26 =	vor.u32 v4, v29  }
0x34d: {  	s15 =	simm.s32 $0xF480;
	v17 =	vor.u32 v4, v25;
	v19 =	vld.idx.msk [tilespmem:v18+s8+$0x0], $0xffff  }
0x34e: {  	s16 =	simm.s32 $0x0;
	s17 =	sadd.s32 $0x2, s6;
	s18 =	simm.s32 $0xF480;
	v18 =	vor.u32 v10, v30;
	v25 =	vor.u32 v12, v31;
	v23 =	vld.idx.msk [tilespmem:v23+s8+$0x0], $0xffff;
	[tilespmem:s15+$0x10] =	vst v63  }
.LBB2_32:
0x34f: {  	v28 =	vadd.s32 s17, v3;
	v29 =	vadd.s32 s17, v5;
	v30 =	vadd.s32 s17, v7;
	s19 =	sadd.s32 $0x1, s17;
	s16 =	sadd.s32 $0x10, s16;
	[tilespmem:s15+$0xFFFFFFB0] =	vst v33;
	v31 =	vld.idx.msk [tilespmem:v34+s8+$0x0], $0xffff;
	s18 =	sadd.s32 $0x100, s18  }
0x350: {  	v33 =	vadd.s32 s19, v1;
	v34 =	vadd.s32 s19, v3;
	v35 =	vadd.s32 s19, v11;
	p0 =	slt.u32 s16, $0x4B0;
	v27 =	vld.idx.msk [tilespmem:v27+s8+$0x0], $0xffff;
	[tilespmem:s15+$0x60] =	vst v32  }
0x351: {  	v30 =	vshll.u32 v30, $0x7;
	v32 =	vadd.s32 s19, v7;
	v36 =	vadd.s32 s19, v9;
	v26 =	vld.idx.msk [tilespmem:v26+s8+$0x0], $0xffff;
	[tilespmem:s15+$0x70] =	vst v24  }
0x352: {  	v37 =	vadd.s32 s19, v13;
	v38 =	vadd.s32 s19, v15;
	v24 =	vadd.s32 s17, v15;
	v21 =	vld.idx.msk [tilespmem:v21+s8+$0x0], $0xffff;
	[tilespmem:s15+$0x50] =	vst v22  }
0x353: {  	v39 =	vadd.s32 s19, v5;
	v34 =	vshll.u32 v34, $0x7;
	v22 =	vadd.s32 s17, v9;
	v20 =	vld.idx.msk [tilespmem:v20+s8+$0x0], $0xffff;
	[tilespmem:s15+$0xFFFFFF90] =	vst v19  }
0x354: {  	v19 =	vor.u32 v6, v30;
	v30 =	vor.u32 v2, v34;
	v34 =	vshll.u32 v35, $0x7;
	v25 =	vld.idx.msk [tilespmem:v25+s8+$0x0], $0xffff;
	[tilespmem:s15+$0xFFFFFFF0] =	vst v23  }
0x355: {  	v32 =	vshll.u32 v32, $0x7;
	v35 =	vshll.u32 v37, $0x7;
	v23 =	vadd.s32 s17, v1;
	[tilespmem:s15+$0x0] =	vst v31;
	v31 =	vld.idx.msk [tilespmem:v17+s8+$0x0], $0xffff  }
0x356: {  	v37 =	vshll.u32 v33, $0x7;
	v35 =	vor.u32 v12, v35;
	v17 =	vshll.u32 v38, $0x7;
	v38 =	vld.idx.msk [tilespmem:v16+s8+$0x0], $0xffff;
	[tilespmem:s15+$0x40] =	vst v27  }
0x357: {  	v16 =	vshll.u32 v28, $0x7;
	v28 =	vor.u32 v10, v34;
	v40 =	vor.u32 v14, v17;
	[tilespmem:s15+$0xFFFFFFA0] =	vst v26;
	v18 =	vld.idx.msk [tilespmem:v18+s8+$0x0], $0xffff  }
0x358: {  	v17 =	vshll.u32 v39, $0x7;
	v41 =	vor.u32 v2, v16;
	v16 =	vor.u32 v6, v32;
	[tilespmem:s15+$0xFFFFFFC0] =	vst v21  }
0x359: {  	v17 =	vor.u32 v4, v17;
	v21 =	vshll.u32 v22, $0x7;
	v22 =	vshll.u32 v24, $0x7;
	v30 =	vld.idx.msk [tilespmem:v30+s8+$0x0], $0xffff;
	[tilespmem:s15+$0xFFFFFF80] =	vst v20  }
0x35a: {  	v20 =	vshll.u32 v23, $0x7;
	v21 =	vor.u32 v8, v21;
	v23 =	vor.u32 v14, v22;
	v33 =	vld.idx.msk [tilespmem:v19+s8+$0x0], $0xffff;
	[tilespmem:s15+$0xFFFFFFE0] =	vst v25  }
.Ltmp15:
0x35b: {  	v34 =	vor.u32 v0, v37;
	v20 =	vor.u32 v0, v20;
	v19 =	vshll.u32 v36, $0x7;
	v32 =	vld.idx.msk [tilespmem:v35+s8+$0x0], $0xffff;
	[tilespmem:s15+$0x20] =	vst v31;
	(pc) =	sbr.rel @p0 .LBB2_32-.Ltmp15, $4  }
0x35c: {  	v22 =	vshll.u32 v29, $0x7;
	v27 =	vor.u32 v8, v19;
	v24 =	vld.idx.msk [tilespmem:v40+s8+$0x0], $0xffff;
	[tilespmem:s15+$0x30] =	vst v38  }
0x35d: {  	v29 =	vadd.s32 s17, v13;
	v26 =	vor.u32 v4, v22;
	v25 =	vadd.s32 s17, v11;
	v22 =	vld.idx.msk [tilespmem:v28+s8+$0x0], $0xffff;
	[tilespmem:s15+$0xFFFFFFD0] =	vst v18;
	s15 =	smov.u32 s18  }
0x35e: {  	v18 =	vshll.u32 v25, $0x7;
	v25 =	vshll.u32 v29, $0x7;
	v19 =	vld.idx.msk [tilespmem:v41+s8+$0x0], $0xffff  }
0x35f: {  	s17 =	sadd.s32 $0x2, s17;
	v18 =	vor.u32 v10, v18;
	v25 =	vor.u32 v12, v25;
	v23 =	vld.idx.msk [tilespmem:v23+s8+$0x0], $0xffff;
	[tilespmem:s18+$0x10] =	vst v30  }
0x360: {  	_ =	sdelay $0x2  }
0x361: {  	[tilespmem:s15+$0xFFFFFFB0] =	vst v33  }
0x362: {  	v28 =	vld.idx.msk [tilespmem:v34+s8+$0x0], $0xffff;
	[tilespmem:s15+$0x60] =	vst v32  }
0x363: {  	v27 =	vld.idx.msk [tilespmem:v27+s8+$0x0], $0xffff;
	[tilespmem:s15+$0x70] =	vst v24  }
0x364: {  	v61 =	vld.idx.msk [tilespmem:v26+s8+$0x0], $0xffff;
	[tilespmem:s15+$0x50] =	vst v22  }
0x365: {  	v21 =	vld.idx.msk [tilespmem:v21+s8+$0x0], $0xffff;
	[tilespmem:s15+$0xFFFFFF90] =	vst v19  }
0x366: {  	v62 =	vld.idx.msk [tilespmem:v20+s8+$0x0], $0xffff;
	[tilespmem:s15+$0xFFFFFFF0] =	vst v23  }
0x367: {  	v63 =	vld.idx.msk [tilespmem:v25+s8+$0x0], $0xffff;
	[tilespmem:s15+$0x0] =	vst v28  }
0x368: {  	v17 =	vld.idx.msk [tilespmem:v17+s8+$0x0], $0xffff;
	[tilespmem:s15+$0x40] =	vst v27  }
0x369: {  	v16 =	vld.idx.msk [tilespmem:v16+s8+$0x0], $0xffff;
	[tilespmem:s15+$0xFFFFFFA0] =	vst v61  }
0x36a: {  	v18 =	vld.idx.msk [tilespmem:v18+s8+$0x0], $0xffff;
	[tilespmem:s15+$0xFFFFFFC0] =	vst v21  }
0x36b: {  	[tilespmem:s15+$0xFFFFFF80] =	vst v62  }
0x36c: {  	[tilespmem:s15+$0xFFFFFFE0] =	vst v63  }
0x36d: {  	[tilespmem:s15+$0x20] =	vst v17  }
0x36e: {  	[tilespmem:s15+$0x30] =	vst v16  }
0x36f: {  	s14 =	sadd.s32 $0x1, s14;
	[tilespmem:s15+$0xFFFFFFD0] =	vst v18  }
0x370: {  	[hbm4b:s4+s2] =	stream.linear.scatter [tilespmem:s11], [sflag:$0x4], $0x4C00, $0x38;
	[tilespmem:$0x14000] =	vst v63  }
0x371: {  	p0 =	sne.s32 s14, s5;
	_ =	swait.ge [sflag:s12], $0x4C00  }
.Ltmp16:
0x372: {  	[sflag:s12] =	ssyncset.done $0x0;
	(pc) =	sbr.rel @p0 .LBB2_1-.Ltmp16, $4  }
0x373: {  	[sflag:s12] =	ssyncadd.s32 $0xFFFFB400  }
0x374: {  	_ =	swait.ge [sflag:s13], $0x4C00  }
0x375: {  	[sflag:s13] =	ssyncset.done $0x0  }
0x376: {  	[sflag:s13] =	ssyncadd.s32 $0xFFFFB400  }
0x377: {  	_ =	sfence.sel $0x180000  }
0x378: {  	[bflag:$0x0] =	sbarrier.arrive $0xFFFF  }
0x379: {  	_ =	strace $0x90000047  }
0x37a: {  	s0 =	stileid.u32;
	[bflag:$0x2] =	sbarrier.arrive $0xFFFF  }
0x37b: {  	p0 =	sne.s32 s0, $0x0;
	s0 =	rddreg [dreg:$0x2]  }
0x37c: {  	s0 =	sadd.s32 @!p0 $0x100000, s0  }
0x37d: {  	[sflag:s0] =	ssyncadd.tile.s32 @!p0 $0x1;
	_ =	shalt  }
.Lfunc_end2:
_tile_overlayer_lowered:
.L_overlay_start_2:
0x37e: {  	(tag) =	ssettag $0x2  }
0x37f: {  	s0 =	rddreg [dreg:$0x0];
	s2 =	stileid.u32  }
0x380: {  	s1 =	rddreg [dreg:$0x1];
	p0 =	sne.s32 s2, $0x0  }
0x381: {  	s3 =	rddreg [dreg:$0x2];
	[bflag:$0x3] =	sbarrier.arrive $0xFFFF;
	s2 =	simm.s32 @!p0 $0x1C05  }
0x382: {  	[timem:s3], [sflag:s2] =	dma.local @!p0 [hbm:s0], s1  }
0x383: {  	s0 =	simm.s32 @!p0 $0x5  }
0x384: {  	_ =	swait.ge @!p0 [sflag:s0], s1  }
0x385: {  	s1 =	ssub.s32 @!p0 $0x0, s1;
	[sflag:s0] =	ssyncset.done @!p0 $0x0  }
0x386: {  	[sflag:s0] =	ssyncadd.s32 @!p0 s1  }
0x387: {  	[bflag:$0x3] =	sbarrier.arrive $0xFFFF  }
0x388: {  	_ =	shalt  }

</sc_bundles>
